<compile_context>
chip_gen: v7x
topology: tpu7x:2x2x1
jax: 0.10.2.dev20260603
libtpu: 0.0.44.dev20260713+nightly
codegen_flags: <defaults>
</compile_context>

<pallas_src>
import functools

import jax
import jax.numpy as jnp
from jax import lax
from jax.experimental import pallas as pl
from jax.experimental.pallas import tpu as pltpu
from jax.experimental.pallas import tpu_sc as plsc

_VOCAB = 1000
_DMODEL = 128
_BATCH = 4096
_SEQ = 20

_NW = 32
_BB = _BATCH // _NW
_GRP = _BB // 16
_VC = 40
_NCHK = _VOCAB // _VC
_NOB = 4
_TOKW = _SEQ * _BB


def _matmul_body(w_ref, emb_ref, t_ref):
    t_ref[...] = lax.dot_general(
        w_ref[...], emb_ref[...],
        dimension_numbers=(((1,), (1,)), ((), ())),
        preferred_element_type=jnp.float32,
    )


def _fused_table_t(embedding, lm_head_w):
    return pl.pallas_call(
        _matmul_body,
        out_shape=jax.ShapeDtypeStruct((_VOCAB, _VOCAB), jnp.float32),
    )(lm_head_w, embedding)


def _gather_body(t_hbm, ids_hbm, out_hbm, idx_v, tch, obuf, tsem, osem):
    cid = lax.axis_index("c")
    sid = lax.axis_index("s")
    wid = sid * 2 + cid

    pltpu.sync_copy(ids_hbm.at[pl.ds(wid * _TOKW, _TOKW)], idx_v)

    b0 = wid * _BB

    def tch_cp(c, slot):
        return pltpu.make_async_copy(
            t_hbm.at[pl.ds(c * (_VC * _VOCAB), _VC * _VOCAB)],
            tch.at[pl.ds(slot * (_VC * _VOCAB), _VC * _VOCAB)],
            tsem.at[slot],
        )

    def slab_cp(c, l, li):
        return pltpu.make_async_copy(
            obuf.at[li],
            out_hbm.at[pl.ds(l * _VOCAB + c * _VC, _VC), pl.ds(b0, _BB)],
            osem.at[li],
        )

    tch_cp(0, 0).start()

    def chunk_body(c, carry):
        slot = c % 2
        tch_cp(c, slot).wait()

        @pl.when(c < _NCHK - 1)
        def _():
            tch_cp(c + 1, 1 - slot).start()

        sbase = slot * (_VC * _VOCAB)

        def l_block(lb, carry2):
            for li in range(_NOB):
                l = lb * _NOB + li

                @pl.when(jnp.logical_or(c > 0, lb > 0))
                def _():
                    slab_cp(c, l, li).wait()

                for g in range(_GRP):
                    idxv = idx_v[pl.ds(l * _BB + g * 16, 16)] + sbase

                    @plsc.parallel_loop(0, _VC, step=1, unroll=8)
                    def _(vv):
                        obuf[li, vv, pl.ds(g * 16, 16)] = plsc.load_gather(
                            tch, [idxv + vv * _VOCAB]
                        )
                slab_cp(c, l, li).start()
            return carry2

        lax.fori_loop(0, _SEQ // _NOB, l_block, 0, unroll=False)
        return carry

    lax.fori_loop(0, _NCHK, chunk_body, 0, unroll=False)

    for li in range(_NOB):
        slab_cp(_NCHK - 1, (_SEQ // _NOB - 1) * _NOB + li, li).wait()


@functools.partial(
    pl.kernel,
    out_type=jax.ShapeDtypeStruct((_SEQ * _VOCAB, _BATCH), jnp.float32),
    mesh=plsc.VectorSubcoreMesh(core_axis_name="c", subcore_axis_name="s"),
    scratch_types=[
        pltpu.VMEM((_TOKW,), jnp.int32),
        pltpu.VMEM((2 * _VC * _VOCAB,), jnp.float32),
        pltpu.VMEM((_NOB, _VC, _BB), jnp.float32),
        pltpu.SemaphoreType.DMA((2,)),
        pltpu.SemaphoreType.DMA((_NOB,)),
    ],
    compiler_params=pltpu.CompilerParams(needs_layout_passes=False),
)
def _gather_call(t_hbm, ids_hbm, out_hbm, idx_v, tch, obuf, tsem, osem):
    _gather_body(t_hbm, ids_hbm, out_hbm, idx_v, tch, obuf, tsem, osem)


def kernel(input_ids, embedding, lm_head_w):
    t = _fused_table_t(embedding, lm_head_w).reshape(_VOCAB * _VOCAB)
    ids = (
        input_ids.astype(jnp.int32)
        .reshape(_NW, _BB, _SEQ)
        .transpose(0, 2, 1)
        .reshape(_NW * _TOKW)
    )
    out = _gather_call(t, ids)
    return out.reshape(_SEQ, _VOCAB, _BATCH).transpose(2, 0, 1)

# --- scband reference (transcript-rebuilt; emitter-appended) ---
"""Pipeline reference for scband-tiny-backbone-67053029425470 (READ-ONLY COPY).

The authoritative reference and input builder live on the scoring server;
editing this copy changes nothing except your own understanding.
"""

import jax, jax.numpy as jnp
import numpy as np

VOCAB = 1000
D_MODEL = 128
BATCH = 4096
SEQ = 20


def setup_inputs(seed: int = 0) -> dict:
    key = jax.random.key(seed)
    k1, k2, k3 = jax.random.split(key, 3)
    input_ids = jax.random.randint(k1, (BATCH, SEQ), 0, VOCAB, dtype=jnp.int64 if jax.config.jax_enable_x64 else jnp.int32)
    embedding = jax.random.normal(k2, (VOCAB, D_MODEL), dtype=jnp.float32) * 0.02
    lm_head_w = jax.random.normal(k3, (VOCAB, D_MODEL), dtype=jnp.float32) * (1.0 / np.sqrt(D_MODEL))
    return {"input_ids": input_ids, "embedding": embedding, "lm_head_w": lm_head_w}


def reference(input_ids, embedding, lm_head_w):
    # nn.Embedding: gather rows of the table
    emb = jnp.take(embedding, input_ids, axis=0)  # [B, L, d_model]
    # nn.Linear(d_model, vocab, bias=False): x @ W.T with W [vocab, d_model]
    logits = emb @ lm_head_w.T  # [B, L, vocab]
    return logits

if __name__ == "__main__":
    import jax
    _d = setup_inputs()
    print(jax.jit(kernel)(*tuple(_d.values())))

</pallas_src>

<mosaic_0001>
#map = affine_map<(d0, d1) -> (0)>
#map1 = affine_map<(d0, d1) -> (0, 0)>
module attributes {stable_mosaic.version = 14 : i64} {
  func.func @_gather_call(%arg0: i32, %arg1: i32, %arg2: memref<1000000xf32, #tpu.memory_space<hbm>>, %arg3: memref<81920xi32, #tpu.memory_space<hbm>>, %arg4: memref<20000x4096xf32, #tpu.memory_space<hbm>>, %arg5: memref<2560xi32, #tpu.memory_space<vmem>>, %arg6: memref<80000xf32, #tpu.memory_space<vmem>>, %arg7: memref<4x40x128xf32, #tpu.memory_space<vmem>>, %arg8: memref<2x!tpu.dma_semaphore, #tpu.memory_space<semaphore_mem>>, %arg9: memref<4x!tpu.dma_semaphore, #tpu.memory_space<semaphore_mem>>) attributes {dimension_semantics = [#tpu.dimension_semantics<core_parallel>, #tpu.dimension_semantics<subcore_parallel>], iteration_bounds = array<i64: 2, 16>, scalar_prefetch = 0 : i64, scratch_operands = 5 : i64, tpu.core_type = #tpu.core_type<sc_vector_subcore>, window_params = [{transform_indices = #map}, {transform_indices = #map}, {transform_indices = #map1}]} {
    %mul3A = arith.constant 2 : i32
    %mul3A_0 = arith.muli %arg1, %mul3A : i32
    %add3A = arith.addi %mul3A_0, %arg0 : i32
    %mul3A_1 = arith.constant 2560 : i32
    %mul3A_2 = arith.muli %add3A, %mul3A_1 : i32
    "tpu.region"() ({
      %run_scoped3A = tpu.sem_alloc : memref<!tpu.dma_semaphore, #tpu.memory_space<semaphore_mem>>
      %dma_start3A_83 = tpu.memref_slice %arg3[%mul3A_2] : memref<81920xi32, #tpu.memory_space<hbm>> -> memref<2560xi32, #tpu.memory_space<hbm>>
      %dma_start3A_84 = tpu.memref_slice %arg3[%mul3A_2] : memref<81920xi32, #tpu.memory_space<hbm>> -> memref<2560xi32, #tpu.memory_space<hbm>>
      tpu.enqueue_dma source(%dma_start3A_84 : memref<2560xi32, #tpu.memory_space<hbm>>) target(%arg5 : memref<2560xi32, #tpu.memory_space<vmem>>) target_semaphore(%run_scoped3A : memref<!tpu.dma_semaphore, #tpu.memory_space<semaphore_mem>>)
      %dma_wait3A_85 = tpu.memref_slice %arg3[%mul3A_2] : memref<81920xi32, #tpu.memory_space<hbm>> -> memref<2560xi32, #tpu.memory_space<hbm>>
      %dma_wait3A_86 = tpu.memref_slice %arg3[%mul3A_2] : memref<81920xi32, #tpu.memory_space<hbm>> -> memref<2560xi32, #tpu.memory_space<hbm>>
      tpu.wait_dma2 semaphore(%run_scoped3A : memref<!tpu.dma_semaphore, #tpu.memory_space<semaphore_mem>>) src(%dma_wait3A_86 : memref<2560xi32, #tpu.memory_space<hbm>>) dst(%arg5 : memref<2560xi32, #tpu.memory_space<vmem>>)
      tpu.yield
    }) : () -> ()
    %mul3A_3 = arith.constant 128 : i32
    %mul3A_4 = arith.muli %add3A, %mul3A_3 : i32
    %dma_start3A = arith.constant 0 : i32
    %dma_start3A_5 = arith.constant 0 : i32
    %dma_start3A_6 = tpu.memref_slice %arg6[%dma_start3A_5] : memref<80000xf32, #tpu.memory_space<vmem>> -> memref<40000xf32, #tpu.memory_space<vmem>>
    %dma_start3A_7 = arith.constant 0 : i32
    %dma_start3A_8 = tpu.memref_slice %arg2[%dma_start3A_7] : memref<1000000xf32, #tpu.memory_space<hbm>> -> memref<40000xf32, #tpu.memory_space<hbm>>
    %dma_start3A_9 = tpu.memref_slice %arg8[%dma_start3A] : memref<2x!tpu.dma_semaphore, #tpu.memory_space<semaphore_mem>> -> memref<1x!tpu.dma_semaphore, #tpu.memory_space<semaphore_mem>>
    %dma_start3A_10 = tpu.memref_squeeze %dma_start3A_9 : memref<1x!tpu.dma_semaphore, #tpu.memory_space<semaphore_mem>> -> memref<!tpu.dma_semaphore, #tpu.memory_space<semaphore_mem>>
    %dma_start3A_11 = arith.constant 0 : i32
    %dma_start3A_12 = tpu.memref_slice %arg6[%dma_start3A_11] : memref<80000xf32, #tpu.memory_space<vmem>> -> memref<40000xf32, #tpu.memory_space<vmem>>
    %dma_start3A_13 = arith.constant 0 : i32
    %dma_start3A_14 = tpu.memref_slice %arg2[%dma_start3A_13] : memref<1000000xf32, #tpu.memory_space<hbm>> -> memref<40000xf32, #tpu.memory_space<hbm>>
    tpu.enqueue_dma source(%dma_start3A_14 : memref<40000xf32, #tpu.memory_space<hbm>>) target(%dma_start3A_12 : memref<40000xf32, #tpu.memory_space<vmem>>) target_semaphore(%dma_start3A_10 : memref<!tpu.dma_semaphore, #tpu.memory_space<semaphore_mem>>)
    %scan3A = arith.constant 0 : i32
    %scan3A_15 = arith.constant 0 : i32
    %scan3A_16 = arith.constant 25 : i32
    %scan3A_17 = arith.addi %scan3A_15, %scan3A_16 : i32
    %scan3A_18 = arith.constant 1 : i32
    scf.for %scan3A_83 = %scan3A_15 to %scan3A_17 step %scan3A_18  : i32 {
      %jit3A = arith.constant 2 : i32
      %eq3A = arith.constant 0 : i32
      %eq3A_84 = arith.cmpi eq, %jit3A, %eq3A : i32
      %jit3A_85 = arith.constant 1 : i32
      %select_n3A = arith.select %eq3A_84, %jit3A_85, %jit3A : i32
      %rem3A = arith.remsi %scan3A_83, %select_n3A : i32
      %ne3A = arith.constant 0 : i32
      %ne3A_86 = arith.cmpi ne, %rem3A, %ne3A : i32
      %lt3A = arith.constant 0 : i32
      %lt3A_87 = arith.cmpi slt, %rem3A, %lt3A : i32
      %lt3A_88 = arith.constant 0 : i32
      %lt3A_89 = arith.cmpi slt, %select_n3A, %lt3A_88 : i32
      %ne3A_90 = arith.xori %lt3A_87, %lt3A_89 : i1
      %and3A = arith.andi %ne3A_90, %ne3A_86 : i1
      %add3A_91 = arith.addi %rem3A, %select_n3A : i32
      %select_n3A_92 = arith.select %and3A, %add3A_91, %rem3A : i32
      %mul3A_93 = arith.constant 40000 : i32
      %mul3A_94 = arith.muli %scan3A_83, %mul3A_93 : i32
      %mul3A_95 = arith.constant 40000 : i32
      %mul3A_96 = arith.muli %select_n3A_92, %mul3A_95 : i32
      %dma_wait3A_97 = tpu.memref_slice %arg6[%mul3A_96] : memref<80000xf32, #tpu.memory_space<vmem>> -> memref<40000xf32, #tpu.memory_space<vmem>>
      %dma_wait3A_98 = tpu.memref_slice %arg2[%mul3A_94] : memref<1000000xf32, #tpu.memory_space<hbm>> -> memref<40000xf32, #tpu.memory_space<hbm>>
      %dma_wait3A_99 = tpu.memref_slice %arg8[%select_n3A_92] : memref<2x!tpu.dma_semaphore, #tpu.memory_space<semaphore_mem>> -> memref<1x!tpu.dma_semaphore, #tpu.memory_space<semaphore_mem>>
      %dma_wait3A_100 = tpu.memref_squeeze %dma_wait3A_99 : memref<1x!tpu.dma_semaphore, #tpu.memory_space<semaphore_mem>> -> memref<!tpu.dma_semaphore, #tpu.memory_space<semaphore_mem>>
      %dma_wait3A_101 = tpu.memref_slice %arg6[%mul3A_96] : memref<80000xf32, #tpu.memory_space<vmem>> -> memref<40000xf32, #tpu.memory_space<vmem>>
      %dma_wait3A_102 = tpu.memref_slice %arg2[%mul3A_94] : memref<1000000xf32, #tpu.memory_space<hbm>> -> memref<40000xf32, #tpu.memory_space<hbm>>
      tpu.wait_dma2 semaphore(%dma_wait3A_100 : memref<!tpu.dma_semaphore, #tpu.memory_space<semaphore_mem>>) src(%dma_wait3A_102 : memref<40000xf32, #tpu.memory_space<hbm>>) dst(%dma_wait3A_101 : memref<40000xf32, #tpu.memory_space<vmem>>)
      %lt3A_103 = arith.constant 24 : i32
      %lt3A_104 = arith.cmpi slt, %scan3A_83, %lt3A_103 : i32
      %convert_element_type3A = arith.extui %lt3A_104 : i1 to i32
      %cond3A = arith.constant 0 : i32
      %cond3A_105 = arith.cmpi ne, %convert_element_type3A, %cond3A : i32
      scf.if %cond3A_105 {
        %add3A_114 = arith.constant 1 : i32
        %add3A_115 = arith.addi %scan3A_83, %add3A_114 : i32
        %sub3A = arith.constant 1 : i32
        %sub3A_116 = arith.subi %sub3A, %select_n3A_92 : i32
        %mul3A_117 = arith.constant 40000 : i32
        %mul3A_118 = arith.muli %add3A_115, %mul3A_117 : i32
        %mul3A_119 = arith.constant 40000 : i32
        %mul3A_120 = arith.muli %sub3A_116, %mul3A_119 : i32
        %dma_start3A_121 = tpu.memref_slice %arg6[%mul3A_120] : memref<80000xf32, #tpu.memory_space<vmem>> -> memref<40000xf32, #tpu.memory_space<vmem>>
        %dma_start3A_122 = tpu.memref_slice %arg2[%mul3A_118] : memref<1000000xf32, #tpu.memory_space<hbm>> -> memref<40000xf32, #tpu.memory_space<hbm>>
        %dma_start3A_123 = tpu.memref_slice %arg8[%sub3A_116] : memref<2x!tpu.dma_semaphore, #tpu.memory_space<semaphore_mem>> -> memref<1x!tpu.dma_semaphore, #tpu.memory_space<semaphore_mem>>
        %dma_start3A_124 = tpu.memref_squeeze %dma_start3A_123 : memref<1x!tpu.dma_semaphore, #tpu.memory_space<semaphore_mem>> -> memref<!tpu.dma_semaphore, #tpu.memory_space<semaphore_mem>>
        %dma_start3A_125 = tpu.memref_slice %arg6[%mul3A_120] : memref<80000xf32, #tpu.memory_space<vmem>> -> memref<40000xf32, #tpu.memory_space<vmem>>
        %dma_start3A_126 = tpu.memref_slice %arg2[%mul3A_118] : memref<1000000xf32, #tpu.memory_space<hbm>> -> memref<40000xf32, #tpu.memory_space<hbm>>
        tpu.enqueue_dma source(%dma_start3A_126 : memref<40000xf32, #tpu.memory_space<hbm>>) target(%dma_start3A_125 : memref<40000xf32, #tpu.memory_space<vmem>>) target_semaphore(%dma_start3A_124 : memref<!tpu.dma_semaphore, #tpu.memory_space<semaphore_mem>>)
      } else {
      }
      %mul3A_106 = arith.constant 40000 : i32
      %mul3A_107 = arith.muli %select_n3A_92, %mul3A_106 : i32
      %scan3A_108 = arith.constant 0 : i32
      %scan3A_109 = arith.constant 0 : i32
      %scan3A_110 = arith.constant 5 : i32
      %scan3A_111 = arith.addi %scan3A_109, %scan3A_110 : i32
      %scan3A_112 = arith.constant 1 : i32
      scf.for %scan3A_114 = %scan3A_109 to %scan3A_111 step %scan3A_112  : i32 {
        %mul3A_115 = arith.constant 4 : i32
        %mul3A_116 = arith.muli %scan3A_114, %mul3A_115 : i32
        %add3A_117 = arith.constant 0 : i32
        %add3A_118 = arith.addi %mul3A_116, %add3A_117 : i32
        %gt3A = arith.constant 0 : i32
        %gt3A_119 = arith.cmpi sgt, %scan3A_83, %gt3A : i32
        %gt3A_120 = arith.constant 0 : i32
        %gt3A_121 = arith.cmpi sgt, %scan3A_114, %gt3A_120 : i32
        %or3A = arith.ori %gt3A_119, %gt3A_121 : i1
        %convert_element_type3A_122 = arith.extui %or3A : i1 to i32
        %cond3A_123 = arith.constant 0 : i32
        %cond3A_124 = arith.cmpi ne, %convert_element_type3A_122, %cond3A_123 : i32
        scf.if %cond3A_124 {
          %mul3A_587 = arith.constant 1000 : i32
          %mul3A_588 = arith.muli %add3A_118, %mul3A_587 : i32
          %mul3A_589 = arith.constant 40 : i32
          %mul3A_590 = arith.muli %scan3A_83, %mul3A_589 : i32
          %add3A_591 = arith.addi %mul3A_588, %mul3A_590 : i32
          %dma_wait3A_592 = arith.constant 0 : i32
          %dma_wait3A_593 = arith.constant 0 : i32
          %dma_wait3A_594 = arith.constant 0 : i32
          %dma_wait3A_595 = arith.constant 0 : i32
          %dma_wait3A_596 = tpu.memref_slice %arg7[%dma_wait3A_592, %dma_wait3A_594, %dma_wait3A_595] : memref<4x40x128xf32, #tpu.memory_space<vmem>> -> memref<1x40x128xf32, #tpu.memory_space<vmem>>
          %dma_wait3A_597 = tpu.memref_squeeze %dma_wait3A_596 : memref<1x40x128xf32, #tpu.memory_space<vmem>> -> memref<40x128xf32, #tpu.memory_space<vmem>>
          %dma_wait3A_598 = tpu.memref_slice %arg4[%add3A_591, %mul3A_4] : memref<20000x4096xf32, #tpu.memory_space<hbm>> -> memref<40x128xf32, #tpu.memory_space<hbm>>
          %dma_wait3A_599 = tpu.memref_slice %arg9[%dma_wait3A_593] : memref<4x!tpu.dma_semaphore, #tpu.memory_space<semaphore_mem>> -> memref<1x!tpu.dma_semaphore, #tpu.memory_space<semaphore_mem>>
          %dma_wait3A_600 = tpu.memref_squeeze %dma_wait3A_599 : memref<1x!tpu.dma_semaphore, #tpu.memory_space<semaphore_mem>> -> memref<!tpu.dma_semaphore, #tpu.memory_space<semaphore_mem>>
          %dma_wait3A_601 = tpu.memref_slice %arg4[%add3A_591, %mul3A_4] : memref<20000x4096xf32, #tpu.memory_space<hbm>> -> memref<40x128xf32, #tpu.memory_space<hbm>>
          %dma_wait3A_602 = arith.constant 0 : i32
          %dma_wait3A_603 = arith.constant 0 : i32
          %dma_wait3A_604 = tpu.memref_slice %arg7[%dma_wait3A_592, %dma_wait3A_602, %dma_wait3A_603] : memref<4x40x128xf32, #tpu.memory_space<vmem>> -> memref<1x40x128xf32, #tpu.memory_space<vmem>>
          %dma_wait3A_605 = tpu.memref_squeeze %dma_wait3A_604 : memref<1x40x128xf32, #tpu.memory_space<vmem>> -> memref<40x128xf32, #tpu.memory_space<vmem>>
          tpu.wait_dma2 semaphore(%dma_wait3A_600 : memref<!tpu.dma_semaphore, #tpu.memory_space<semaphore_mem>>) src(%dma_wait3A_605 : memref<40x128xf32, #tpu.memory_space<vmem>>) dst(%dma_wait3A_601 : memref<40x128xf32, #tpu.memory_space<hbm>>)
        } else {
        }
        %mul3A_125 = arith.constant 128 : i32
        %mul3A_126 = arith.muli %add3A_118, %mul3A_125 : i32
        %add3A_127 = arith.constant 0 : i32
        %add3A_128 = arith.addi %mul3A_126, %add3A_127 : i32
        %get3A = arith.index_cast %add3A_128 : i32 to index
        %get3A_129 = tpu.vector_load %arg5[%get3A] {strides = array<i32>} : memref<2560xi32, #tpu.memory_space<vmem>>, vector<16xi32>,
        %add3A_130 = vector.broadcast %mul3A_107 : i32 to vector<16xi32>
        %add3A_131 = arith.addi %get3A_129, %add3A_130 : vector<16xi32>
        %parallel_loop3A = arith.constant 0 : i32
        %parallel_loop3A_132 = arith.constant 40 : i32
        %parallel_loop3A_133 = arith.constant 1 : i32
        scf.for %parallel_loop3A_587 = %parallel_loop3A to %parallel_loop3A_132 step %parallel_loop3A_133  : i32 {
          %parallel_loop3A_588 = arith.constant 1000 : i32
          %parallel_loop3A_589 = arith.muli %parallel_loop3A_587, %parallel_loop3A_588 : i32
          %parallel_loop3A_590 = vector.broadcast %parallel_loop3A_589 : i32 to vector<16xi32>
          %parallel_loop3A_591 = arith.addi %add3A_131, %parallel_loop3A_590 : vector<16xi32>
          %parallel_loop3A_592 = tpu.vector_load_idx %arg6[%parallel_loop3A_591] : memref<80000xf32, #tpu.memory_space<vmem>>[vector<16xi32>], vector<16xf32>,
          %parallel_loop3A_593 = arith.constant 0 : i32
          %parallel_loop3A_594 = arith.index_cast %parallel_loop3A_593 : i32 to index
          %parallel_loop3A_595 = arith.index_cast %parallel_loop3A_587 : i32 to index
          %parallel_loop3A_596 = arith.constant 0 : index
          %parallel_loop3A_597 = tpu.vector_load %arg7[%parallel_loop3A_594, %parallel_loop3A_595, %parallel_loop3A_596] {strides = array<i32>} : memref<4x40x128xf32, #tpu.memory_space<vmem>>, vector<16xf32>,
          tpu.vector_store %arg7[%parallel_loop3A_594, %parallel_loop3A_595, %parallel_loop3A_596], %parallel_loop3A_592 {strides = array<i32>} : memref<4x40x128xf32, #tpu.memory_space<vmem>>, vector<16xf32>,
        } {sc.loop_unroll_factor = 8 : i64, sc.parallel_access}
        %mul3A_134 = arith.constant 128 : i32
        %mul3A_135 = arith.muli %add3A_118, %mul3A_134 : i32
        %add3A_136 = arith.constant 16 : i32
        %add3A_137 = arith.addi %mul3A_135, %add3A_136 : i32
        %get3A_138 = arith.index_cast %add3A_137 : i32 to index
        %get3A_139 = tpu.vector_load %arg5[%get3A_138] {strides = array<i32>} : memref<2560xi32, #tpu.memory_space<vmem>>, vector<16xi32>,
        %add3A_140 = vector.broadcast %mul3A_107 : i32 to vector<16xi32>
        %add3A_141 = arith.addi %get3A_139, %add3A_140 : vector<16xi32>
        %parallel_loop3A_142 = arith.constant 0 : i32
        %parallel_loop3A_143 = arith.constant 40 : i32
        %parallel_loop3A_144 = arith.constant 1 : i32
        scf.for %parallel_loop3A_587 = %parallel_loop3A_142 to %parallel_loop3A_143 step %parallel_loop3A_144  : i32 {
          %parallel_loop3A_588 = arith.constant 1000 : i32
          %parallel_loop3A_589 = arith.muli %parallel_loop3A_587, %parallel_loop3A_588 : i32
          %parallel_loop3A_590 = vector.broadcast %parallel_loop3A_589 : i32 to vector<16xi32>
          %parallel_loop3A_591 = arith.addi %add3A_141, %parallel_loop3A_590 : vector<16xi32>
          %parallel_loop3A_592 = tpu.vector_load_idx %arg6[%parallel_loop3A_591] : memref<80000xf32, #tpu.memory_space<vmem>>[vector<16xi32>], vector<16xf32>,
          %parallel_loop3A_593 = arith.constant 0 : i32
          %parallel_loop3A_594 = arith.index_cast %parallel_loop3A_593 : i32 to index
          %parallel_loop3A_595 = arith.index_cast %parallel_loop3A_587 : i32 to index
          %parallel_loop3A_596 = arith.constant 16 : index
          %parallel_loop3A_597 = tpu.vector_load %arg7[%parallel_loop3A_594, %parallel_loop3A_595, %parallel_loop3A_596] {strides = array<i32>} : memref<4x40x128xf32, #tpu.memory_space<vmem>>, vector<16xf32>,
          tpu.vector_store %arg7[%parallel_loop3A_594, %parallel_loop3A_595, %parallel_loop3A_596], %parallel_loop3A_592 {strides = array<i32>} : memref<4x40x128xf32, #tpu.memory_space<vmem>>, vector<16xf32>,
        } {sc.loop_unroll_factor = 8 : i64, sc.parallel_access}
        %mul3A_145 = arith.constant 128 : i32
        %mul3A_146 = arith.muli %add3A_118, %mul3A_145 : i32
        %add3A_147 = arith.constant 32 : i32
        %add3A_148 = arith.addi %mul3A_146, %add3A_147 : i32
        %get3A_149 = arith.index_cast %add3A_148 : i32 to index
        %get3A_150 = tpu.vector_load %arg5[%get3A_149] {strides = array<i32>} : memref<2560xi32, #tpu.memory_space<vmem>>, vector<16xi32>,
        %add3A_151 = vector.broadcast %mul3A_107 : i32 to vector<16xi32>
        %add3A_152 = arith.addi %get3A_150, %add3A_151 : vector<16xi32>
        %parallel_loop3A_153 = arith.constant 0 : i32
        %parallel_loop3A_154 = arith.constant 40 : i32
        %parallel_loop3A_155 = arith.constant 1 : i32
        scf.for %parallel_loop3A_587 = %parallel_loop3A_153 to %parallel_loop3A_154 step %parallel_loop3A_155  : i32 {
          %parallel_loop3A_588 = arith.constant 1000 : i32
          %parallel_loop3A_589 = arith.muli %parallel_loop3A_587, %parallel_loop3A_588 : i32
          %parallel_loop3A_590 = vector.broadcast %parallel_loop3A_589 : i32 to vector<16xi32>
          %parallel_loop3A_591 = arith.addi %add3A_152, %parallel_loop3A_590 : vector<16xi32>
          %parallel_loop3A_592 = tpu.vector_load_idx %arg6[%parallel_loop3A_591] : memref<80000xf32, #tpu.memory_space<vmem>>[vector<16xi32>], vector<16xf32>,
          %parallel_loop3A_593 = arith.constant 0 : i32
          %parallel_loop3A_594 = arith.index_cast %parallel_loop3A_593 : i32 to index
          %parallel_loop3A_595 = arith.index_cast %parallel_loop3A_587 : i32 to index
          %parallel_loop3A_596 = arith.constant 32 : index
          %parallel_loop3A_597 = tpu.vector_load %arg7[%parallel_loop3A_594, %parallel_loop3A_595, %parallel_loop3A_596] {strides = array<i32>} : memref<4x40x128xf32, #tpu.memory_space<vmem>>, vector<16xf32>,
          tpu.vector_store %arg7[%parallel_loop3A_594, %parallel_loop3A_595, %parallel_loop3A_596], %parallel_loop3A_592 {strides = array<i32>} : memref<4x40x128xf32, #tpu.memory_space<vmem>>, vector<16xf32>,
        } {sc.loop_unroll_factor = 8 : i64, sc.parallel_access}
        %mul3A_156 = arith.constant 128 : i32
        %mul3A_157 = arith.muli %add3A_118, %mul3A_156 : i32
        %add3A_158 = arith.constant 48 : i32
        %add3A_159 = arith.addi %mul3A_157, %add3A_158 : i32
        %get3A_160 = arith.index_cast %add3A_159 : i32 to index
        %get3A_161 = tpu.vector_load %arg5[%get3A_160] {strides = array<i32>} : memref<2560xi32, #tpu.memory_space<vmem>>, vector<16xi32>,
        %add3A_162 = vector.broadcast %mul3A_107 : i32 to vector<16xi32>
        %add3A_163 = arith.addi %get3A_161, %add3A_162 : vector<16xi32>
        %parallel_loop3A_164 = arith.constant 0 : i32
        %parallel_loop3A_165 = arith.constant 40 : i32
        %parallel_loop3A_166 = arith.constant 1 : i32
        scf.for %parallel_loop3A_587 = %parallel_loop3A_164 to %parallel_loop3A_165 step %parallel_loop3A_166  : i32 {
          %parallel_loop3A_588 = arith.constant 1000 : i32
          %parallel_loop3A_589 = arith.muli %parallel_loop3A_587, %parallel_loop3A_588 : i32
          %parallel_loop3A_590 = vector.broadcast %parallel_loop3A_589 : i32 to vector<16xi32>
          %parallel_loop3A_591 = arith.addi %add3A_163, %parallel_loop3A_590 : vector<16xi32>
          %parallel_loop3A_592 = tpu.vector_load_idx %arg6[%parallel_loop3A_591] : memref<80000xf32, #tpu.memory_space<vmem>>[vector<16xi32>], vector<16xf32>,
          %parallel_loop3A_593 = arith.constant 0 : i32
          %parallel_loop3A_594 = arith.index_cast %parallel_loop3A_593 : i32 to index
          %parallel_loop3A_595 = arith.index_cast %parallel_loop3A_587 : i32 to index
          %parallel_loop3A_596 = arith.constant 48 : index
          %parallel_loop3A_597 = tpu.vector_load %arg7[%parallel_loop3A_594, %parallel_loop3A_595, %parallel_loop3A_596] {strides = array<i32>} : memref<4x40x128xf32, #tpu.memory_space<vmem>>, vector<16xf32>,
          tpu.vector_store %arg7[%parallel_loop3A_594, %parallel_loop3A_595, %parallel_loop3A_596], %parallel_loop3A_592 {strides = array<i32>} : memref<4x40x128xf32, #tpu.memory_space<vmem>>, vector<16xf32>,
        } {sc.loop_unroll_factor = 8 : i64, sc.parallel_access}
        %mul3A_167 = arith.constant 128 : i32
        %mul3A_168 = arith.muli %add3A_118, %mul3A_167 : i32
        %add3A_169 = arith.constant 64 : i32
        %add3A_170 = arith.addi %mul3A_168, %add3A_169 : i32
        %get3A_171 = arith.index_cast %add3A_170 : i32 to index
        %get3A_172 = tpu.vector_load %arg5[%get3A_171] {strides = array<i32>} : memref<2560xi32, #tpu.memory_space<vmem>>, vector<16xi32>,
        %add3A_173 = vector.broadcast %mul3A_107 : i32 to vector<16xi32>
        %add3A_174 = arith.addi %get3A_172, %add3A_173 : vector<16xi32>
        %parallel_loop3A_175 = arith.constant 0 : i32
        %parallel_loop3A_176 = arith.constant 40 : i32
        %parallel_loop3A_177 = arith.constant 1 : i32
        scf.for %parallel_loop3A_587 = %parallel_loop3A_175 to %parallel_loop3A_176 step %parallel_loop3A_177  : i32 {
          %parallel_loop3A_588 = arith.constant 1000 : i32
          %parallel_loop3A_589 = arith.muli %parallel_loop3A_587, %parallel_loop3A_588 : i32
          %parallel_loop3A_590 = vector.broadcast %parallel_loop3A_589 : i32 to vector<16xi32>
          %parallel_loop3A_591 = arith.addi %add3A_174, %parallel_loop3A_590 : vector<16xi32>
          %parallel_loop3A_592 = tpu.vector_load_idx %arg6[%parallel_loop3A_591] : memref<80000xf32, #tpu.memory_space<vmem>>[vector<16xi32>], vector<16xf32>,
          %parallel_loop3A_593 = arith.constant 0 : i32
          %parallel_loop3A_594 = arith.index_cast %parallel_loop3A_593 : i32 to index
          %parallel_loop3A_595 = arith.index_cast %parallel_loop3A_587 : i32 to index
          %parallel_loop3A_596 = arith.constant 64 : index
          %parallel_loop3A_597 = tpu.vector_load %arg7[%parallel_loop3A_594, %parallel_loop3A_595, %parallel_loop3A_596] {strides = array<i32>} : memref<4x40x128xf32, #tpu.memory_space<vmem>>, vector<16xf32>,
          tpu.vector_store %arg7[%parallel_loop3A_594, %parallel_loop3A_595, %parallel_loop3A_596], %parallel_loop3A_592 {strides = array<i32>} : memref<4x40x128xf32, #tpu.memory_space<vmem>>, vector<16xf32>,
        } {sc.loop_unroll_factor = 8 : i64, sc.parallel_access}
        %mul3A_178 = arith.constant 128 : i32
        %mul3A_179 = arith.muli %add3A_118, %mul3A_178 : i32
        %add3A_180 = arith.constant 80 : i32
        %add3A_181 = arith.addi %mul3A_179, %add3A_180 : i32
        %get3A_182 = arith.index_cast %add3A_181 : i32 to index
        %get3A_183 = tpu.vector_load %arg5[%get3A_182] {strides = array<i32>} : memref<2560xi32, #tpu.memory_space<vmem>>, vector<16xi32>,
        %add3A_184 = vector.broadcast %mul3A_107 : i32 to vector<16xi32>
        %add3A_185 = arith.addi %get3A_183, %add3A_184 : vector<16xi32>
        %parallel_loop3A_186 = arith.constant 0 : i32
        %parallel_loop3A_187 = arith.constant 40 : i32
        %parallel_loop3A_188 = arith.constant 1 : i32
        scf.for %parallel_loop3A_587 = %parallel_loop3A_186 to %parallel_loop3A_187 step %parallel_loop3A_188  : i32 {
          %parallel_loop3A_588 = arith.constant 1000 : i32
          %parallel_loop3A_589 = arith.muli %parallel_loop3A_587, %parallel_loop3A_588 : i32
          %parallel_loop3A_590 = vector.broadcast %parallel_loop3A_589 : i32 to vector<16xi32>
          %parallel_loop3A_591 = arith.addi %add3A_185, %parallel_loop3A_590 : vector<16xi32>
          %parallel_loop3A_592 = tpu.vector_load_idx %arg6[%parallel_loop3A_591] : memref<80000xf32, #tpu.memory_space<vmem>>[vector<16xi32>], vector<16xf32>,
          %parallel_loop3A_593 = arith.constant 0 : i32
          %parallel_loop3A_594 = arith.index_cast %parallel_loop3A_593 : i32 to index
          %parallel_loop3A_595 = arith.index_cast %parallel_loop3A_587 : i32 to index
          %parallel_loop3A_596 = arith.constant 80 : index
          %parallel_loop3A_597 = tpu.vector_load %arg7[%parallel_loop3A_594, %parallel_loop3A_595, %parallel_loop3A_596] {strides = array<i32>} : memref<4x40x128xf32, #tpu.memory_space<vmem>>, vector<16xf32>,
          tpu.vector_store %arg7[%parallel_loop3A_594, %parallel_loop3A_595, %parallel_loop3A_596], %parallel_loop3A_592 {strides = array<i32>} : memref<4x40x128xf32, #tpu.memory_space<vmem>>, vector<16xf32>,
        } {sc.loop_unroll_factor = 8 : i64, sc.parallel_access}
        %mul3A_189 = arith.constant 128 : i32
        %mul3A_190 = arith.muli %add3A_118, %mul3A_189 : i32
        %add3A_191 = arith.constant 96 : i32
        %add3A_192 = arith.addi %mul3A_190, %add3A_191 : i32
        %get3A_193 = arith.index_cast %add3A_192 : i32 to index
        %get3A_194 = tpu.vector_load %arg5[%get3A_193] {strides = array<i32>} : memref<2560xi32, #tpu.memory_space<vmem>>, vector<16xi32>,
        %add3A_195 = vector.broadcast %mul3A_107 : i32 to vector<16xi32>
        %add3A_196 = arith.addi %get3A_194, %add3A_195 : vector<16xi32>
        %parallel_loop3A_197 = arith.constant 0 : i32
        %parallel_loop3A_198 = arith.constant 40 : i32
        %parallel_loop3A_199 = arith.constant 1 : i32
        scf.for %parallel_loop3A_587 = %parallel_loop3A_197 to %parallel_loop3A_198 step %parallel_loop3A_199  : i32 {
          %parallel_loop3A_588 = arith.constant 1000 : i32
          %parallel_loop3A_589 = arith.muli %parallel_loop3A_587, %parallel_loop3A_588 : i32
          %parallel_loop3A_590 = vector.broadcast %parallel_loop3A_589 : i32 to vector<16xi32>
          %parallel_loop3A_591 = arith.addi %add3A_196, %parallel_loop3A_590 : vector<16xi32>
          %parallel_loop3A_592 = tpu.vector_load_idx %arg6[%parallel_loop3A_591] : memref<80000xf32, #tpu.memory_space<vmem>>[vector<16xi32>], vector<16xf32>,
          %parallel_loop3A_593 = arith.constant 0 : i32
          %parallel_loop3A_594 = arith.index_cast %parallel_loop3A_593 : i32 to index
          %parallel_loop3A_595 = arith.index_cast %parallel_loop3A_587 : i32 to index
          %parallel_loop3A_596 = arith.constant 96 : index
          %parallel_loop3A_597 = tpu.vector_load %arg7[%parallel_loop3A_594, %parallel_loop3A_595, %parallel_loop3A_596] {strides = array<i32>} : memref<4x40x128xf32, #tpu.memory_space<vmem>>, vector<16xf32>,
          tpu.vector_store %arg7[%parallel_loop3A_594, %parallel_loop3A_595, %parallel_loop3A_596], %parallel_loop3A_592 {strides = array<i32>} : memref<4x40x128xf32, #tpu.memory_space<vmem>>, vector<16xf32>,
        } {sc.loop_unroll_factor = 8 : i64, sc.parallel_access}
        %mul3A_200 = arith.constant 128 : i32
        %mul3A_201 = arith.muli %add3A_118, %mul3A_200 : i32
        %add3A_202 = arith.constant 112 : i32
        %add3A_203 = arith.addi %mul3A_201, %add3A_202 : i32
        %get3A_204 = arith.index_cast %add3A_203 : i32 to index
        %get3A_205 = tpu.vector_load %arg5[%get3A_204] {strides = array<i32>} : memref<2560xi32, #tpu.memory_space<vmem>>, vector<16xi32>,
        %add3A_206 = vector.broadcast %mul3A_107 : i32 to vector<16xi32>
        %add3A_207 = arith.addi %get3A_205, %add3A_206 : vector<16xi32>
        %parallel_loop3A_208 = arith.constant 0 : i32
        %parallel_loop3A_209 = arith.constant 40 : i32
        %parallel_loop3A_210 = arith.constant 1 : i32
        scf.for %parallel_loop3A_587 = %parallel_loop3A_208 to %parallel_loop3A_209 step %parallel_loop3A_210  : i32 {
          %parallel_loop3A_588 = arith.constant 1000 : i32
          %parallel_loop3A_589 = arith.muli %parallel_loop3A_587, %parallel_loop3A_588 : i32
          %parallel_loop3A_590 = vector.broadcast %parallel_loop3A_589 : i32 to vector<16xi32>
          %parallel_loop3A_591 = arith.addi %add3A_207, %parallel_loop3A_590 : vector<16xi32>
          %parallel_loop3A_592 = tpu.vector_load_idx %arg6[%parallel_loop3A_591] : memref<80000xf32, #tpu.memory_space<vmem>>[vector<16xi32>], vector<16xf32>,
          %parallel_loop3A_593 = arith.constant 0 : i32
          %parallel_loop3A_594 = arith.index_cast %parallel_loop3A_593 : i32 to index
          %parallel_loop3A_595 = arith.index_cast %parallel_loop3A_587 : i32 to index
          %parallel_loop3A_596 = arith.constant 112 : index
          %parallel_loop3A_597 = tpu.vector_load %arg7[%parallel_loop3A_594, %parallel_loop3A_595, %parallel_loop3A_596] {strides = array<i32>} : memref<4x40x128xf32, #tpu.memory_space<vmem>>, vector<16xf32>,
          tpu.vector_store %arg7[%parallel_loop3A_594, %parallel_loop3A_595, %parallel_loop3A_596], %parallel_loop3A_592 {strides = array<i32>} : memref<4x40x128xf32, #tpu.memory_space<vmem>>, vector<16xf32>,
        } {sc.loop_unroll_factor = 8 : i64, sc.parallel_access}
        %mul3A_211 = arith.constant 1000 : i32
        %mul3A_212 = arith.muli %add3A_118, %mul3A_211 : i32
        %mul3A_213 = arith.constant 40 : i32
        %mul3A_214 = arith.muli %scan3A_83, %mul3A_213 : i32
        %add3A_215 = arith.addi %mul3A_212, %mul3A_214 : i32
        %dma_start3A_216 = arith.constant 0 : i32
        %dma_start3A_217 = arith.constant 0 : i32
        %dma_start3A_218 = arith.constant 0 : i32
        %dma_start3A_219 = arith.constant 0 : i32
        %dma_start3A_220 = tpu.memref_slice %arg7[%dma_start3A_216, %dma_start3A_218, %dma_start3A_219] : memref<4x40x128xf32, #tpu.memory_space<vmem>> -> memref<1x40x128xf32, #tpu.memory_space<vmem>>
        %dma_start3A_221 = tpu.memref_squeeze %dma_start3A_220 : memref<1x40x128xf32, #tpu.memory_space<vmem>> -> memref<40x128xf32, #tpu.memory_space<vmem>>
        %dma_start3A_222 = tpu.memref_slice %arg4[%add3A_215, %mul3A_4] : memref<20000x4096xf32, #tpu.memory_space<hbm>> -> memref<40x128xf32, #tpu.memory_space<hbm>>
        %dma_start3A_223 = tpu.memref_slice %arg9[%dma_start3A_217] : memref<4x!tpu.dma_semaphore, #tpu.memory_space<semaphore_mem>> -> memref<1x!tpu.dma_semaphore, #tpu.memory_space<semaphore_mem>>
        %dma_start3A_224 = tpu.memref_squeeze %dma_start3A_223 : memref<1x!tpu.dma_semaphore, #tpu.memory_space<semaphore_mem>> -> memref<!tpu.dma_semaphore, #tpu.memory_space<semaphore_mem>>
        %dma_start3A_225 = tpu.memref_slice %arg4[%add3A_215, %mul3A_4] : memref<20000x4096xf32, #tpu.memory_space<hbm>> -> memref<40x128xf32, #tpu.memory_space<hbm>>
        %dma_start3A_226 = arith.constant 0 : i32
        %dma_start3A_227 = arith.constant 0 : i32
        %dma_start3A_228 = tpu.memref_slice %arg7[%dma_start3A_216, %dma_start3A_226, %dma_start3A_227] : memref<4x40x128xf32, #tpu.memory_space<vmem>> -> memref<1x40x128xf32, #tpu.memory_space<vmem>>
        %dma_start3A_229 = tpu.memref_squeeze %dma_start3A_228 : memref<1x40x128xf32, #tpu.memory_space<vmem>> -> memref<40x128xf32, #tpu.memory_space<vmem>>
        tpu.enqueue_dma source(%dma_start3A_229 : memref<40x128xf32, #tpu.memory_space<vmem>>) target(%dma_start3A_225 : memref<40x128xf32, #tpu.memory_space<hbm>>) target_semaphore(%dma_start3A_224 : memref<!tpu.dma_semaphore, #tpu.memory_space<semaphore_mem>>)
        %mul3A_230 = arith.constant 4 : i32
        %mul3A_231 = arith.muli %scan3A_114, %mul3A_230 : i32
        %add3A_232 = arith.constant 1 : i32
        %add3A_233 = arith.addi %mul3A_231, %add3A_232 : i32
        %gt3A_234 = arith.constant 0 : i32
        %gt3A_235 = arith.cmpi sgt, %scan3A_83, %gt3A_234 : i32
        %gt3A_236 = arith.constant 0 : i32
        %gt3A_237 = arith.cmpi sgt, %scan3A_114, %gt3A_236 : i32
        %or3A_238 = arith.ori %gt3A_235, %gt3A_237 : i1
        %convert_element_type3A_239 = arith.extui %or3A_238 : i1 to i32
        %cond3A_240 = arith.constant 0 : i32
        %cond3A_241 = arith.cmpi ne, %convert_element_type3A_239, %cond3A_240 : i32
        scf.if %cond3A_241 {
          %mul3A_587 = arith.constant 1000 : i32
          %mul3A_588 = arith.muli %add3A_233, %mul3A_587 : i32
          %mul3A_589 = arith.constant 40 : i32
          %mul3A_590 = arith.muli %scan3A_83, %mul3A_589 : i32
          %add3A_591 = arith.addi %mul3A_588, %mul3A_590 : i32
          %dma_wait3A_592 = arith.constant 1 : i32
          %dma_wait3A_593 = arith.constant 1 : i32
          %dma_wait3A_594 = arith.constant 0 : i32
          %dma_wait3A_595 = arith.constant 0 : i32
          %dma_wait3A_596 = tpu.memref_slice %arg7[%dma_wait3A_592, %dma_wait3A_594, %dma_wait3A_595] : memref<4x40x128xf32, #tpu.memory_space<vmem>> -> memref<1x40x128xf32, #tpu.memory_space<vmem>>
          %dma_wait3A_597 = tpu.memref_squeeze %dma_wait3A_596 : memref<1x40x128xf32, #tpu.memory_space<vmem>> -> memref<40x128xf32, #tpu.memory_space<vmem>>
          %dma_wait3A_598 = tpu.memref_slice %arg4[%add3A_591, %mul3A_4] : memref<20000x4096xf32, #tpu.memory_space<hbm>> -> memref<40x128xf32, #tpu.memory_space<hbm>>
          %dma_wait3A_599 = tpu.memref_slice %arg9[%dma_wait3A_593] : memref<4x!tpu.dma_semaphore, #tpu.memory_space<semaphore_mem>> -> memref<1x!tpu.dma_semaphore, #tpu.memory_space<semaphore_mem>>
          %dma_wait3A_600 = tpu.memref_squeeze %dma_wait3A_599 : memref<1x!tpu.dma_semaphore, #tpu.memory_space<semaphore_mem>> -> memref<!tpu.dma_semaphore, #tpu.memory_space<semaphore_mem>>
          %dma_wait3A_601 = tpu.memref_slice %arg4[%add3A_591, %mul3A_4] : memref<20000x4096xf32, #tpu.memory_space<hbm>> -> memref<40x128xf32, #tpu.memory_space<hbm>>
          %dma_wait3A_602 = arith.constant 0 : i32
          %dma_wait3A_603 = arith.constant 0 : i32
          %dma_wait3A_604 = tpu.memref_slice %arg7[%dma_wait3A_592, %dma_wait3A_602, %dma_wait3A_603] : memref<4x40x128xf32, #tpu.memory_space<vmem>> -> memref<1x40x128xf32, #tpu.memory_space<vmem>>
          %dma_wait3A_605 = tpu.memref_squeeze %dma_wait3A_604 : memref<1x40x128xf32, #tpu.memory_space<vmem>> -> memref<40x128xf32, #tpu.memory_space<vmem>>
          tpu.wait_dma2 semaphore(%dma_wait3A_600 : memref<!tpu.dma_semaphore, #tpu.memory_space<semaphore_mem>>) src(%dma_wait3A_605 : memref<40x128xf32, #tpu.memory_space<vmem>>) dst(%dma_wait3A_601 : memref<40x128xf32, #tpu.memory_space<hbm>>)
        } else {
        }
        %mul3A_242 = arith.constant 128 : i32
        %mul3A_243 = arith.muli %add3A_233, %mul3A_242 : i32
        %add3A_244 = arith.constant 0 : i32
        %add3A_245 = arith.addi %mul3A_243, %add3A_244 : i32
        %get3A_246 = arith.index_cast %add3A_245 : i32 to index
        %get3A_247 = tpu.vector_load %arg5[%get3A_246] {strides = array<i32>} : memref<2560xi32, #tpu.memory_space<vmem>>, vector<16xi32>,
        %add3A_248 = vector.broadcast %mul3A_107 : i32 to vector<16xi32>
        %add3A_249 = arith.addi %get3A_247, %add3A_248 : vector<16xi32>
        %parallel_loop3A_250 = arith.constant 0 : i32
        %parallel_loop3A_251 = arith.constant 40 : i32
        %parallel_loop3A_252 = arith.constant 1 : i32
        scf.for %parallel_loop3A_587 = %parallel_loop3A_250 to %parallel_loop3A_251 step %parallel_loop3A_252  : i32 {
          %parallel_loop3A_588 = arith.constant 1000 : i32
          %parallel_loop3A_589 = arith.muli %parallel_loop3A_587, %parallel_loop3A_588 : i32
          %parallel_loop3A_590 = vector.broadcast %parallel_loop3A_589 : i32 to vector<16xi32>
          %parallel_loop3A_591 = arith.addi %add3A_249, %parallel_loop3A_590 : vector<16xi32>
          %parallel_loop3A_592 = tpu.vector_load_idx %arg6[%parallel_loop3A_591] : memref<80000xf32, #tpu.memory_space<vmem>>[vector<16xi32>], vector<16xf32>,
          %parallel_loop3A_593 = arith.constant 1 : i32
          %parallel_loop3A_594 = arith.index_cast %parallel_loop3A_593 : i32 to index
          %parallel_loop3A_595 = arith.index_cast %parallel_loop3A_587 : i32 to index
          %parallel_loop3A_596 = arith.constant 0 : index
          %parallel_loop3A_597 = tpu.vector_load %arg7[%parallel_loop3A_594, %parallel_loop3A_595, %parallel_loop3A_596] {strides = array<i32>} : memref<4x40x128xf32, #tpu.memory_space<vmem>>, vector<16xf32>,
          tpu.vector_store %arg7[%parallel_loop3A_594, %parallel_loop3A_595, %parallel_loop3A_596], %parallel_loop3A_592 {strides = array<i32>} : memref<4x40x128xf32, #tpu.memory_space<vmem>>, vector<16xf32>,
        } {sc.loop_unroll_factor = 8 : i64, sc.parallel_access}
        %mul3A_253 = arith.constant 128 : i32
        %mul3A_254 = arith.muli %add3A_233, %mul3A_253 : i32
        %add3A_255 = arith.constant 16 : i32
        %add3A_256 = arith.addi %mul3A_254, %add3A_255 : i32
        %get3A_257 = arith.index_cast %add3A_256 : i32 to index
        %get3A_258 = tpu.vector_load %arg5[%get3A_257] {strides = array<i32>} : memref<2560xi32, #tpu.memory_space<vmem>>, vector<16xi32>,
        %add3A_259 = vector.broadcast %mul3A_107 : i32 to vector<16xi32>
        %add3A_260 = arith.addi %get3A_258, %add3A_259 : vector<16xi32>
        %parallel_loop3A_261 = arith.constant 0 : i32
        %parallel_loop3A_262 = arith.constant 40 : i32
        %parallel_loop3A_263 = arith.constant 1 : i32
        scf.for %parallel_loop3A_587 = %parallel_loop3A_261 to %parallel_loop3A_262 step %parallel_loop3A_263  : i32 {
          %parallel_loop3A_588 = arith.constant 1000 : i32
          %parallel_loop3A_589 = arith.muli %parallel_loop3A_587, %parallel_loop3A_588 : i32
          %parallel_loop3A_590 = vector.broadcast %parallel_loop3A_589 : i32 to vector<16xi32>
          %parallel_loop3A_591 = arith.addi %add3A_260, %parallel_loop3A_590 : vector<16xi32>
          %parallel_loop3A_592 = tpu.vector_load_idx %arg6[%parallel_loop3A_591] : memref<80000xf32, #tpu.memory_space<vmem>>[vector<16xi32>], vector<16xf32>,
          %parallel_loop3A_593 = arith.constant 1 : i32
          %parallel_loop3A_594 = arith.index_cast %parallel_loop3A_593 : i32 to index
          %parallel_loop3A_595 = arith.index_cast %parallel_loop3A_587 : i32 to index
          %parallel_loop3A_596 = arith.constant 16 : index
          %parallel_loop3A_597 = tpu.vector_load %arg7[%parallel_loop3A_594, %parallel_loop3A_595, %parallel_loop3A_596] {strides = array<i32>} : memref<4x40x128xf32, #tpu.memory_space<vmem>>, vector<16xf32>,
          tpu.vector_store %arg7[%parallel_loop3A_594, %parallel_loop3A_595, %parallel_loop3A_596], %parallel_loop3A_592 {strides = array<i32>} : memref<4x40x128xf32, #tpu.memory_space<vmem>>, vector<16xf32>,
        } {sc.loop_unroll_factor = 8 : i64, sc.parallel_access}
        %mul3A_264 = arith.constant 128 : i32
        %mul3A_265 = arith.muli %add3A_233, %mul3A_264 : i32
        %add3A_266 = arith.constant 32 : i32
        %add3A_267 = arith.addi %mul3A_265, %add3A_266 : i32
        %get3A_268 = arith.index_cast %add3A_267 : i32 to index
        %get3A_269 = tpu.vector_load %arg5[%get3A_268] {strides = array<i32>} : memref<2560xi32, #tpu.memory_space<vmem>>, vector<16xi32>,
        %add3A_270 = vector.broadcast %mul3A_107 : i32 to vector<16xi32>
        %add3A_271 = arith.addi %get3A_269, %add3A_270 : vector<16xi32>
        %parallel_loop3A_272 = arith.constant 0 : i32
        %parallel_loop3A_273 = arith.constant 40 : i32
        %parallel_loop3A_274 = arith.constant 1 : i32
        scf.for %parallel_loop3A_587 = %parallel_loop3A_272 to %parallel_loop3A_273 step %parallel_loop3A_274  : i32 {
          %parallel_loop3A_588 = arith.constant 1000 : i32
          %parallel_loop3A_589 = arith.muli %parallel_loop3A_587, %parallel_loop3A_588 : i32
          %parallel_loop3A_590 = vector.broadcast %parallel_loop3A_589 : i32 to vector<16xi32>
          %parallel_loop3A_591 = arith.addi %add3A_271, %parallel_loop3A_590 : vector<16xi32>
          %parallel_loop3A_592 = tpu.vector_load_idx %arg6[%parallel_loop3A_591] : memref<80000xf32, #tpu.memory_space<vmem>>[vector<16xi32>], vector<16xf32>,
          %parallel_loop3A_593 = arith.constant 1 : i32
          %parallel_loop3A_594 = arith.index_cast %parallel_loop3A_593 : i32 to index
          %parallel_loop3A_595 = arith.index_cast %parallel_loop3A_587 : i32 to index
          %parallel_loop3A_596 = arith.constant 32 : index
          %parallel_loop3A_597 = tpu.vector_load %arg7[%parallel_loop3A_594, %parallel_loop3A_595, %parallel_loop3A_596] {strides = array<i32>} : memref<4x40x128xf32, #tpu.memory_space<vmem>>, vector<16xf32>,
          tpu.vector_store %arg7[%parallel_loop3A_594, %parallel_loop3A_595, %parallel_loop3A_596], %parallel_loop3A_592 {strides = array<i32>} : memref<4x40x128xf32, #tpu.memory_space<vmem>>, vector<16xf32>,
        } {sc.loop_unroll_factor = 8 : i64, sc.parallel_access}
        %mul3A_275 = arith.constant 128 : i32
        %mul3A_276 = arith.muli %add3A_233, %mul3A_275 : i32
        %add3A_277 = arith.constant 48 : i32
        %add3A_278 = arith.addi %mul3A_276, %add3A_277 : i32
        %get3A_279 = arith.index_cast %add3A_278 : i32 to index
        %get3A_280 = tpu.vector_load %arg5[%get3A_279] {strides = array<i32>} : memref<2560xi32, #tpu.memory_space<vmem>>, vector<16xi32>,
        %add3A_281 = vector.broadcast %mul3A_107 : i32 to vector<16xi32>
        %add3A_282 = arith.addi %get3A_280, %add3A_281 : vector<16xi32>
        %parallel_loop3A_283 = arith.constant 0 : i32
        %parallel_loop3A_284 = arith.constant 40 : i32
        %parallel_loop3A_285 = arith.constant 1 : i32
        scf.for %parallel_loop3A_587 = %parallel_loop3A_283 to %parallel_loop3A_284 step %parallel_loop3A_285  : i32 {
          %parallel_loop3A_588 = arith.constant 1000 : i32
          %parallel_loop3A_589 = arith.muli %parallel_loop3A_587, %parallel_loop3A_588 : i32
          %parallel_loop3A_590 = vector.broadcast %parallel_loop3A_589 : i32 to vector<16xi32>
          %parallel_loop3A_591 = arith.addi %add3A_282, %parallel_loop3A_590 : vector<16xi32>
          %parallel_loop3A_592 = tpu.vector_load_idx %arg6[%parallel_loop3A_591] : memref<80000xf32, #tpu.memory_space<vmem>>[vector<16xi32>], vector<16xf32>,
          %parallel_loop3A_593 = arith.constant 1 : i32
          %parallel_loop3A_594 = arith.index_cast %parallel_loop3A_593 : i32 to index
          %parallel_loop3A_595 = arith.index_cast %parallel_loop3A_587 : i32 to index
          %parallel_loop3A_596 = arith.constant 48 : index
          %parallel_loop3A_597 = tpu.vector_load %arg7[%parallel_loop3A_594, %parallel_loop3A_595, %parallel_loop3A_596] {strides = array<i32>} : memref<4x40x128xf32, #tpu.memory_space<vmem>>, vector<16xf32>,
          tpu.vector_store %arg7[%parallel_loop3A_594, %parallel_loop3A_595, %parallel_loop3A_596], %parallel_loop3A_592 {strides = array<i32>} : memref<4x40x128xf32, #tpu.memory_space<vmem>>, vector<16xf32>,
        } {sc.loop_unroll_factor = 8 : i64, sc.parallel_access}
        %mul3A_286 = arith.constant 128 : i32
        %mul3A_287 = arith.muli %add3A_233, %mul3A_286 : i32
        %add3A_288 = arith.constant 64 : i32
        %add3A_289 = arith.addi %mul3A_287, %add3A_288 : i32
        %get3A_290 = arith.index_cast %add3A_289 : i32 to index
        %get3A_291 = tpu.vector_load %arg5[%get3A_290] {strides = array<i32>} : memref<2560xi32, #tpu.memory_space<vmem>>, vector<16xi32>,
        %add3A_292 = vector.broadcast %mul3A_107 : i32 to vector<16xi32>
        %add3A_293 = arith.addi %get3A_291, %add3A_292 : vector<16xi32>
        %parallel_loop3A_294 = arith.constant 0 : i32
        %parallel_loop3A_295 = arith.constant 40 : i32
        %parallel_loop3A_296 = arith.constant 1 : i32
        scf.for %parallel_loop3A_587 = %parallel_loop3A_294 to %parallel_loop3A_295 step %parallel_loop3A_296  : i32 {
          %parallel_loop3A_588 = arith.constant 1000 : i32
          %parallel_loop3A_589 = arith.muli %parallel_loop3A_587, %parallel_loop3A_588 : i32
          %parallel_loop3A_590 = vector.broadcast %parallel_loop3A_589 : i32 to vector<16xi32>
          %parallel_loop3A_591 = arith.addi %add3A_293, %parallel_loop3A_590 : vector<16xi32>
          %parallel_loop3A_592 = tpu.vector_load_idx %arg6[%parallel_loop3A_591] : memref<80000xf32, #tpu.memory_space<vmem>>[vector<16xi32>], vector<16xf32>,
          %parallel_loop3A_593 = arith.constant 1 : i32
          %parallel_loop3A_594 = arith.index_cast %parallel_loop3A_593 : i32 to index
          %parallel_loop3A_595 = arith.index_cast %parallel_loop3A_587 : i32 to index
          %parallel_loop3A_596 = arith.constant 64 : index
          %parallel_loop3A_597 = tpu.vector_load %arg7[%parallel_loop3A_594, %parallel_loop3A_595, %parallel_loop3A_596] {strides = array<i32>} : memref<4x40x128xf32, #tpu.memory_space<vmem>>, vector<16xf32>,
          tpu.vector_store %arg7[%parallel_loop3A_594, %parallel_loop3A_595, %parallel_loop3A_596], %parallel_loop3A_592 {strides = array<i32>} : memref<4x40x128xf32, #tpu.memory_space<vmem>>, vector<16xf32>,
        } {sc.loop_unroll_factor = 8 : i64, sc.parallel_access}
        %mul3A_297 = arith.constant 128 : i32
        %mul3A_298 = arith.muli %add3A_233, %mul3A_297 : i32
        %add3A_299 = arith.constant 80 : i32
        %add3A_300 = arith.addi %mul3A_298, %add3A_299 : i32
        %get3A_301 = arith.index_cast %add3A_300 : i32 to index
        %get3A_302 = tpu.vector_load %arg5[%get3A_301] {strides = array<i32>} : memref<2560xi32, #tpu.memory_space<vmem>>, vector<16xi32>,
        %add3A_303 = vector.broadcast %mul3A_107 : i32 to vector<16xi32>
        %add3A_304 = arith.addi %get3A_302, %add3A_303 : vector<16xi32>
        %parallel_loop3A_305 = arith.constant 0 : i32
        %parallel_loop3A_306 = arith.constant 40 : i32
        %parallel_loop3A_307 = arith.constant 1 : i32
        scf.for %parallel_loop3A_587 = %parallel_loop3A_305 to %parallel_loop3A_306 step %parallel_loop3A_307  : i32 {
          %parallel_loop3A_588 = arith.constant 1000 : i32
          %parallel_loop3A_589 = arith.muli %parallel_loop3A_587, %parallel_loop3A_588 : i32
          %parallel_loop3A_590 = vector.broadcast %parallel_loop3A_589 : i32 to vector<16xi32>
          %parallel_loop3A_591 = arith.addi %add3A_304, %parallel_loop3A_590 : vector<16xi32>
          %parallel_loop3A_592 = tpu.vector_load_idx %arg6[%parallel_loop3A_591] : memref<80000xf32, #tpu.memory_space<vmem>>[vector<16xi32>], vector<16xf32>,
          %parallel_loop3A_593 = arith.constant 1 : i32
          %parallel_loop3A_594 = arith.index_cast %parallel_loop3A_593 : i32 to index
          %parallel_loop3A_595 = arith.index_cast %parallel_loop3A_587 : i32 to index
          %parallel_loop3A_596 = arith.constant 80 : index
          %parallel_loop3A_597 = tpu.vector_load %arg7[%parallel_loop3A_594, %parallel_loop3A_595, %parallel_loop3A_596] {strides = array<i32>} : memref<4x40x128xf32, #tpu.memory_space<vmem>>, vector<16xf32>,
          tpu.vector_store %arg7[%parallel_loop3A_594, %parallel_loop3A_595, %parallel_loop3A_596], %parallel_loop3A_592 {strides = array<i32>} : memref<4x40x128xf32, #tpu.memory_space<vmem>>, vector<16xf32>,
        } {sc.loop_unroll_factor = 8 : i64, sc.parallel_access}
        %mul3A_308 = arith.constant 128 : i32
        %mul3A_309 = arith.muli %add3A_233, %mul3A_308 : i32
        %add3A_310 = arith.constant 96 : i32
        %add3A_311 = arith.addi %mul3A_309, %add3A_310 : i32
        %get3A_312 = arith.index_cast %add3A_311 : i32 to index
        %get3A_313 = tpu.vector_load %arg5[%get3A_312] {strides = array<i32>} : memref<2560xi32, #tpu.memory_space<vmem>>, vector<16xi32>,
        %add3A_314 = vector.broadcast %mul3A_107 : i32 to vector<16xi32>
        %add3A_315 = arith.addi %get3A_313, %add3A_314 : vector<16xi32>
        %parallel_loop3A_316 = arith.constant 0 : i32
        %parallel_loop3A_317 = arith.constant 40 : i32
        %parallel_loop3A_318 = arith.constant 1 : i32
        scf.for %parallel_loop3A_587 = %parallel_loop3A_316 to %parallel_loop3A_317 step %parallel_loop3A_318  : i32 {
          %parallel_loop3A_588 = arith.constant 1000 : i32
          %parallel_loop3A_589 = arith.muli %parallel_loop3A_587, %parallel_loop3A_588 : i32
          %parallel_loop3A_590 = vector.broadcast %parallel_loop3A_589 : i32 to vector<16xi32>
          %parallel_loop3A_591 = arith.addi %add3A_315, %parallel_loop3A_590 : vector<16xi32>
          %parallel_loop3A_592 = tpu.vector_load_idx %arg6[%parallel_loop3A_591] : memref<80000xf32, #tpu.memory_space<vmem>>[vector<16xi32>], vector<16xf32>,
          %parallel_loop3A_593 = arith.constant 1 : i32
          %parallel_loop3A_594 = arith.index_cast %parallel_loop3A_593 : i32 to index
          %parallel_loop3A_595 = arith.index_cast %parallel_loop3A_587 : i32 to index
          %parallel_loop3A_596 = arith.constant 96 : index
          %parallel_loop3A_597 = tpu.vector_load %arg7[%parallel_loop3A_594, %parallel_loop3A_595, %parallel_loop3A_596] {strides = array<i32>} : memref<4x40x128xf32, #tpu.memory_space<vmem>>, vector<16xf32>,
          tpu.vector_store %arg7[%parallel_loop3A_594, %parallel_loop3A_595, %parallel_loop3A_596], %parallel_loop3A_592 {strides = array<i32>} : memref<4x40x128xf32, #tpu.memory_space<vmem>>, vector<16xf32>,
        } {sc.loop_unroll_factor = 8 : i64, sc.parallel_access}
        %mul3A_319 = arith.constant 128 : i32
        %mul3A_320 = arith.muli %add3A_233, %mul3A_319 : i32
        %add3A_321 = arith.constant 112 : i32
        %add3A_322 = arith.addi %mul3A_320, %add3A_321 : i32
        %get3A_323 = arith.index_cast %add3A_322 : i32 to index
        %get3A_324 = tpu.vector_load %arg5[%get3A_323] {strides = array<i32>} : memref<2560xi32, #tpu.memory_space<vmem>>, vector<16xi32>,
        %add3A_325 = vector.broadcast %mul3A_107 : i32 to vector<16xi32>
        %add3A_326 = arith.addi %get3A_324, %add3A_325 : vector<16xi32>
        %parallel_loop3A_327 = arith.constant 0 : i32
        %parallel_loop3A_328 = arith.constant 40 : i32
        %parallel_loop3A_329 = arith.constant 1 : i32
        scf.for %parallel_loop3A_587 = %parallel_loop3A_327 to %parallel_loop3A_328 step %parallel_loop3A_329  : i32 {
          %parallel_loop3A_588 = arith.constant 1000 : i32
          %parallel_loop3A_589 = arith.muli %parallel_loop3A_587, %parallel_loop3A_588 : i32
          %parallel_loop3A_590 = vector.broadcast %parallel_loop3A_589 : i32 to vector<16xi32>
          %parallel_loop3A_591 = arith.addi %add3A_326, %parallel_loop3A_590 : vector<16xi32>
          %parallel_loop3A_592 = tpu.vector_load_idx %arg6[%parallel_loop3A_591] : memref<80000xf32, #tpu.memory_space<vmem>>[vector<16xi32>], vector<16xf32>,
          %parallel_loop3A_593 = arith.constant 1 : i32
          %parallel_loop3A_594 = arith.index_cast %parallel_loop3A_593 : i32 to index
          %parallel_loop3A_595 = arith.index_cast %parallel_loop3A_587 : i32 to index
          %parallel_loop3A_596 = arith.constant 112 : index
          %parallel_loop3A_597 = tpu.vector_load %arg7[%parallel_loop3A_594, %parallel_loop3A_595, %parallel_loop3A_596] {strides = array<i32>} : memref<4x40x128xf32, #tpu.memory_space<vmem>>, vector<16xf32>,
          tpu.vector_store %arg7[%parallel_loop3A_594, %parallel_loop3A_595, %parallel_loop3A_596], %parallel_loop3A_592 {strides = array<i32>} : memref<4x40x128xf32, #tpu.memory_space<vmem>>, vector<16xf32>,
        } {sc.loop_unroll_factor = 8 : i64, sc.parallel_access}
        %mul3A_330 = arith.constant 1000 : i32
        %mul3A_331 = arith.muli %add3A_233, %mul3A_330 : i32
        %mul3A_332 = arith.constant 40 : i32
        %mul3A_333 = arith.muli %scan3A_83, %mul3A_332 : i32
        %add3A_334 = arith.addi %mul3A_331, %mul3A_333 : i32
        %dma_start3A_335 = arith.constant 1 : i32
        %dma_start3A_336 = arith.constant 1 : i32
        %dma_start3A_337 = arith.constant 0 : i32
        %dma_start3A_338 = arith.constant 0 : i32
        %dma_start3A_339 = tpu.memref_slice %arg7[%dma_start3A_335, %dma_start3A_337, %dma_start3A_338] : memref<4x40x128xf32, #tpu.memory_space<vmem>> -> memref<1x40x128xf32, #tpu.memory_space<vmem>>
        %dma_start3A_340 = tpu.memref_squeeze %dma_start3A_339 : memref<1x40x128xf32, #tpu.memory_space<vmem>> -> memref<40x128xf32, #tpu.memory_space<vmem>>
        %dma_start3A_341 = tpu.memref_slice %arg4[%add3A_334, %mul3A_4] : memref<20000x4096xf32, #tpu.memory_space<hbm>> -> memref<40x128xf32, #tpu.memory_space<hbm>>
        %dma_start3A_342 = tpu.memref_slice %arg9[%dma_start3A_336] : memref<4x!tpu.dma_semaphore, #tpu.memory_space<semaphore_mem>> -> memref<1x!tpu.dma_semaphore, #tpu.memory_space<semaphore_mem>>
        %dma_start3A_343 = tpu.memref_squeeze %dma_start3A_342 : memref<1x!tpu.dma_semaphore, #tpu.memory_space<semaphore_mem>> -> memref<!tpu.dma_semaphore, #tpu.memory_space<semaphore_mem>>
        %dma_start3A_344 = tpu.memref_slice %arg4[%add3A_334, %mul3A_4] : memref<20000x4096xf32, #tpu.memory_space<hbm>> -> memref<40x128xf32, #tpu.memory_space<hbm>>
        %dma_start3A_345 = arith.constant 0 : i32
        %dma_start3A_346 = arith.constant 0 : i32
        %dma_start3A_347 = tpu.memref_slice %arg7[%dma_start3A_335, %dma_start3A_345, %dma_start3A_346] : memref<4x40x128xf32, #tpu.memory_space<vmem>> -> memref<1x40x128xf32, #tpu.memory_space<vmem>>
        %dma_start3A_348 = tpu.memref_squeeze %dma_start3A_347 : memref<1x40x128xf32, #tpu.memory_space<vmem>> -> memref<40x128xf32, #tpu.memory_space<vmem>>
        tpu.enqueue_dma source(%dma_start3A_348 : memref<40x128xf32, #tpu.memory_space<vmem>>) target(%dma_start3A_344 : memref<40x128xf32, #tpu.memory_space<hbm>>) target_semaphore(%dma_start3A_343 : memref<!tpu.dma_semaphore, #tpu.memory_space<semaphore_mem>>)
        %mul3A_349 = arith.constant 4 : i32
        %mul3A_350 = arith.muli %scan3A_114, %mul3A_349 : i32
        %add3A_351 = arith.constant 2 : i32
        %add3A_352 = arith.addi %mul3A_350, %add3A_351 : i32
        %gt3A_353 = arith.constant 0 : i32
        %gt3A_354 = arith.cmpi sgt, %scan3A_83, %gt3A_353 : i32
        %gt3A_355 = arith.constant 0 : i32
        %gt3A_356 = arith.cmpi sgt, %scan3A_114, %gt3A_355 : i32
        %or3A_357 = arith.ori %gt3A_354, %gt3A_356 : i1
        %convert_element_type3A_358 = arith.extui %or3A_357 : i1 to i32
        %cond3A_359 = arith.constant 0 : i32
        %cond3A_360 = arith.cmpi ne, %convert_element_type3A_358, %cond3A_359 : i32
        scf.if %cond3A_360 {
          %mul3A_587 = arith.constant 1000 : i32
          %mul3A_588 = arith.muli %add3A_352, %mul3A_587 : i32
          %mul3A_589 = arith.constant 40 : i32
          %mul3A_590 = arith.muli %scan3A_83, %mul3A_589 : i32
          %add3A_591 = arith.addi %mul3A_588, %mul3A_590 : i32
          %dma_wait3A_592 = arith.constant 2 : i32
          %dma_wait3A_593 = arith.constant 2 : i32
          %dma_wait3A_594 = arith.constant 0 : i32
          %dma_wait3A_595 = arith.constant 0 : i32
          %dma_wait3A_596 = tpu.memref_slice %arg7[%dma_wait3A_592, %dma_wait3A_594, %dma_wait3A_595] : memref<4x40x128xf32, #tpu.memory_space<vmem>> -> memref<1x40x128xf32, #tpu.memory_space<vmem>>
          %dma_wait3A_597 = tpu.memref_squeeze %dma_wait3A_596 : memref<1x40x128xf32, #tpu.memory_space<vmem>> -> memref<40x128xf32, #tpu.memory_space<vmem>>
          %dma_wait3A_598 = tpu.memref_slice %arg4[%add3A_591, %mul3A_4] : memref<20000x4096xf32, #tpu.memory_space<hbm>> -> memref<40x128xf32, #tpu.memory_space<hbm>>
          %dma_wait3A_599 = tpu.memref_slice %arg9[%dma_wait3A_593] : memref<4x!tpu.dma_semaphore, #tpu.memory_space<semaphore_mem>> -> memref<1x!tpu.dma_semaphore, #tpu.memory_space<semaphore_mem>>
          %dma_wait3A_600 = tpu.memref_squeeze %dma_wait3A_599 : memref<1x!tpu.dma_semaphore, #tpu.memory_space<semaphore_mem>> -> memref<!tpu.dma_semaphore, #tpu.memory_space<semaphore_mem>>
          %dma_wait3A_601 = tpu.memref_slice %arg4[%add3A_591, %mul3A_4] : memref<20000x4096xf32, #tpu.memory_space<hbm>> -> memref<40x128xf32, #tpu.memory_space<hbm>>
          %dma_wait3A_602 = arith.constant 0 : i32
          %dma_wait3A_603 = arith.constant 0 : i32
          %dma_wait3A_604 = tpu.memref_slice %arg7[%dma_wait3A_592, %dma_wait3A_602, %dma_wait3A_603] : memref<4x40x128xf32, #tpu.memory_space<vmem>> -> memref<1x40x128xf32, #tpu.memory_space<vmem>>
          %dma_wait3A_605 = tpu.memref_squeeze %dma_wait3A_604 : memref<1x40x128xf32, #tpu.memory_space<vmem>> -> memref<40x128xf32, #tpu.memory_space<vmem>>
          tpu.wait_dma2 semaphore(%dma_wait3A_600 : memref<!tpu.dma_semaphore, #tpu.memory_space<semaphore_mem>>) src(%dma_wait3A_605 : memref<40x128xf32, #tpu.memory_space<vmem>>) dst(%dma_wait3A_601 : memref<40x128xf32, #tpu.memory_space<hbm>>)
        } else {
        }
        %mul3A_361 = arith.constant 128 : i32
        %mul3A_362 = arith.muli %add3A_352, %mul3A_361 : i32
        %add3A_363 = arith.constant 0 : i32
        %add3A_364 = arith.addi %mul3A_362, %add3A_363 : i32
        %get3A_365 = arith.index_cast %add3A_364 : i32 to index
        %get3A_366 = tpu.vector_load %arg5[%get3A_365] {strides = array<i32>} : memref<2560xi32, #tpu.memory_space<vmem>>, vector<16xi32>,
        %add3A_367 = vector.broadcast %mul3A_107 : i32 to vector<16xi32>
        %add3A_368 = arith.addi %get3A_366, %add3A_367 : vector<16xi32>
        %parallel_loop3A_369 = arith.constant 0 : i32
        %parallel_loop3A_370 = arith.constant 40 : i32
        %parallel_loop3A_371 = arith.constant 1 : i32
        scf.for %parallel_loop3A_587 = %parallel_loop3A_369 to %parallel_loop3A_370 step %parallel_loop3A_371  : i32 {
          %parallel_loop3A_588 = arith.constant 1000 : i32
          %parallel_loop3A_589 = arith.muli %parallel_loop3A_587, %parallel_loop3A_588 : i32
          %parallel_loop3A_590 = vector.broadcast %parallel_loop3A_589 : i32 to vector<16xi32>
          %parallel_loop3A_591 = arith.addi %add3A_368, %parallel_loop3A_590 : vector<16xi32>
          %parallel_loop3A_592 = tpu.vector_load_idx %arg6[%parallel_loop3A_591] : memref<80000xf32, #tpu.memory_space<vmem>>[vector<16xi32>], vector<16xf32>,
          %parallel_loop3A_593 = arith.constant 2 : i32
          %parallel_loop3A_594 = arith.index_cast %parallel_loop3A_593 : i32 to index
          %parallel_loop3A_595 = arith.index_cast %parallel_loop3A_587 : i32 to index
          %parallel_loop3A_596 = arith.constant 0 : index
          %parallel_loop3A_597 = tpu.vector_load %arg7[%parallel_loop3A_594, %parallel_loop3A_595, %parallel_loop3A_596] {strides = array<i32>} : memref<4x40x128xf32, #tpu.memory_space<vmem>>, vector<16xf32>,
          tpu.vector_store %arg7[%parallel_loop3A_594, %parallel_loop3A_595, %parallel_loop3A_596], %parallel_loop3A_592 {strides = array<i32>} : memref<4x40x128xf32, #tpu.memory_space<vmem>>, vector<16xf32>,
        } {sc.loop_unroll_factor = 8 : i64, sc.parallel_access}
        %mul3A_372 = arith.constant 128 : i32
        %mul3A_373 = arith.muli %add3A_352, %mul3A_372 : i32
        %add3A_374 = arith.constant 16 : i32
        %add3A_375 = arith.addi %mul3A_373, %add3A_374 : i32
        %get3A_376 = arith.index_cast %add3A_375 : i32 to index
        %get3A_377 = tpu.vector_load %arg5[%get3A_376] {strides = array<i32>} : memref<2560xi32, #tpu.memory_space<vmem>>, vector<16xi32>,
        %add3A_378 = vector.broadcast %mul3A_107 : i32 to vector<16xi32>
        %add3A_379 = arith.addi %get3A_377, %add3A_378 : vector<16xi32>
        %parallel_loop3A_380 = arith.constant 0 : i32
        %parallel_loop3A_381 = arith.constant 40 : i32
        %parallel_loop3A_382 = arith.constant 1 : i32
        scf.for %parallel_loop3A_587 = %parallel_loop3A_380 to %parallel_loop3A_381 step %parallel_loop3A_382  : i32 {
          %parallel_loop3A_588 = arith.constant 1000 : i32
          %parallel_loop3A_589 = arith.muli %parallel_loop3A_587, %parallel_loop3A_588 : i32
          %parallel_loop3A_590 = vector.broadcast %parallel_loop3A_589 : i32 to vector<16xi32>
          %parallel_loop3A_591 = arith.addi %add3A_379, %parallel_loop3A_590 : vector<16xi32>
          %parallel_loop3A_592 = tpu.vector_load_idx %arg6[%parallel_loop3A_591] : memref<80000xf32, #tpu.memory_space<vmem>>[vector<16xi32>], vector<16xf32>,
          %parallel_loop3A_593 = arith.constant 2 : i32
          %parallel_loop3A_594 = arith.index_cast %parallel_loop3A_593 : i32 to index
          %parallel_loop3A_595 = arith.index_cast %parallel_loop3A_587 : i32 to index
          %parallel_loop3A_596 = arith.constant 16 : index
          %parallel_loop3A_597 = tpu.vector_load %arg7[%parallel_loop3A_594, %parallel_loop3A_595, %parallel_loop3A_596] {strides = array<i32>} : memref<4x40x128xf32, #tpu.memory_space<vmem>>, vector<16xf32>,
          tpu.vector_store %arg7[%parallel_loop3A_594, %parallel_loop3A_595, %parallel_loop3A_596], %parallel_loop3A_592 {strides = array<i32>} : memref<4x40x128xf32, #tpu.memory_space<vmem>>, vector<16xf32>,
        } {sc.loop_unroll_factor = 8 : i64, sc.parallel_access}
        %mul3A_383 = arith.constant 128 : i32
        %mul3A_384 = arith.muli %add3A_352, %mul3A_383 : i32
        %add3A_385 = arith.constant 32 : i32
        %add3A_386 = arith.addi %mul3A_384, %add3A_385 : i32
        %get3A_387 = arith.index_cast %add3A_386 : i32 to index
        %get3A_388 = tpu.vector_load %arg5[%get3A_387] {strides = array<i32>} : memref<2560xi32, #tpu.memory_space<vmem>>, vector<16xi32>,
        %add3A_389 = vector.broadcast %mul3A_107 : i32 to vector<16xi32>
        %add3A_390 = arith.addi %get3A_388, %add3A_389 : vector<16xi32>
        %parallel_loop3A_391 = arith.constant 0 : i32
        %parallel_loop3A_392 = arith.constant 40 : i32
        %parallel_loop3A_393 = arith.constant 1 : i32
        scf.for %parallel_loop3A_587 = %parallel_loop3A_391 to %parallel_loop3A_392 step %parallel_loop3A_393  : i32 {
          %parallel_loop3A_588 = arith.constant 1000 : i32
          %parallel_loop3A_589 = arith.muli %parallel_loop3A_587, %parallel_loop3A_588 : i32
          %parallel_loop3A_590 = vector.broadcast %parallel_loop3A_589 : i32 to vector<16xi32>
          %parallel_loop3A_591 = arith.addi %add3A_390, %parallel_loop3A_590 : vector<16xi32>
          %parallel_loop3A_592 = tpu.vector_load_idx %arg6[%parallel_loop3A_591] : memref<80000xf32, #tpu.memory_space<vmem>>[vector<16xi32>], vector<16xf32>,
          %parallel_loop3A_593 = arith.constant 2 : i32
          %parallel_loop3A_594 = arith.index_cast %parallel_loop3A_593 : i32 to index
          %parallel_loop3A_595 = arith.index_cast %parallel_loop3A_587 : i32 to index
          %parallel_loop3A_596 = arith.constant 32 : index
          %parallel_loop3A_597 = tpu.vector_load %arg7[%parallel_loop3A_594, %parallel_loop3A_595, %parallel_loop3A_596] {strides = array<i32>} : memref<4x40x128xf32, #tpu.memory_space<vmem>>, vector<16xf32>,
          tpu.vector_store %arg7[%parallel_loop3A_594, %parallel_loop3A_595, %parallel_loop3A_596], %parallel_loop3A_592 {strides = array<i32>} : memref<4x40x128xf32, #tpu.memory_space<vmem>>, vector<16xf32>,
        } {sc.loop_unroll_factor = 8 : i64, sc.parallel_access}
        %mul3A_394 = arith.constant 128 : i32
        %mul3A_395 = arith.muli %add3A_352, %mul3A_394 : i32
        %add3A_396 = arith.constant 48 : i32
        %add3A_397 = arith.addi %mul3A_395, %add3A_396 : i32
        %get3A_398 = arith.index_cast %add3A_397 : i32 to index
        %get3A_399 = tpu.vector_load %arg5[%get3A_398] {strides = array<i32>} : memref<2560xi32, #tpu.memory_space<vmem>>, vector<16xi32>,
        %add3A_400 = vector.broadcast %mul3A_107 : i32 to vector<16xi32>
        %add3A_401 = arith.addi %get3A_399, %add3A_400 : vector<16xi32>
        %parallel_loop3A_402 = arith.constant 0 : i32
        %parallel_loop3A_403 = arith.constant 40 : i32
        %parallel_loop3A_404 = arith.constant 1 : i32
        scf.for %parallel_loop3A_587 = %parallel_loop3A_402 to %parallel_loop3A_403 step %parallel_loop3A_404  : i32 {
          %parallel_loop3A_588 = arith.constant 1000 : i32
          %parallel_loop3A_589 = arith.muli %parallel_loop3A_587, %parallel_loop3A_588 : i32
          %parallel_loop3A_590 = vector.broadcast %parallel_loop3A_589 : i32 to vector<16xi32>
          %parallel_loop3A_591 = arith.addi %add3A_401, %parallel_loop3A_590 : vector<16xi32>
          %parallel_loop3A_592 = tpu.vector_load_idx %arg6[%parallel_loop3A_591] : memref<80000xf32, #tpu.memory_space<vmem>>[vector<16xi32>], vector<16xf32>,
          %parallel_loop3A_593 = arith.constant 2 : i32
          %parallel_loop3A_594 = arith.index_cast %parallel_loop3A_593 : i32 to index
          %parallel_loop3A_595 = arith.index_cast %parallel_loop3A_587 : i32 to index
          %parallel_loop3A_596 = arith.constant 48 : index
          %parallel_loop3A_597 = tpu.vector_load %arg7[%parallel_loop3A_594, %parallel_loop3A_595, %parallel_loop3A_596] {strides = array<i32>} : memref<4x40x128xf32, #tpu.memory_space<vmem>>, vector<16xf32>,
          tpu.vector_store %arg7[%parallel_loop3A_594, %parallel_loop3A_595, %parallel_loop3A_596], %parallel_loop3A_592 {strides = array<i32>} : memref<4x40x128xf32, #tpu.memory_space<vmem>>, vector<16xf32>,
        } {sc.loop_unroll_factor = 8 : i64, sc.parallel_access}
        %mul3A_405 = arith.constant 128 : i32
        %mul3A_406 = arith.muli %add3A_352, %mul3A_405 : i32
        %add3A_407 = arith.constant 64 : i32
        %add3A_408 = arith.addi %mul3A_406, %add3A_407 : i32
        %get3A_409 = arith.index_cast %add3A_408 : i32 to index
        %get3A_410 = tpu.vector_load %arg5[%get3A_409] {strides = array<i32>} : memref<2560xi32, #tpu.memory_space<vmem>>, vector<16xi32>,
        %add3A_411 = vector.broadcast %mul3A_107 : i32 to vector<16xi32>
        %add3A_412 = arith.addi %get3A_410, %add3A_411 : vector<16xi32>
        %parallel_loop3A_413 = arith.constant 0 : i32
        %parallel_loop3A_414 = arith.constant 40 : i32
        %parallel_loop3A_415 = arith.constant 1 : i32
        scf.for %parallel_loop3A_587 = %parallel_loop3A_413 to %parallel_loop3A_414 step %parallel_loop3A_415  : i32 {
          %parallel_loop3A_588 = arith.constant 1000 : i32
          %parallel_loop3A_589 = arith.muli %parallel_loop3A_587, %parallel_loop3A_588 : i32
          %parallel_loop3A_590 = vector.broadcast %parallel_loop3A_589 : i32 to vector<16xi32>
          %parallel_loop3A_591 = arith.addi %add3A_412, %parallel_loop3A_590 : vector<16xi32>
          %parallel_loop3A_592 = tpu.vector_load_idx %arg6[%parallel_loop3A_591] : memref<80000xf32, #tpu.memory_space<vmem>>[vector<16xi32>], vector<16xf32>,
          %parallel_loop3A_593 = arith.constant 2 : i32
          %parallel_loop3A_594 = arith.index_cast %parallel_loop3A_593 : i32 to index
          %parallel_loop3A_595 = arith.index_cast %parallel_loop3A_587 : i32 to index
          %parallel_loop3A_596 = arith.constant 64 : index
          %parallel_loop3A_597 = tpu.vector_load %arg7[%parallel_loop3A_594, %parallel_loop3A_595, %parallel_loop3A_596] {strides = array<i32>} : memref<4x40x128xf32, #tpu.memory_space<vmem>>, vector<16xf32>,
          tpu.vector_store %arg7[%parallel_loop3A_594, %parallel_loop3A_595, %parallel_loop3A_596], %parallel_loop3A_592 {strides = array<i32>} : memref<4x40x128xf32, #tpu.memory_space<vmem>>, vector<16xf32>,
        } {sc.loop_unroll_factor = 8 : i64, sc.parallel_access}
        %mul3A_416 = arith.constant 128 : i32
        %mul3A_417 = arith.muli %add3A_352, %mul3A_416 : i32
        %add3A_418 = arith.constant 80 : i32
        %add3A_419 = arith.addi %mul3A_417, %add3A_418 : i32
        %get3A_420 = arith.index_cast %add3A_419 : i32 to index
        %get3A_421 = tpu.vector_load %arg5[%get3A_420] {strides = array<i32>} : memref<2560xi32, #tpu.memory_space<vmem>>, vector<16xi32>,
        %add3A_422 = vector.broadcast %mul3A_107 : i32 to vector<16xi32>
        %add3A_423 = arith.addi %get3A_421, %add3A_422 : vector<16xi32>
        %parallel_loop3A_424 = arith.constant 0 : i32
        %parallel_loop3A_425 = arith.constant 40 : i32
        %parallel_loop3A_426 = arith.constant 1 : i32
        scf.for %parallel_loop3A_587 = %parallel_loop3A_424 to %parallel_loop3A_425 step %parallel_loop3A_426  : i32 {
          %parallel_loop3A_588 = arith.constant 1000 : i32
          %parallel_loop3A_589 = arith.muli %parallel_loop3A_587, %parallel_loop3A_588 : i32
          %parallel_loop3A_590 = vector.broadcast %parallel_loop3A_589 : i32 to vector<16xi32>
          %parallel_loop3A_591 = arith.addi %add3A_423, %parallel_loop3A_590 : vector<16xi32>
          %parallel_loop3A_592 = tpu.vector_load_idx %arg6[%parallel_loop3A_591] : memref<80000xf32, #tpu.memory_space<vmem>>[vector<16xi32>], vector<16xf32>,
          %parallel_loop3A_593 = arith.constant 2 : i32
          %parallel_loop3A_594 = arith.index_cast %parallel_loop3A_593 : i32 to index
          %parallel_loop3A_595 = arith.index_cast %parallel_loop3A_587 : i32 to index
          %parallel_loop3A_596 = arith.constant 80 : index
          %parallel_loop3A_597 = tpu.vector_load %arg7[%parallel_loop3A_594, %parallel_loop3A_595, %parallel_loop3A_596] {strides = array<i32>} : memref<4x40x128xf32, #tpu.memory_space<vmem>>, vector<16xf32>,
          tpu.vector_store %arg7[%parallel_loop3A_594, %parallel_loop3A_595, %parallel_loop3A_596], %parallel_loop3A_592 {strides = array<i32>} : memref<4x40x128xf32, #tpu.memory_space<vmem>>, vector<16xf32>,
        } {sc.loop_unroll_factor = 8 : i64, sc.parallel_access}
        %mul3A_427 = arith.constant 128 : i32
        %mul3A_428 = arith.muli %add3A_352, %mul3A_427 : i32
        %add3A_429 = arith.constant 96 : i32
        %add3A_430 = arith.addi %mul3A_428, %add3A_429 : i32
        %get3A_431 = arith.index_cast %add3A_430 : i32 to index
        %get3A_432 = tpu.vector_load %arg5[%get3A_431] {strides = array<i32>} : memref<2560xi32, #tpu.memory_space<vmem>>, vector<16xi32>,
        %add3A_433 = vector.broadcast %mul3A_107 : i32 to vector<16xi32>
        %add3A_434 = arith.addi %get3A_432, %add3A_433 : vector<16xi32>
        %parallel_loop3A_435 = arith.constant 0 : i32
        %parallel_loop3A_436 = arith.constant 40 : i32
        %parallel_loop3A_437 = arith.constant 1 : i32
        scf.for %parallel_loop3A_587 = %parallel_loop3A_435 to %parallel_loop3A_436 step %parallel_loop3A_437  : i32 {
          %parallel_loop3A_588 = arith.constant 1000 : i32
          %parallel_loop3A_589 = arith.muli %parallel_loop3A_587, %parallel_loop3A_588 : i32
          %parallel_loop3A_590 = vector.broadcast %parallel_loop3A_589 : i32 to vector<16xi32>
          %parallel_loop3A_591 = arith.addi %add3A_434, %parallel_loop3A_590 : vector<16xi32>
          %parallel_loop3A_592 = tpu.vector_load_idx %arg6[%parallel_loop3A_591] : memref<80000xf32, #tpu.memory_space<vmem>>[vector<16xi32>], vector<16xf32>,
          %parallel_loop3A_593 = arith.constant 2 : i32
          %parallel_loop3A_594 = arith.index_cast %parallel_loop3A_593 : i32 to index
          %parallel_loop3A_595 = arith.index_cast %parallel_loop3A_587 : i32 to index
          %parallel_loop3A_596 = arith.constant 96 : index
          %parallel_loop3A_597 = tpu.vector_load %arg7[%parallel_loop3A_594, %parallel_loop3A_595, %parallel_loop3A_596] {strides = array<i32>} : memref<4x40x128xf32, #tpu.memory_space<vmem>>, vector<16xf32>,
          tpu.vector_store %arg7[%parallel_loop3A_594, %parallel_loop3A_595, %parallel_loop3A_596], %parallel_loop3A_592 {strides = array<i32>} : memref<4x40x128xf32, #tpu.memory_space<vmem>>, vector<16xf32>,
        } {sc.loop_unroll_factor = 8 : i64, sc.parallel_access}
        %mul3A_438 = arith.constant 128 : i32
        %mul3A_439 = arith.muli %add3A_352, %mul3A_438 : i32
        %add3A_440 = arith.constant 112 : i32
        %add3A_441 = arith.addi %mul3A_439, %add3A_440 : i32
        %get3A_442 = arith.index_cast %add3A_441 : i32 to index
        %get3A_443 = tpu.vector_load %arg5[%get3A_442] {strides = array<i32>} : memref<2560xi32, #tpu.memory_space<vmem>>, vector<16xi32>,
        %add3A_444 = vector.broadcast %mul3A_107 : i32 to vector<16xi32>
        %add3A_445 = arith.addi %get3A_443, %add3A_444 : vector<16xi32>
        %parallel_loop3A_446 = arith.constant 0 : i32
        %parallel_loop3A_447 = arith.constant 40 : i32
        %parallel_loop3A_448 = arith.constant 1 : i32
        scf.for %parallel_loop3A_587 = %parallel_loop3A_446 to %parallel_loop3A_447 step %parallel_loop3A_448  : i32 {
          %parallel_loop3A_588 = arith.constant 1000 : i32
          %parallel_loop3A_589 = arith.muli %parallel_loop3A_587, %parallel_loop3A_588 : i32
          %parallel_loop3A_590 = vector.broadcast %parallel_loop3A_589 : i32 to vector<16xi32>
          %parallel_loop3A_591 = arith.addi %add3A_445, %parallel_loop3A_590 : vector<16xi32>
          %parallel_loop3A_592 = tpu.vector_load_idx %arg6[%parallel_loop3A_591] : memref<80000xf32, #tpu.memory_space<vmem>>[vector<16xi32>], vector<16xf32>,
          %parallel_loop3A_593 = arith.constant 2 : i32
          %parallel_loop3A_594 = arith.index_cast %parallel_loop3A_593 : i32 to index
          %parallel_loop3A_595 = arith.index_cast %parallel_loop3A_587 : i32 to index
          %parallel_loop3A_596 = arith.constant 112 : index
          %parallel_loop3A_597 = tpu.vector_load %arg7[%parallel_loop3A_594, %parallel_loop3A_595, %parallel_loop3A_596] {strides = array<i32>} : memref<4x40x128xf32, #tpu.memory_space<vmem>>, vector<16xf32>,
          tpu.vector_store %arg7[%parallel_loop3A_594, %parallel_loop3A_595, %parallel_loop3A_596], %parallel_loop3A_592 {strides = array<i32>} : memref<4x40x128xf32, #tpu.memory_space<vmem>>, vector<16xf32>,
        } {sc.loop_unroll_factor = 8 : i64, sc.parallel_access}
        %mul3A_449 = arith.constant 1000 : i32
        %mul3A_450 = arith.muli %add3A_352, %mul3A_449 : i32
        %mul3A_451 = arith.constant 40 : i32
        %mul3A_452 = arith.muli %scan3A_83, %mul3A_451 : i32
        %add3A_453 = arith.addi %mul3A_450, %mul3A_452 : i32
        %dma_start3A_454 = arith.constant 2 : i32
        %dma_start3A_455 = arith.constant 2 : i32
        %dma_start3A_456 = arith.constant 0 : i32
        %dma_start3A_457 = arith.constant 0 : i32
        %dma_start3A_458 = tpu.memref_slice %arg7[%dma_start3A_454, %dma_start3A_456, %dma_start3A_457] : memref<4x40x128xf32, #tpu.memory_space<vmem>> -> memref<1x40x128xf32, #tpu.memory_space<vmem>>
        %dma_start3A_459 = tpu.memref_squeeze %dma_start3A_458 : memref<1x40x128xf32, #tpu.memory_space<vmem>> -> memref<40x128xf32, #tpu.memory_space<vmem>>
        %dma_start3A_460 = tpu.memref_slice %arg4[%add3A_453, %mul3A_4] : memref<20000x4096xf32, #tpu.memory_space<hbm>> -> memref<40x128xf32, #tpu.memory_space<hbm>>
        %dma_start3A_461 = tpu.memref_slice %arg9[%dma_start3A_455] : memref<4x!tpu.dma_semaphore, #tpu.memory_space<semaphore_mem>> -> memref<1x!tpu.dma_semaphore, #tpu.memory_space<semaphore_mem>>
        %dma_start3A_462 = tpu.memref_squeeze %dma_start3A_461 : memref<1x!tpu.dma_semaphore, #tpu.memory_space<semaphore_mem>> -> memref<!tpu.dma_semaphore, #tpu.memory_space<semaphore_mem>>
        %dma_start3A_463 = tpu.memref_slice %arg4[%add3A_453, %mul3A_4] : memref<20000x4096xf32, #tpu.memory_space<hbm>> -> memref<40x128xf32, #tpu.memory_space<hbm>>
        %dma_start3A_464 = arith.constant 0 : i32
        %dma_start3A_465 = arith.constant 0 : i32
        %dma_start3A_466 = tpu.memref_slice %arg7[%dma_start3A_454, %dma_start3A_464, %dma_start3A_465] : memref<4x40x128xf32, #tpu.memory_space<vmem>> -> memref<1x40x128xf32, #tpu.memory_space<vmem>>
        %dma_start3A_467 = tpu.memref_squeeze %dma_start3A_466 : memref<1x40x128xf32, #tpu.memory_space<vmem>> -> memref<40x128xf32, #tpu.memory_space<vmem>>
        tpu.enqueue_dma source(%dma_start3A_467 : memref<40x128xf32, #tpu.memory_space<vmem>>) target(%dma_start3A_463 : memref<40x128xf32, #tpu.memory_space<hbm>>) target_semaphore(%dma_start3A_462 : memref<!tpu.dma_semaphore, #tpu.memory_space<semaphore_mem>>)
        %mul3A_468 = arith.constant 4 : i32
        %mul3A_469 = arith.muli %scan3A_114, %mul3A_468 : i32
        %add3A_470 = arith.constant 3 : i32
        %add3A_471 = arith.addi %mul3A_469, %add3A_470 : i32
        %gt3A_472 = arith.constant 0 : i32
        %gt3A_473 = arith.cmpi sgt, %scan3A_83, %gt3A_472 : i32
        %gt3A_474 = arith.constant 0 : i32
        %gt3A_475 = arith.cmpi sgt, %scan3A_114, %gt3A_474 : i32
        %or3A_476 = arith.ori %gt3A_473, %gt3A_475 : i1
        %convert_element_type3A_477 = arith.extui %or3A_476 : i1 to i32
        %cond3A_478 = arith.constant 0 : i32
        %cond3A_479 = arith.cmpi ne, %convert_element_type3A_477, %cond3A_478 : i32
        scf.if %cond3A_479 {
          %mul3A_587 = arith.constant 1000 : i32
          %mul3A_588 = arith.muli %add3A_471, %mul3A_587 : i32
          %mul3A_589 = arith.constant 40 : i32
          %mul3A_590 = arith.muli %scan3A_83, %mul3A_589 : i32
          %add3A_591 = arith.addi %mul3A_588, %mul3A_590 : i32
          %dma_wait3A_592 = arith.constant 3 : i32
          %dma_wait3A_593 = arith.constant 3 : i32
          %dma_wait3A_594 = arith.constant 0 : i32
          %dma_wait3A_595 = arith.constant 0 : i32
          %dma_wait3A_596 = tpu.memref_slice %arg7[%dma_wait3A_592, %dma_wait3A_594, %dma_wait3A_595] : memref<4x40x128xf32, #tpu.memory_space<vmem>> -> memref<1x40x128xf32, #tpu.memory_space<vmem>>
          %dma_wait3A_597 = tpu.memref_squeeze %dma_wait3A_596 : memref<1x40x128xf32, #tpu.memory_space<vmem>> -> memref<40x128xf32, #tpu.memory_space<vmem>>
          %dma_wait3A_598 = tpu.memref_slice %arg4[%add3A_591, %mul3A_4] : memref<20000x4096xf32, #tpu.memory_space<hbm>> -> memref<40x128xf32, #tpu.memory_space<hbm>>
          %dma_wait3A_599 = tpu.memref_slice %arg9[%dma_wait3A_593] : memref<4x!tpu.dma_semaphore, #tpu.memory_space<semaphore_mem>> -> memref<1x!tpu.dma_semaphore, #tpu.memory_space<semaphore_mem>>
          %dma_wait3A_600 = tpu.memref_squeeze %dma_wait3A_599 : memref<1x!tpu.dma_semaphore, #tpu.memory_space<semaphore_mem>> -> memref<!tpu.dma_semaphore, #tpu.memory_space<semaphore_mem>>
          %dma_wait3A_601 = tpu.memref_slice %arg4[%add3A_591, %mul3A_4] : memref<20000x4096xf32, #tpu.memory_space<hbm>> -> memref<40x128xf32, #tpu.memory_space<hbm>>
          %dma_wait3A_602 = arith.constant 0 : i32
          %dma_wait3A_603 = arith.constant 0 : i32
          %dma_wait3A_604 = tpu.memref_slice %arg7[%dma_wait3A_592, %dma_wait3A_602, %dma_wait3A_603] : memref<4x40x128xf32, #tpu.memory_space<vmem>> -> memref<1x40x128xf32, #tpu.memory_space<vmem>>
          %dma_wait3A_605 = tpu.memref_squeeze %dma_wait3A_604 : memref<1x40x128xf32, #tpu.memory_space<vmem>> -> memref<40x128xf32, #tpu.memory_space<vmem>>
          tpu.wait_dma2 semaphore(%dma_wait3A_600 : memref<!tpu.dma_semaphore, #tpu.memory_space<semaphore_mem>>) src(%dma_wait3A_605 : memref<40x128xf32, #tpu.memory_space<vmem>>) dst(%dma_wait3A_601 : memref<40x128xf32, #tpu.memory_space<hbm>>)
        } else {
        }
        %mul3A_480 = arith.constant 128 : i32
        %mul3A_481 = arith.muli %add3A_471, %mul3A_480 : i32
        %add3A_482 = arith.constant 0 : i32
        %add3A_483 = arith.addi %mul3A_481, %add3A_482 : i32
        %get3A_484 = arith.index_cast %add3A_483 : i32 to index
        %get3A_485 = tpu.vector_load %arg5[%get3A_484] {strides = array<i32>} : memref<2560xi32, #tpu.memory_space<vmem>>, vector<16xi32>,
        %add3A_486 = vector.broadcast %mul3A_107 : i32 to vector<16xi32>
        %add3A_487 = arith.addi %get3A_485, %add3A_486 : vector<16xi32>
        %parallel_loop3A_488 = arith.constant 0 : i32
        %parallel_loop3A_489 = arith.constant 40 : i32
        %parallel_loop3A_490 = arith.constant 1 : i32
        scf.for %parallel_loop3A_587 = %parallel_loop3A_488 to %parallel_loop3A_489 step %parallel_loop3A_490  : i32 {
          %parallel_loop3A_588 = arith.constant 1000 : i32
          %parallel_loop3A_589 = arith.muli %parallel_loop3A_587, %parallel_loop3A_588 : i32
          %parallel_loop3A_590 = vector.broadcast %parallel_loop3A_589 : i32 to vector<16xi32>
          %parallel_loop3A_591 = arith.addi %add3A_487, %parallel_loop3A_590 : vector<16xi32>
          %parallel_loop3A_592 = tpu.vector_load_idx %arg6[%parallel_loop3A_591] : memref<80000xf32, #tpu.memory_space<vmem>>[vector<16xi32>], vector<16xf32>,
          %parallel_loop3A_593 = arith.constant 3 : i32
          %parallel_loop3A_594 = arith.index_cast %parallel_loop3A_593 : i32 to index
          %parallel_loop3A_595 = arith.index_cast %parallel_loop3A_587 : i32 to index
          %parallel_loop3A_596 = arith.constant 0 : index
          %parallel_loop3A_597 = tpu.vector_load %arg7[%parallel_loop3A_594, %parallel_loop3A_595, %parallel_loop3A_596] {strides = array<i32>} : memref<4x40x128xf32, #tpu.memory_space<vmem>>, vector<16xf32>,
          tpu.vector_store %arg7[%parallel_loop3A_594, %parallel_loop3A_595, %parallel_loop3A_596], %parallel_loop3A_592 {strides = array<i32>} : memref<4x40x128xf32, #tpu.memory_space<vmem>>, vector<16xf32>,
        } {sc.loop_unroll_factor = 8 : i64, sc.parallel_access}
        %mul3A_491 = arith.constant 128 : i32
        %mul3A_492 = arith.muli %add3A_471, %mul3A_491 : i32
        %add3A_493 = arith.constant 16 : i32
        %add3A_494 = arith.addi %mul3A_492, %add3A_493 : i32
        %get3A_495 = arith.index_cast %add3A_494 : i32 to index
        %get3A_496 = tpu.vector_load %arg5[%get3A_495] {strides = array<i32>} : memref<2560xi32, #tpu.memory_space<vmem>>, vector<16xi32>,
        %add3A_497 = vector.broadcast %mul3A_107 : i32 to vector<16xi32>
        %add3A_498 = arith.addi %get3A_496, %add3A_497 : vector<16xi32>
        %parallel_loop3A_499 = arith.constant 0 : i32
        %parallel_loop3A_500 = arith.constant 40 : i32
        %parallel_loop3A_501 = arith.constant 1 : i32
        scf.for %parallel_loop3A_587 = %parallel_loop3A_499 to %parallel_loop3A_500 step %parallel_loop3A_501  : i32 {
          %parallel_loop3A_588 = arith.constant 1000 : i32
          %parallel_loop3A_589 = arith.muli %parallel_loop3A_587, %parallel_loop3A_588 : i32
          %parallel_loop3A_590 = vector.broadcast %parallel_loop3A_589 : i32 to vector<16xi32>
          %parallel_loop3A_591 = arith.addi %add3A_498, %parallel_loop3A_590 : vector<16xi32>
          %parallel_loop3A_592 = tpu.vector_load_idx %arg6[%parallel_loop3A_591] : memref<80000xf32, #tpu.memory_space<vmem>>[vector<16xi32>], vector<16xf32>,
          %parallel_loop3A_593 = arith.constant 3 : i32
          %parallel_loop3A_594 = arith.index_cast %parallel_loop3A_593 : i32 to index
          %parallel_loop3A_595 = arith.index_cast %parallel_loop3A_587 : i32 to index
          %parallel_loop3A_596 = arith.constant 16 : index
          %parallel_loop3A_597 = tpu.vector_load %arg7[%parallel_loop3A_594, %parallel_loop3A_595, %parallel_loop3A_596] {strides = array<i32>} : memref<4x40x128xf32, #tpu.memory_space<vmem>>, vector<16xf32>,
          tpu.vector_store %arg7[%parallel_loop3A_594, %parallel_loop3A_595, %parallel_loop3A_596], %parallel_loop3A_592 {strides = array<i32>} : memref<4x40x128xf32, #tpu.memory_space<vmem>>, vector<16xf32>,
        } {sc.loop_unroll_factor = 8 : i64, sc.parallel_access}
        %mul3A_502 = arith.constant 128 : i32
        %mul3A_503 = arith.muli %add3A_471, %mul3A_502 : i32
        %add3A_504 = arith.constant 32 : i32
        %add3A_505 = arith.addi %mul3A_503, %add3A_504 : i32
        %get3A_506 = arith.index_cast %add3A_505 : i32 to index
        %get3A_507 = tpu.vector_load %arg5[%get3A_506] {strides = array<i32>} : memref<2560xi32, #tpu.memory_space<vmem>>, vector<16xi32>,
        %add3A_508 = vector.broadcast %mul3A_107 : i32 to vector<16xi32>
        %add3A_509 = arith.addi %get3A_507, %add3A_508 : vector<16xi32>
        %parallel_loop3A_510 = arith.constant 0 : i32
        %parallel_loop3A_511 = arith.constant 40 : i32
        %parallel_loop3A_512 = arith.constant 1 : i32
        scf.for %parallel_loop3A_587 = %parallel_loop3A_510 to %parallel_loop3A_511 step %parallel_loop3A_512  : i32 {
          %parallel_loop3A_588 = arith.constant 1000 : i32
          %parallel_loop3A_589 = arith.muli %parallel_loop3A_587, %parallel_loop3A_588 : i32
          %parallel_loop3A_590 = vector.broadcast %parallel_loop3A_589 : i32 to vector<16xi32>
          %parallel_loop3A_591 = arith.addi %add3A_509, %parallel_loop3A_590 : vector<16xi32>
          %parallel_loop3A_592 = tpu.vector_load_idx %arg6[%parallel_loop3A_591] : memref<80000xf32, #tpu.memory_space<vmem>>[vector<16xi32>], vector<16xf32>,
          %parallel_loop3A_593 = arith.constant 3 : i32
          %parallel_loop3A_594 = arith.index_cast %parallel_loop3A_593 : i32 to index
          %parallel_loop3A_595 = arith.index_cast %parallel_loop3A_587 : i32 to index
          %parallel_loop3A_596 = arith.constant 32 : index
          %parallel_loop3A_597 = tpu.vector_load %arg7[%parallel_loop3A_594, %parallel_loop3A_595, %parallel_loop3A_596] {strides = array<i32>} : memref<4x40x128xf32, #tpu.memory_space<vmem>>, vector<16xf32>,
          tpu.vector_store %arg7[%parallel_loop3A_594, %parallel_loop3A_595, %parallel_loop3A_596], %parallel_loop3A_592 {strides = array<i32>} : memref<4x40x128xf32, #tpu.memory_space<vmem>>, vector<16xf32>,
        } {sc.loop_unroll_factor = 8 : i64, sc.parallel_access}
        %mul3A_513 = arith.constant 128 : i32
        %mul3A_514 = arith.muli %add3A_471, %mul3A_513 : i32
        %add3A_515 = arith.constant 48 : i32
        %add3A_516 = arith.addi %mul3A_514, %add3A_515 : i32
        %get3A_517 = arith.index_cast %add3A_516 : i32 to index
        %get3A_518 = tpu.vector_load %arg5[%get3A_517] {strides = array<i32>} : memref<2560xi32, #tpu.memory_space<vmem>>, vector<16xi32>,
        %add3A_519 = vector.broadcast %mul3A_107 : i32 to vector<16xi32>
        %add3A_520 = arith.addi %get3A_518, %add3A_519 : vector<16xi32>
        %parallel_loop3A_521 = arith.constant 0 : i32
        %parallel_loop3A_522 = arith.constant 40 : i32
        %parallel_loop3A_523 = arith.constant 1 : i32
        scf.for %parallel_loop3A_587 = %parallel_loop3A_521 to %parallel_loop3A_522 step %parallel_loop3A_523  : i32 {
          %parallel_loop3A_588 = arith.constant 1000 : i32
          %parallel_loop3A_589 = arith.muli %parallel_loop3A_587, %parallel_loop3A_588 : i32
          %parallel_loop3A_590 = vector.broadcast %parallel_loop3A_589 : i32 to vector<16xi32>
          %parallel_loop3A_591 = arith.addi %add3A_520, %parallel_loop3A_590 : vector<16xi32>
          %parallel_loop3A_592 = tpu.vector_load_idx %arg6[%parallel_loop3A_591] : memref<80000xf32, #tpu.memory_space<vmem>>[vector<16xi32>], vector<16xf32>,
          %parallel_loop3A_593 = arith.constant 3 : i32
          %parallel_loop3A_594 = arith.index_cast %parallel_loop3A_593 : i32 to index
          %parallel_loop3A_595 = arith.index_cast %parallel_loop3A_587 : i32 to index
          %parallel_loop3A_596 = arith.constant 48 : index
          %parallel_loop3A_597 = tpu.vector_load %arg7[%parallel_loop3A_594, %parallel_loop3A_595, %parallel_loop3A_596] {strides = array<i32>} : memref<4x40x128xf32, #tpu.memory_space<vmem>>, vector<16xf32>,
          tpu.vector_store %arg7[%parallel_loop3A_594, %parallel_loop3A_595, %parallel_loop3A_596], %parallel_loop3A_592 {strides = array<i32>} : memref<4x40x128xf32, #tpu.memory_space<vmem>>, vector<16xf32>,
        } {sc.loop_unroll_factor = 8 : i64, sc.parallel_access}
        %mul3A_524 = arith.constant 128 : i32
        %mul3A_525 = arith.muli %add3A_471, %mul3A_524 : i32
        %add3A_526 = arith.constant 64 : i32
        %add3A_527 = arith.addi %mul3A_525, %add3A_526 : i32
        %get3A_528 = arith.index_cast %add3A_527 : i32 to index
        %get3A_529 = tpu.vector_load %arg5[%get3A_528] {strides = array<i32>} : memref<2560xi32, #tpu.memory_space<vmem>>, vector<16xi32>,
        %add3A_530 = vector.broadcast %mul3A_107 : i32 to vector<16xi32>
        %add3A_531 = arith.addi %get3A_529, %add3A_530 : vector<16xi32>
        %parallel_loop3A_532 = arith.constant 0 : i32
        %parallel_loop3A_533 = arith.constant 40 : i32
        %parallel_loop3A_534 = arith.constant 1 : i32
        scf.for %parallel_loop3A_587 = %parallel_loop3A_532 to %parallel_loop3A_533 step %parallel_loop3A_534  : i32 {
          %parallel_loop3A_588 = arith.constant 1000 : i32
          %parallel_loop3A_589 = arith.muli %parallel_loop3A_587, %parallel_loop3A_588 : i32
          %parallel_loop3A_590 = vector.broadcast %parallel_loop3A_589 : i32 to vector<16xi32>
          %parallel_loop3A_591 = arith.addi %add3A_531, %parallel_loop3A_590 : vector<16xi32>
          %parallel_loop3A_592 = tpu.vector_load_idx %arg6[%parallel_loop3A_591] : memref<80000xf32, #tpu.memory_space<vmem>>[vector<16xi32>], vector<16xf32>,
          %parallel_loop3A_593 = arith.constant 3 : i32
          %parallel_loop3A_594 = arith.index_cast %parallel_loop3A_593 : i32 to index
          %parallel_loop3A_595 = arith.index_cast %parallel_loop3A_587 : i32 to index
          %parallel_loop3A_596 = arith.constant 64 : index
          %parallel_loop3A_597 = tpu.vector_load %arg7[%parallel_loop3A_594, %parallel_loop3A_595, %parallel_loop3A_596] {strides = array<i32>} : memref<4x40x128xf32, #tpu.memory_space<vmem>>, vector<16xf32>,
          tpu.vector_store %arg7[%parallel_loop3A_594, %parallel_loop3A_595, %parallel_loop3A_596], %parallel_loop3A_592 {strides = array<i32>} : memref<4x40x128xf32, #tpu.memory_space<vmem>>, vector<16xf32>,
        } {sc.loop_unroll_factor = 8 : i64, sc.parallel_access}
        %mul3A_535 = arith.constant 128 : i32
        %mul3A_536 = arith.muli %add3A_471, %mul3A_535 : i32
        %add3A_537 = arith.constant 80 : i32
        %add3A_538 = arith.addi %mul3A_536, %add3A_537 : i32
        %get3A_539 = arith.index_cast %add3A_538 : i32 to index
        %get3A_540 = tpu.vector_load %arg5[%get3A_539] {strides = array<i32>} : memref<2560xi32, #tpu.memory_space<vmem>>, vector<16xi32>,
        %add3A_541 = vector.broadcast %mul3A_107 : i32 to vector<16xi32>
        %add3A_542 = arith.addi %get3A_540, %add3A_541 : vector<16xi32>
        %parallel_loop3A_543 = arith.constant 0 : i32
        %parallel_loop3A_544 = arith.constant 40 : i32
        %parallel_loop3A_545 = arith.constant 1 : i32
        scf.for %parallel_loop3A_587 = %parallel_loop3A_543 to %parallel_loop3A_544 step %parallel_loop3A_545  : i32 {
          %parallel_loop3A_588 = arith.constant 1000 : i32
          %parallel_loop3A_589 = arith.muli %parallel_loop3A_587, %parallel_loop3A_588 : i32
          %parallel_loop3A_590 = vector.broadcast %parallel_loop3A_589 : i32 to vector<16xi32>
          %parallel_loop3A_591 = arith.addi %add3A_542, %parallel_loop3A_590 : vector<16xi32>
          %parallel_loop3A_592 = tpu.vector_load_idx %arg6[%parallel_loop3A_591] : memref<80000xf32, #tpu.memory_space<vmem>>[vector<16xi32>], vector<16xf32>,
          %parallel_loop3A_593 = arith.constant 3 : i32
          %parallel_loop3A_594 = arith.index_cast %parallel_loop3A_593 : i32 to index
          %parallel_loop3A_595 = arith.index_cast %parallel_loop3A_587 : i32 to index
          %parallel_loop3A_596 = arith.constant 80 : index
          %parallel_loop3A_597 = tpu.vector_load %arg7[%parallel_loop3A_594, %parallel_loop3A_595, %parallel_loop3A_596] {strides = array<i32>} : memref<4x40x128xf32, #tpu.memory_space<vmem>>, vector<16xf32>,
          tpu.vector_store %arg7[%parallel_loop3A_594, %parallel_loop3A_595, %parallel_loop3A_596], %parallel_loop3A_592 {strides = array<i32>} : memref<4x40x128xf32, #tpu.memory_space<vmem>>, vector<16xf32>,
        } {sc.loop_unroll_factor = 8 : i64, sc.parallel_access}
        %mul3A_546 = arith.constant 128 : i32
        %mul3A_547 = arith.muli %add3A_471, %mul3A_546 : i32
        %add3A_548 = arith.constant 96 : i32
        %add3A_549 = arith.addi %mul3A_547, %add3A_548 : i32
        %get3A_550 = arith.index_cast %add3A_549 : i32 to index
        %get3A_551 = tpu.vector_load %arg5[%get3A_550] {strides = array<i32>} : memref<2560xi32, #tpu.memory_space<vmem>>, vector<16xi32>,
        %add3A_552 = vector.broadcast %mul3A_107 : i32 to vector<16xi32>
        %add3A_553 = arith.addi %get3A_551, %add3A_552 : vector<16xi32>
        %parallel_loop3A_554 = arith.constant 0 : i32
        %parallel_loop3A_555 = arith.constant 40 : i32
        %parallel_loop3A_556 = arith.constant 1 : i32
        scf.for %parallel_loop3A_587 = %parallel_loop3A_554 to %parallel_loop3A_555 step %parallel_loop3A_556  : i32 {
          %parallel_loop3A_588 = arith.constant 1000 : i32
          %parallel_loop3A_589 = arith.muli %parallel_loop3A_587, %parallel_loop3A_588 : i32
          %parallel_loop3A_590 = vector.broadcast %parallel_loop3A_589 : i32 to vector<16xi32>
          %parallel_loop3A_591 = arith.addi %add3A_553, %parallel_loop3A_590 : vector<16xi32>
          %parallel_loop3A_592 = tpu.vector_load_idx %arg6[%parallel_loop3A_591] : memref<80000xf32, #tpu.memory_space<vmem>>[vector<16xi32>], vector<16xf32>,
          %parallel_loop3A_593 = arith.constant 3 : i32
          %parallel_loop3A_594 = arith.index_cast %parallel_loop3A_593 : i32 to index
          %parallel_loop3A_595 = arith.index_cast %parallel_loop3A_587 : i32 to index
          %parallel_loop3A_596 = arith.constant 96 : index
          %parallel_loop3A_597 = tpu.vector_load %arg7[%parallel_loop3A_594, %parallel_loop3A_595, %parallel_loop3A_596] {strides = array<i32>} : memref<4x40x128xf32, #tpu.memory_space<vmem>>, vector<16xf32>,
          tpu.vector_store %arg7[%parallel_loop3A_594, %parallel_loop3A_595, %parallel_loop3A_596], %parallel_loop3A_592 {strides = array<i32>} : memref<4x40x128xf32, #tpu.memory_space<vmem>>, vector<16xf32>,
        } {sc.loop_unroll_factor = 8 : i64, sc.parallel_access}
        %mul3A_557 = arith.constant 128 : i32
        %mul3A_558 = arith.muli %add3A_471, %mul3A_557 : i32
        %add3A_559 = arith.constant 112 : i32
        %add3A_560 = arith.addi %mul3A_558, %add3A_559 : i32
        %get3A_561 = arith.index_cast %add3A_560 : i32 to index
        %get3A_562 = tpu.vector_load %arg5[%get3A_561] {strides = array<i32>} : memref<2560xi32, #tpu.memory_space<vmem>>, vector<16xi32>,
        %add3A_563 = vector.broadcast %mul3A_107 : i32 to vector<16xi32>
        %add3A_564 = arith.addi %get3A_562, %add3A_563 : vector<16xi32>
        %parallel_loop3A_565 = arith.constant 0 : i32
        %parallel_loop3A_566 = arith.constant 40 : i32
        %parallel_loop3A_567 = arith.constant 1 : i32
        scf.for %parallel_loop3A_587 = %parallel_loop3A_565 to %parallel_loop3A_566 step %parallel_loop3A_567  : i32 {
          %parallel_loop3A_588 = arith.constant 1000 : i32
          %parallel_loop3A_589 = arith.muli %parallel_loop3A_587, %parallel_loop3A_588 : i32
          %parallel_loop3A_590 = vector.broadcast %parallel_loop3A_589 : i32 to vector<16xi32>
          %parallel_loop3A_591 = arith.addi %add3A_564, %parallel_loop3A_590 : vector<16xi32>
          %parallel_loop3A_592 = tpu.vector_load_idx %arg6[%parallel_loop3A_591] : memref<80000xf32, #tpu.memory_space<vmem>>[vector<16xi32>], vector<16xf32>,
          %parallel_loop3A_593 = arith.constant 3 : i32
          %parallel_loop3A_594 = arith.index_cast %parallel_loop3A_593 : i32 to index
          %parallel_loop3A_595 = arith.index_cast %parallel_loop3A_587 : i32 to index
          %parallel_loop3A_596 = arith.constant 112 : index
          %parallel_loop3A_597 = tpu.vector_load %arg7[%parallel_loop3A_594, %parallel_loop3A_595, %parallel_loop3A_596] {strides = array<i32>} : memref<4x40x128xf32, #tpu.memory_space<vmem>>, vector<16xf32>,
          tpu.vector_store %arg7[%parallel_loop3A_594, %parallel_loop3A_595, %parallel_loop3A_596], %parallel_loop3A_592 {strides = array<i32>} : memref<4x40x128xf32, #tpu.memory_space<vmem>>, vector<16xf32>,
        } {sc.loop_unroll_factor = 8 : i64, sc.parallel_access}
        %mul3A_568 = arith.constant 1000 : i32
        %mul3A_569 = arith.muli %add3A_471, %mul3A_568 : i32
        %mul3A_570 = arith.constant 40 : i32
        %mul3A_571 = arith.muli %scan3A_83, %mul3A_570 : i32
        %add3A_572 = arith.addi %mul3A_569, %mul3A_571 : i32
        %dma_start3A_573 = arith.constant 3 : i32
        %dma_start3A_574 = arith.constant 3 : i32
        %dma_start3A_575 = arith.constant 0 : i32
        %dma_start3A_576 = arith.constant 0 : i32
        %dma_start3A_577 = tpu.memref_slice %arg7[%dma_start3A_573, %dma_start3A_575, %dma_start3A_576] : memref<4x40x128xf32, #tpu.memory_space<vmem>> -> memref<1x40x128xf32, #tpu.memory_space<vmem>>
        %dma_start3A_578 = tpu.memref_squeeze %dma_start3A_577 : memref<1x40x128xf32, #tpu.memory_space<vmem>> -> memref<40x128xf32, #tpu.memory_space<vmem>>
        %dma_start3A_579 = tpu.memref_slice %arg4[%add3A_572, %mul3A_4] : memref<20000x4096xf32, #tpu.memory_space<hbm>> -> memref<40x128xf32, #tpu.memory_space<hbm>>
        %dma_start3A_580 = tpu.memref_slice %arg9[%dma_start3A_574] : memref<4x!tpu.dma_semaphore, #tpu.memory_space<semaphore_mem>> -> memref<1x!tpu.dma_semaphore, #tpu.memory_space<semaphore_mem>>
        %dma_start3A_581 = tpu.memref_squeeze %dma_start3A_580 : memref<1x!tpu.dma_semaphore, #tpu.memory_space<semaphore_mem>> -> memref<!tpu.dma_semaphore, #tpu.memory_space<semaphore_mem>>
        %dma_start3A_582 = tpu.memref_slice %arg4[%add3A_572, %mul3A_4] : memref<20000x4096xf32, #tpu.memory_space<hbm>> -> memref<40x128xf32, #tpu.memory_space<hbm>>
        %dma_start3A_583 = arith.constant 0 : i32
        %dma_start3A_584 = arith.constant 0 : i32
        %dma_start3A_585 = tpu.memref_slice %arg7[%dma_start3A_573, %dma_start3A_583, %dma_start3A_584] : memref<4x40x128xf32, #tpu.memory_space<vmem>> -> memref<1x40x128xf32, #tpu.memory_space<vmem>>
        %dma_start3A_586 = tpu.memref_squeeze %dma_start3A_585 : memref<1x40x128xf32, #tpu.memory_space<vmem>> -> memref<40x128xf32, #tpu.memory_space<vmem>>
        tpu.enqueue_dma source(%dma_start3A_586 : memref<40x128xf32, #tpu.memory_space<vmem>>) target(%dma_start3A_582 : memref<40x128xf32, #tpu.memory_space<hbm>>) target_semaphore(%dma_start3A_581 : memref<!tpu.dma_semaphore, #tpu.memory_space<semaphore_mem>>)
      }
      %scan3A_113 = arith.constant 5 : i32
    }
    %scan3A_19 = arith.constant 25 : i32
    %dma_wait3A = arith.constant 0 : i32
    %dma_wait3A_20 = arith.constant 0 : i32
    %dma_wait3A_21 = arith.constant 0 : i32
    %dma_wait3A_22 = arith.constant 0 : i32
    %dma_wait3A_23 = tpu.memref_slice %arg7[%dma_wait3A, %dma_wait3A_21, %dma_wait3A_22] : memref<4x40x128xf32, #tpu.memory_space<vmem>> -> memref<1x40x128xf32, #tpu.memory_space<vmem>>
    %dma_wait3A_24 = tpu.memref_squeeze %dma_wait3A_23 : memref<1x40x128xf32, #tpu.memory_space<vmem>> -> memref<40x128xf32, #tpu.memory_space<vmem>>
    %dma_wait3A_25 = arith.constant 16960 : i32
    %dma_wait3A_26 = tpu.memref_slice %arg4[%dma_wait3A_25, %mul3A_4] : memref<20000x4096xf32, #tpu.memory_space<hbm>> -> memref<40x128xf32, #tpu.memory_space<hbm>>
    %dma_wait3A_27 = tpu.memref_slice %arg9[%dma_wait3A_20] : memref<4x!tpu.dma_semaphore, #tpu.memory_space<semaphore_mem>> -> memref<1x!tpu.dma_semaphore, #tpu.memory_space<semaphore_mem>>
    %dma_wait3A_28 = tpu.memref_squeeze %dma_wait3A_27 : memref<1x!tpu.dma_semaphore, #tpu.memory_space<semaphore_mem>> -> memref<!tpu.dma_semaphore, #tpu.memory_space<semaphore_mem>>
    %dma_wait3A_29 = arith.constant 16960 : i32
    %dma_wait3A_30 = tpu.memref_slice %arg4[%dma_wait3A_29, %mul3A_4] : memref<20000x4096xf32, #tpu.memory_space<hbm>> -> memref<40x128xf32, #tpu.memory_space<hbm>>
    %dma_wait3A_31 = arith.constant 0 : i32
    %dma_wait3A_32 = arith.constant 0 : i32
    %dma_wait3A_33 = tpu.memref_slice %arg7[%dma_wait3A, %dma_wait3A_31, %dma_wait3A_32] : memref<4x40x128xf32, #tpu.memory_space<vmem>> -> memref<1x40x128xf32, #tpu.memory_space<vmem>>
    %dma_wait3A_34 = tpu.memref_squeeze %dma_wait3A_33 : memref<1x40x128xf32, #tpu.memory_space<vmem>> -> memref<40x128xf32, #tpu.memory_space<vmem>>
    tpu.wait_dma2 semaphore(%dma_wait3A_28 : memref<!tpu.dma_semaphore, #tpu.memory_space<semaphore_mem>>) src(%dma_wait3A_34 : memref<40x128xf32, #tpu.memory_space<vmem>>) dst(%dma_wait3A_30 : memref<40x128xf32, #tpu.memory_space<hbm>>)
    %dma_wait3A_35 = arith.constant 1 : i32
    %dma_wait3A_36 = arith.constant 1 : i32
    %dma_wait3A_37 = arith.constant 0 : i32
    %dma_wait3A_38 = arith.constant 0 : i32
    %dma_wait3A_39 = tpu.memref_slice %arg7[%dma_wait3A_35, %dma_wait3A_37, %dma_wait3A_38] : memref<4x40x128xf32, #tpu.memory_space<vmem>> -> memref<1x40x128xf32, #tpu.memory_space<vmem>>
    %dma_wait3A_40 = tpu.memref_squeeze %dma_wait3A_39 : memref<1x40x128xf32, #tpu.memory_space<vmem>> -> memref<40x128xf32, #tpu.memory_space<vmem>>
    %dma_wait3A_41 = arith.constant 17960 : i32
    %dma_wait3A_42 = tpu.memref_slice %arg4[%dma_wait3A_41, %mul3A_4] : memref<20000x4096xf32, #tpu.memory_space<hbm>> -> memref<40x128xf32, #tpu.memory_space<hbm>>
    %dma_wait3A_43 = tpu.memref_slice %arg9[%dma_wait3A_36] : memref<4x!tpu.dma_semaphore, #tpu.memory_space<semaphore_mem>> -> memref<1x!tpu.dma_semaphore, #tpu.memory_space<semaphore_mem>>
    %dma_wait3A_44 = tpu.memref_squeeze %dma_wait3A_43 : memref<1x!tpu.dma_semaphore, #tpu.memory_space<semaphore_mem>> -> memref<!tpu.dma_semaphore, #tpu.memory_space<semaphore_mem>>
    %dma_wait3A_45 = arith.constant 17960 : i32
    %dma_wait3A_46 = tpu.memref_slice %arg4[%dma_wait3A_45, %mul3A_4] : memref<20000x4096xf32, #tpu.memory_space<hbm>> -> memref<40x128xf32, #tpu.memory_space<hbm>>
    %dma_wait3A_47 = arith.constant 0 : i32
    %dma_wait3A_48 = arith.constant 0 : i32
    %dma_wait3A_49 = tpu.memref_slice %arg7[%dma_wait3A_35, %dma_wait3A_47, %dma_wait3A_48] : memref<4x40x128xf32, #tpu.memory_space<vmem>> -> memref<1x40x128xf32, #tpu.memory_space<vmem>>
    %dma_wait3A_50 = tpu.memref_squeeze %dma_wait3A_49 : memref<1x40x128xf32, #tpu.memory_space<vmem>> -> memref<40x128xf32, #tpu.memory_space<vmem>>
    tpu.wait_dma2 semaphore(%dma_wait3A_44 : memref<!tpu.dma_semaphore, #tpu.memory_space<semaphore_mem>>) src(%dma_wait3A_50 : memref<40x128xf32, #tpu.memory_space<vmem>>) dst(%dma_wait3A_46 : memref<40x128xf32, #tpu.memory_space<hbm>>)
    %dma_wait3A_51 = arith.constant 2 : i32
    %dma_wait3A_52 = arith.constant 2 : i32
    %dma_wait3A_53 = arith.constant 0 : i32
    %dma_wait3A_54 = arith.constant 0 : i32
    %dma_wait3A_55 = tpu.memref_slice %arg7[%dma_wait3A_51, %dma_wait3A_53, %dma_wait3A_54] : memref<4x40x128xf32, #tpu.memory_space<vmem>> -> memref<1x40x128xf32, #tpu.memory_space<vmem>>
    %dma_wait3A_56 = tpu.memref_squeeze %dma_wait3A_55 : memref<1x40x128xf32, #tpu.memory_space<vmem>> -> memref<40x128xf32, #tpu.memory_space<vmem>>
    %dma_wait3A_57 = arith.constant 18960 : i32
    %dma_wait3A_58 = tpu.memref_slice %arg4[%dma_wait3A_57, %mul3A_4] : memref<20000x4096xf32, #tpu.memory_space<hbm>> -> memref<40x128xf32, #tpu.memory_space<hbm>>
    %dma_wait3A_59 = tpu.memref_slice %arg9[%dma_wait3A_52] : memref<4x!tpu.dma_semaphore, #tpu.memory_space<semaphore_mem>> -> memref<1x!tpu.dma_semaphore, #tpu.memory_space<semaphore_mem>>
    %dma_wait3A_60 = tpu.memref_squeeze %dma_wait3A_59 : memref<1x!tpu.dma_semaphore, #tpu.memory_space<semaphore_mem>> -> memref<!tpu.dma_semaphore, #tpu.memory_space<semaphore_mem>>
    %dma_wait3A_61 = arith.constant 18960 : i32
    %dma_wait3A_62 = tpu.memref_slice %arg4[%dma_wait3A_61, %mul3A_4] : memref<20000x4096xf32, #tpu.memory_space<hbm>> -> memref<40x128xf32, #tpu.memory_space<hbm>>
    %dma_wait3A_63 = arith.constant 0 : i32
    %dma_wait3A_64 = arith.constant 0 : i32
    %dma_wait3A_65 = tpu.memref_slice %arg7[%dma_wait3A_51, %dma_wait3A_63, %dma_wait3A_64] : memref<4x40x128xf32, #tpu.memory_space<vmem>> -> memref<1x40x128xf32, #tpu.memory_space<vmem>>
    %dma_wait3A_66 = tpu.memref_squeeze %dma_wait3A_65 : memref<1x40x128xf32, #tpu.memory_space<vmem>> -> memref<40x128xf32, #tpu.memory_space<vmem>>
    tpu.wait_dma2 semaphore(%dma_wait3A_60 : memref<!tpu.dma_semaphore, #tpu.memory_space<semaphore_mem>>) src(%dma_wait3A_66 : memref<40x128xf32, #tpu.memory_space<vmem>>) dst(%dma_wait3A_62 : memref<40x128xf32, #tpu.memory_space<hbm>>)
    %dma_wait3A_67 = arith.constant 3 : i32
    %dma_wait3A_68 = arith.constant 3 : i32
    %dma_wait3A_69 = arith.constant 0 : i32
    %dma_wait3A_70 = arith.constant 0 : i32
    %dma_wait3A_71 = tpu.memref_slice %arg7[%dma_wait3A_67, %dma_wait3A_69, %dma_wait3A_70] : memref<4x40x128xf32, #tpu.memory_space<vmem>> -> memref<1x40x128xf32, #tpu.memory_space<vmem>>
    %dma_wait3A_72 = tpu.memref_squeeze %dma_wait3A_71 : memref<1x40x128xf32, #tpu.memory_space<vmem>> -> memref<40x128xf32, #tpu.memory_space<vmem>>
    %dma_wait3A_73 = arith.constant 19960 : i32
    %dma_wait3A_74 = tpu.memref_slice %arg4[%dma_wait3A_73, %mul3A_4] : memref<20000x4096xf32, #tpu.memory_space<hbm>> -> memref<40x128xf32, #tpu.memory_space<hbm>>
    %dma_wait3A_75 = tpu.memref_slice %arg9[%dma_wait3A_68] : memref<4x!tpu.dma_semaphore, #tpu.memory_space<semaphore_mem>> -> memref<1x!tpu.dma_semaphore, #tpu.memory_space<semaphore_mem>>
    %dma_wait3A_76 = tpu.memref_squeeze %dma_wait3A_75 : memref<1x!tpu.dma_semaphore, #tpu.memory_space<semaphore_mem>> -> memref<!tpu.dma_semaphore, #tpu.memory_space<semaphore_mem>>
    %dma_wait3A_77 = arith.constant 19960 : i32
    %dma_wait3A_78 = tpu.memref_slice %arg4[%dma_wait3A_77, %mul3A_4] : memref<20000x4096xf32, #tpu.memory_space<hbm>> -> memref<40x128xf32, #tpu.memory_space<hbm>>
    %dma_wait3A_79 = arith.constant 0 : i32
    %dma_wait3A_80 = arith.constant 0 : i32
    %dma_wait3A_81 = tpu.memref_slice %arg7[%dma_wait3A_67, %dma_wait3A_79, %dma_wait3A_80] : memref<4x40x128xf32, #tpu.memory_space<vmem>> -> memref<1x40x128xf32, #tpu.memory_space<vmem>>
    %dma_wait3A_82 = tpu.memref_squeeze %dma_wait3A_81 : memref<1x40x128xf32, #tpu.memory_space<vmem>> -> memref<40x128xf32, #tpu.memory_space<vmem>>
    tpu.wait_dma2 semaphore(%dma_wait3A_76 : memref<!tpu.dma_semaphore, #tpu.memory_space<semaphore_mem>>) src(%dma_wait3A_82 : memref<40x128xf32, #tpu.memory_space<vmem>>) dst(%dma_wait3A_78 : memref<40x128xf32, #tpu.memory_space<hbm>>)
    return
  }
}

module attributes {stable_mosaic.version = 14 : i64} {
  func.func @_matmul_body(%arg0: memref<1000x128xf32, #tpu.memory_space<vmem>>, %arg1: memref<1000x128xf32, #tpu.memory_space<vmem>>, %arg2: memref<1000x1000xf32, #tpu.memory_space<vmem>>) attributes {dimension_semantics = [], scalar_prefetch = 0 : i64, scratch_operands = 0 : i64, tpu.core_type = #tpu.core_type<tc>} {
    %get3A = arith.constant 0 : index
    %get3A_0 = arith.constant 0 : index
    %get3A_1 = vector.load %arg0[%get3A, %get3A_0] : memref<1000x128xf32, #tpu.memory_space<vmem>>, vector<1000x128xf32>
    %get3A_2 = arith.constant 0 : index
    %get3A_3 = arith.constant 0 : index
    %get3A_4 = vector.load %arg1[%get3A_2, %get3A_3] : memref<1000x128xf32, #tpu.memory_space<vmem>>, vector<1000x128xf32>
    %dot_general3A = arith.constant dense<0.000000e+00> : vector<1000x1000xf32>
    %dot_general3A_5 = tpu.matmul %get3A_1, %get3A_4, %dot_general3A {dimension_numbers = #tpu.dot_dimension_numbers<[1], [1], [0], [0], [0, 0, 1, 0], [], []>, transpose_lhs_hint = false} : vector<1000x128xf32>, vector<1000x128xf32>, vector<1000x1000xf32> -> vector<1000x1000xf32>
    %swap3A = arith.constant 0 : index
    %swap3A_6 = arith.constant 0 : index
    %swap3A_7 = vector.load %arg2[%swap3A, %swap3A_6] : memref<1000x1000xf32, #tpu.memory_space<vmem>>, vector<1000x1000xf32>
    tpu.vector_store %arg2[%swap3A, %swap3A_6], %dot_general3A_5 {strides = array<i32>} : memref<1000x1000xf32, #tpu.memory_space<vmem>>, vector<1000x1000xf32>,
    return
  }
}

</mosaic_0001>

<sc_bundles>
// kernel: kernel.4.cloned.1.call-start
scs
__scs_entry_jumppad:
0x0: {  	(pc) =	sbr.rel $0x88, $3  }
0x1: {  	(tag) =	ssettag $0x0;
	lr =	simm.s32 $0x1  }
0x2: {  	[smem:$0x3F9E] =	sst lr;
	_ =	strace $0xD0000000  }
0x3: {  	_ = 	snop  }
0x4: {  	_ = 	snop  }
0x5: {  	_ = 	snop  }
0x6: {  	_ = 	snop  }
0x7: {  	_ = 	snop  }
__scs_overlays_trampoline_lowered:
0x8: {  	[smem:$0x3FAD] =	sst s0  }
0x9: {  	[smem:$0x3FAE] =	sst s1  }
0xa: {  	[smem:$0x3FAF] =	sst s2  }
0xb: {  	[smem:$0x3FB0] =	sst s3  }
0xc: {  	[smem:$0x3FB1] =	sst s4  }
0xd: {  	[smem:$0x3FB2] =	sst s5  }
0xe: {  	[smem:$0x3FB3] =	sst s6  }
0xf: {  	[smem:$0x3FB4] =	sst s7  }
0x10: {  	[smem:$0x3FB5] =	sst s8  }
0x11: {  	[smem:$0x3FB6] =	sst s9;
	s0 =	simm.s32 @!p0 $0x0  }
0x12: {  	s1 =	sld [smem:$0x3F9C];
	s0 =	simm.s32 @p0 $0x1  }
0x13: {  	[smem:$0x3FB7] =	sst s0;
	s0 =	simm.s32 @!p1 $0x0  }
0x14: {  	s2 =	sld [smem:$0x3F9B];
	s0 =	simm.s32 @p1 $0x1  }
0x15: {  	[smem:$0x3FB8] =	sst s0;
	s0 =	simm.s32 @!p2 $0x0  }
0x16: {  	s3 =	sld [smem:$0x3FDB];
	s0 =	simm.s32 @p2 $0x1  }
0x17: {  	s4 =	simm.s32 $0x1BF5;
	[smem:$0x3FBA] =	sst s0  }
0x18: {  	s0 =	sld [smem:$0x3F9D];
	_ =	swait.ge [sflag:s4], $0x0  }
0x19: {  	s7 =	sld [smem:$0x3F9E]  }
0x1a: {  	s8 =	sadd.s32 $0xFFFFE003, lr  }
0x1b: {  	s9 =	sadd.s32 $0xFFFFFEF7, lr;
	s5 =	simm.s32 $0xFFFFFFFF;
	p2 =	slt.u32 s8, $0xFFFFF086  }
0x1c: {  	p1 =	slt.u32 s9, $0xF7A;
	s5 =	simm.s32 @!p2 $0x0  }
0x1d: {  	s5 =	simm.s32 @p1 $0x1;
	p0 =	seq.s32 s7, s2  }
0x1e: {  	s7 =	smul.u32 @!p0 $0xF7A, s2;
	p2 =	seq.s32 @!p0 s5, $0x0  }
0x1f: {  	s9 =	smul.u32 $0xF7A, s1;
	s8 =	simm.s32 @!p0 $0x1BF5;
	p2 =	por !p2, p0  }
0x20: {  	[sflag:s8] =	ssyncset.s32 @!p0 $0xFFFFF086;
	s6 =	sadd.s32 @!p0 s3, s7;
	s7 =	simm.s32 @!p0 $0x108  }
0x21: {  	s3 =	sadd.s32 s3, s9;
	s6 =	sadd.s32 @!p0 $0x88, s6;
	s7 =	simm.s32 @p2 $0x1082  }
0x22: {  	[simem:s7], [sflag:s8] =	dma.local @!p0 [hbm:s6], $0xF7A  }
0x23: {  	s9 =	sor.u32 $0xD0000000, s2;
	s6 =	simm.s32 $0x108;
	_ =	swait.ge @!p0 [sflag:s8], $0x0  }
0x24: {  	s3 =	sadd.s32 $0x88, s3;
	s6 =	simm.s32 @!p1 $0x1082;
	[sflag:s4] =	ssyncset.s32 $0xFFFFF086  }
0x25: {  	[simem:s6], [sflag:s4] =	dma.local [hbm:s3], $0xF7A  }
0x26: {  	[smem:$0x3F9E] =	sst s1;
	(tag) =	ssettag s2;
	_ =	strace s9  }
0x27: {  	s1 =	sld [smem:$0x3FAE]  }
0x28: {  	s2 =	sld [smem:$0x3FAF]  }
0x29: {  	s4 =	sld [smem:$0x3FB1]  }
0x2a: {  	p0 =	seq.s32 s5, $0x0;
	s5 =	sld [smem:$0x3FB2]  }
0x2b: {  	s6 =	sld [smem:$0x3FB3]  }
0x2c: {  	s7 =	sld [smem:$0x3FB4]  }
0x2d: {  	s3 =	simm.s32 $0x108;
	s8 =	sld [smem:$0x3FB5]  }
0x2e: {  	s3 =	simm.s32 @!p0 $0x1082;
	s9 =	sld [smem:$0x3FB6]  }
0x2f: {  	lr =	sadd.s32 s0, s3;
	s0 =	sld [smem:$0x3FAD]  }
0x30: {  	s3 =	sld [smem:$0x3FB0]  }
0x31: {  	[smem:$0x3FB9] =	sst s10  }
0x32: {  	s10 =	sld [smem:$0x3FB7];
	_ =	sdelay $0x3  }
0x33: {  	p0 =	seq.s32 s10, $0x1;
	s10 =	sld [smem:$0x3FB9];
	_ =	sdelay $0x3  }
0x34: {  	[smem:$0x3FB9] =	sst s10  }
0x35: {  	s10 =	sld [smem:$0x3FB8];
	_ =	sdelay $0x3  }
0x36: {  	p1 =	seq.s32 s10, $0x1;
	s10 =	sld [smem:$0x3FB9];
	_ =	sdelay $0x3  }
0x37: {  	[smem:$0x3FB9] =	sst s10  }
0x38: {  	s10 =	sld [smem:$0x3FBA]  }
0x39: {  	_ = 	snop;
	(pc) =	sbr.ind lr, $3  }
0x3a: {  	_ = 	snop  }
0x3b: {  	_ = 	snop  }
0x3c: {  	p2 =	seq.s32 s10, $0x1;
	s10 =	sld [smem:$0x3FB9]  }
0x3d: {  	_ =	shalt  }
0x3e: {  	_ =	shalt  }
0x3f: {  	_ =	shalt  }
0x40: {  	_ =	shalt  }
0x41: {  	_ =	shalt  }
0x42: {  	_ =	shalt  }
0x43: {  	_ =	shalt  }
0x44: {  	_ =	shalt  }
0x45: {  	_ =	shalt  }
0x46: {  	_ =	shalt  }
0x47: {  	_ =	shalt  }
0x48: {  	_ =	shalt  }
0x49: {  	_ =	shalt  }
0x4a: {  	_ =	shalt  }
0x4b: {  	_ =	shalt  }
0x4c: {  	_ =	shalt  }
0x4d: {  	_ =	shalt  }
0x4e: {  	_ =	shalt  }
0x4f: {  	_ =	shalt  }
0x50: {  	_ =	shalt  }
0x51: {  	_ =	shalt  }
0x52: {  	_ =	shalt  }
0x53: {  	_ =	shalt  }
0x54: {  	_ =	shalt  }
0x55: {  	_ =	shalt  }
0x56: {  	_ =	shalt  }
0x57: {  	_ =	shalt  }
0x58: {  	_ =	shalt  }
0x59: {  	_ =	shalt  }
0x5a: {  	_ =	shalt  }
0x5b: {  	_ =	shalt  }
0x5c: {  	_ =	shalt  }
0x5d: {  	_ =	shalt  }
0x5e: {  	_ =	shalt  }
0x5f: {  	_ =	shalt  }
0x60: {  	_ =	shalt  }
0x61: {  	_ =	shalt  }
0x62: {  	_ =	shalt  }
0x63: {  	_ =	shalt  }
0x64: {  	_ =	shalt  }
0x65: {  	_ =	shalt  }
0x66: {  	_ =	shalt  }
0x67: {  	_ =	shalt  }
0x68: {  	_ =	shalt  }
0x69: {  	_ =	shalt  }
0x6a: {  	_ =	shalt  }
0x6b: {  	_ =	shalt  }
0x6c: {  	_ =	shalt  }
0x6d: {  	_ =	shalt  }
0x6e: {  	_ =	shalt  }
0x6f: {  	_ =	shalt  }
0x70: {  	_ =	shalt  }
0x71: {  	_ =	shalt  }
0x72: {  	_ =	shalt  }
0x73: {  	_ =	shalt  }
0x74: {  	_ =	shalt  }
0x75: {  	_ =	shalt  }
0x76: {  	_ =	shalt  }
0x77: {  	_ =	shalt  }
0x78: {  	_ =	shalt  }
0x79: {  	_ =	shalt  }
0x7a: {  	_ =	shalt  }
0x7b: {  	_ =	shalt  }
0x7c: {  	_ =	shalt  }
0x7d: {  	_ =	shalt  }
0x7e: {  	_ =	shalt  }
0x7f: {  	_ =	shalt  }
0x80: {  	_ =	shalt  }
0x81: {  	_ =	shalt  }
0x82: {  	_ =	shalt  }
0x83: {  	_ =	shalt  }
0x84: {  	_ =	shalt  }
0x85: {  	_ =	shalt  }
0x86: {  	_ =	shalt  }
0x87: {  	_ =	shalt  }
.Lfunc_end0:
.L_simem_size_0:
called_computation_lowered:
.L_overlay_start_0:
0x88: {  	s2 =	sld [smem:$0x3FD9]  }
0x89: {  	s3 =	sld [smem:$0x3FFE];
	_ =	sdelay $0x1  }
0x8a: {  	s1 =	srdreg.scid  }
0x8b: {  	s0 =	sand.u32 $0x1, s1  }
0x8c: {  	s17 =	sshll.u32 s0, $0xA;
	s2 =	sadd.s32 s3, s2  }
0x8d: {  	s2 =	sadd.s32 s2, s17  }
0x8e: {  	[smem:$0x3FC5] =	sst s2  }
0x8f: {  	_ = 	snop  }
0x90: {  	s2 =	sld [smem:$0x3FD0];
	(tm) =	ssettm $0x1  }
0x91: {  	s18 =	sld [smem:$0x3FFB];
	_ =	sdelay $0x3  }
0x92: {  	_ =	strace s18  }
0x93: {  	s3 =	sld [smem:$0x3FFC];
	_ =	sdelay $0x3  }
0x94: {  	_ =	strace s3  }
0x95: {  	s3 =	sld [smem:$0x3FFD];
	_ =	sdelay $0x3  }
0x96: {  	_ =	strace s3  }
0x97: {  	_ =	strace $0x8FFFFFFF  }
0x98: {  	s19 =	sld [smem:$0x3FDB];
	_ =	sdelay $0x1  }
0x99: {  	s4 =	simm.s32 $_scs_section_size  }
0x9a: {  	s5 =	simm.s32 $_size__tile_overlayer_lowered;
	s6 =	simm.s32 $_tile_overlayer_lowered  }
0x9b: {  	s22 =	simm.s32 $0x1BFF;
	s21 =	sshll.u32 s6, $0x1;
	s3 =	sadd.s32 s4, s19  }
0x9c: {  	s7 =	simm.s32 $0x0;
	s20 =	sshll.u32 s5, $0x1;
	s5 =	sadd.s32 s21, s3  }
0x9d: {  	[timem:s7], [sflag:s22] =	dma.local [hbm:s5], s20  }
0x9e: {  	_ =	swait.ge [sflag:s22], s20  }
0x9f: {  	s4 =	ssub.s32 $0x0, s20;
	[sflag:s22] =	ssyncset.done $0x0  }
0xa0: {  	[sflag:s22] =	ssyncadd.s32 s4;
	_ =	sdelay $0x1  }
0xa1: {  	s23 =	simm.s32 $0x1B8B  }
0xa2: {  	_ =	swait.ge [sflag:s23], $0x1  }
0xa3: {  	[sflag:s23] =	ssyncset.done $0x0  }
0xa4: {  	s25 =	simm.s32 $0x1B8E;
	s24 =	sld [smem:$0x3FFE];
	[sflag:s23] =	ssyncadd.s32 $0xFFFFFFFF  }
0xa5: {  	s26 =	simm.s32 $execute0_lowered;
	[smem:$0x3FD2] =	sst s25  }
0xa6: {  	s5 =	sshll.u32 s26, $0x1;
	_ =	strace $0x80000046;
	[dreg:$0x1] =	wrdreg $0xFFFFFFFF  }
0xa7: {  	s28 =	simm.s32 $_size_execute0_lowered;
	s3 =	sadd.s32 s3, s5;
	[dreg:$0x0] =	wrdreg $0x0  }
0xa8: {  	s5 =	sshll.u32 s28, $0x1;
	[dreg:$0x2] =	wrdreg s3  }
0xa9: {  	[dreg:$0x3] =	wrdreg s5  }
0xaa: {  	[dreg:$0x4] =	wrdreg $0xC0  }
0xab: {  	_ =	task [dreg:s7], $0x5FFFF  }
0xac: {  	[dreg:$0x1] =	wrdreg $0xFFFFFFFF  }
0xad: {  	[dreg:$0x0] =	wrdreg $0x60  }
0xae: {  	[dreg:$0x2] =	wrdreg s24  }
0xaf: {  	[dreg:$0x3] =	wrdreg s2  }
0xb0: {  	[dreg:$0x4] =	wrdreg $0x9  }
0xb1: {  	_ =	task.clear_ibuf [dreg:s7], $0x5FFFF;
	_ =	strace $0x90000046  }
0xb2: {  	s29 =	simm.s32 $0x9;
	_ =	strace $0x80000048  }
0xb3: {  	_ =	swait.ge [sflag:s29], $0x1  }
0xb4: {  	[sflag:s29] =	ssyncadd.s32 $0xFFFFFFFF  }
0xb5: {  	_ =	strace $0x90000048  }
0xb6: {  	_ =	sfence  }
0xb7: {  	s30 =	sld [smem:$0x0];
	_ =	sdelay $0x2  }
0xb8: {  	s31 =	sshll.u32 s1, $0xD;
	s1 =	sshrl.u32 s1, $0x2  }
0xb9: {  	s3 =	sand.u32 $0x4000, s31;
	s1 =	sadd.s32 s1, s30  }
0xba: {  	s0 =	sor.u32 s3, s0;
	s1 =	sshll.u32 s1, $0x11  }
0xbb: {  	s0 =	sor.u32 s1, s0  }
0xbc: {  	s0 =	sadd.s32 $0x8F2B, s0  }
0xbd: {  	[sflag:s0] =	ssyncadd.remote.s32 $0x1  }
0xbe: {  	_ =	sfence.sel $0xFFFF  }
0xbf: {  	[dreg:$0x0] =	wrdreg $0xFFFFFFFF;
	(pc) =	sbr.abs _section_cstart, $3  }
0xc0: {  	[dreg:$0x1] =	wrdreg $0xFFFFFFFF  }
0xc1: {  	_ =	task.clear_ibuf [dreg:s7], $0x2FFFF;
	_ =	strace $0x9FFFFFFF  }
0xc2: {  	(tm) =	ssettm $0x7FFFFFFF  }
0xc3: {  	_ =	shalt  }
tec
execute0_lowered:
.L_overlay_start_1:
0x0: {  	(tag) =	ssettag $0x1  }
0x1: {  	s1 =	srdreg.scid;
	s4 =	rddreg [dreg:$0x0]  }
0x2: {  	s0 =	stileid.u32;
	s2 =	rddreg [dreg:$0x1];
	s31 =	simm.s32 $0x0  }
0x3: {  	s9 =	simm.s32 $0xA00;
	s10 =	simm.s32 $0x400;
	s11 =	simm.s32 $0x8000  }
0x4: {  	s12 =	simm.s32 $0x14280;
	s13 =	simm.s32 $0x15680;
	s14 =	simm.s32 $0x16A80  }
0x5: {  	s15 =	simm.s32 $0x17E80;
	s16 =	simm.s32 $0x3;
	s17 =	simm.s32 $0x4  }
0x6: {  	s18 =	simm.s32 $0x5;
	s5 =	sand.u32 $0x1, s1;
	s30 =	sshll.u32 s0, $0x1  }
0x7: {  	s19 =	simm.s32 $0x6;
	s20 =	simm.s32 $0x0;
	s6 =	sor.u32 s5, s30  }
0x8: {  	[smem:$0x7FF] =	sst s31;
	s5 =	ssub.s32 $0x2, s5;
	s7 =	smul.u32 $0x140, s6  }
0x9: {  	_ =	strace $0x80000047;
	s8 =	sshrl.u32 s5, $0x1;
	s6 =	sshll.u32 s6, $0xA  }
0xa: {  	s8 =	ssub.s32 s5, s8;
	s7 =	sadd.s32 s7, s4;
	s4 =	sadd.s32 $0x3000, s4  }
0xb: {  	s5 =	sadd.s32 $0x800, s7;
	s7 =	smax.u32 s8, $0x1;
	s8 =	simm.s32 $0x7  }
.LBB2_1:
0xc: {  	s0 =	simm.s32 $0x0  }
0xd: {  	[tilespmem:s0], [sflag:$0x7] =	stream.linear.gather [hbm4b:s5+s0], $0xA00, $0x38;
	[tilespmem:$0x19280] =	vst v63  }
0xe: {  	_ =	swait.ge [sflag:s8], $0xA00  }
0xf: {  	[sflag:s8] =	ssyncset.done $0x0  }
0x10: {  	s21 =	simm.s32 $0x0;
	[sflag:s8] =	ssyncadd.s32 $0xFFFFF600  }
0x11: {  	[tilespmem:s9], [sflag:$0x1] =	stream.linear.gather [hbm4b:s4+s0], $0x9C40, $0x38;
	[tilespmem:$0x19280] =	vst v63  }
.LBB2_2:
0x12: {  	p0 =	seq.s32 s21, $0x18  }
0x13: {  	s22 =	sand.u32 $0x1, s21;
	s26 =	smul.u32 @!p0 $0x9C40, s21  }
0x14: {  	s23 =	sxor.u32 @!p0 $0x1, s22;
	s25 =	sadd.s32 $0x1, s22;
	s22 =	smul.u32 $0x9C40, s22  }
0x15: {  	s24 =	smul.u32 @!p0 $0x27100, s23;
	_ =	swait.ge [sflag:s25], $0x9C40  }
0x16: {  	s23 =	sadd.s32 @!p0 $0x1, s23;
	[sflag:s25] =	ssyncset.done $0x0;
	s26 =	sshrl.u32 @!p0 s26, $0x3  }
0x17: {  	s24 =	sshrl.u32 @!p0 s24, $0x2;
	[sflag:s25] =	ssyncadd.s32 $0xFFFF63C0;
	s25 =	sadd.s32 @!p0 s4, s26  }
0x18: {  	s26 =	simm.s32 @!p0 $0x0;
	s24 =	sadd.s32 @!p0 $0xA00, s24;
	s25 =	sadd.s32 @!p0 $0x1388, s25  }
0x19: {  	[tilespmem:s24], [sflag:s23] =	stream.linear.gather @!p0 [hbm4b:s25+s26], $0x9C40, $0x38;
	[tilespmem:$0x19280] =	vst v63  }
0x1a: {  	v0 =	vmov s22;
	s22 =	smul.u32 $0x28, s21;
	s23 =	simm.s32 $0x0;
	s24 =	simm.s32 $0x0  }
.LBB2_3:
0x1b: {  	s25 =	sor.u32 s21, s24  }
0x1c: {  	p0 =	seq.s32 s25, $0x0  }
0x1d: {  	s25 =	simm.s32 @!p0 $0x3  }
0x1e: {  	_ =	swait.ge @!p0 [sflag:s25], $0x1400  }
0x1f: {  	s26 =	sshll.u32 s24, $0x9;
	[sflag:s25] =	ssyncset.done @!p0 $0x0  }
0x20: {  	[sflag:s25] =	ssyncadd.s32 @!p0 $0xFFFFEC00;
	s25 =	sand.u32 $0x3FFFFE00, s26  }
0x21: {  	v1 =	vld [tilespmem:s25+$0x0];
	_ =	sdelay $0x4  }
0x22: {  	s1 =	simm.s32 $0x1B58;
	v2 =	vadd.s32 v0, v1  }
0x23: {  	s28 =	simm.s32 $0x3E8;
	v5 =	vadd.s32 s1, v2  }
0x24: {  	s3 =	simm.s32 $0x7D0;
	v6 =	vadd.s32 s28, v2  }
0x25: {  	s30 =	simm.s32 $0xFA0;
	v7 =	vadd.s32 s3, v2  }
0x26: {  	s28 =	simm.s32 $0xBB8;
	v11 =	vadd.s32 s30, v2  }
0x27: {  	v4 =	vadd.s32 $0x1F40, v2;
	v8 =	vadd.s32 s28, v2;
	v1 =	vld.idx.msk [tilespmem:v2+s9+$0x0], $0xffff  }
0x28: {  	v3 =	vadd.s32 s23, v4;
	s28 =	simm.s32 $0x1388;
	v17 =	vld.idx.msk [tilespmem:v5+s9+$0x0], $0xffff  }
0x29: {  	s31 =	simm.s32 $0x1770;
	v12 =	vadd.s32 s28, v2;
	v19 =	vld.idx.msk [tilespmem:v6+s9+$0x0], $0xffff  }
0x2a: {  	v18 =	vadd.s32 s31, v2;
	s28 =	simm.s32 $0x1F40;
	v5 =	vld.idx.msk [tilespmem:v7+s9+$0x0], $0xffff  }
0x2b: {  	s30 =	simm.s32 $0x3A98;
	v9 =	vadd.s32 s28, v4;
	v13 =	vld.idx.msk [tilespmem:v11+s9+$0x0], $0xffff  }
0x2c: {  	s29 =	simm.s32 $0x2328;
	s31 =	simm.s32 $0x2710;
	v15 =	vadd.s32 s30, v2;
	v8 =	vld.idx.msk [tilespmem:v8+s9+$0x0], $0xffff  }
0x2d: {  	s26 =	simm.s32 $0x14480;
	v10 =	vadd.s32 s29, v2;
	s29 =	simm.s32 $0x2AF8;
	s1 =	simm.s32 $0x32C8;
	v14 =	vadd.s32 s31, v2;
	v3 =	vld.idx.msk [tilespmem:v3+s9+$0x0], $0xffff  }
0x2e: {  	s0 =	simm.s32 $0x2EE0;
	s3 =	simm.s32 $0x36B0;
	v11 =	vadd.s32 s29, v2;
	v7 =	vadd.s32 s1, v2;
	v16 =	vld.idx.msk [tilespmem:v12+s9+$0x0], $0xffff;
	[tilespmem:s26+$0x180] =	vst v17  }
0x2f: {  	s29 =	simm.s32 $0x8;
	v6 =	vadd.s32 s3, v2;
	v12 =	vadd.s32 s0, v2;
	v17 =	vld.idx.msk [tilespmem:v18+s9+$0x0], $0xffff;
	[tilespmem:s26+$0xFFFFFE80] =	vst v19  }
.LBB2_4:
0x30: {  	v18 =	vld.idx.msk [tilespmem:v9+s9+$0x0], $0xffff;
	[tilespmem:s26+$0xFFFFFF00] =	vst v5  }
0x31: {  	v19 =	vld.idx.msk [tilespmem:v15+s9+$0x0], $0xffff;
	[tilespmem:s26+$0xFFFFFF80] =	vst v8  }
0x32: {  	s29 =	sadd.s32 $0x8, s29;
	v20 =	vld.idx.msk [tilespmem:v10+s9+$0x0], $0xffff;
	[tilespmem:s26+$0x0] =	vst v13  }
0x33: {  	s28 =	sadd.s32 $0x1F40, s28;
	p1 =	slt.u32 s29, $0x20;
	v5 =	vld.idx.msk [tilespmem:v14+s9+$0x0], $0xffff;
	[tilespmem:s26+$0x80] =	vst v16  }
.Ltmp0:
0x34: {  	v9 =	vadd.s32 s28, v4;
	s30 =	sadd.s32 $0x3E8, s28;
	s31 =	sadd.s32 $0x1B58, s28;
	v8 =	vld.idx.msk [tilespmem:v11+s9+$0x0], $0xffff;
	[tilespmem:s26+$0x100] =	vst v17;
	(pc) =	sbr.rel @p1 .LBB2_4-.Ltmp0, $4  }
0x35: {  	s1 =	sadd.s32 $0xBB8, s28;
	v10 =	vadd.s32 s30, v2;
	s30 =	sadd.s32 $0x7D0, s28;
	v15 =	vadd.s32 s31, v2;
	v13 =	vld.idx.msk [tilespmem:v12+s9+$0x0], $0xffff;
	[tilespmem:s26+$0xFFFFFE00] =	vst v1;
	v1 =	vmov v3  }
0x36: {  	v14 =	vadd.s32 s30, v2;
	s30 =	sadd.s32 $0x1388, s28;
	v11 =	vadd.s32 s1, v2;
	s1 =	sadd.s32 $0xFA0, s28;
	s26 =	sadd.s32 $0x400, s26;
	v3 =	vmov v18;
	v16 =	vld.idx.msk [tilespmem:v7+s9+$0x0], $0xffff  }
0x37: {  	v12 =	vadd.s32 s1, v2;
	s1 =	sadd.s32 $0x1770, s28;
	v7 =	vadd.s32 s30, v2;
	v17 =	vld.idx.msk [tilespmem:v6+s9+$0x0], $0xffff;
	[tilespmem:s26+$0x180] =	vst v19  }
0x38: {  	v6 =	vadd.s32 s1, v2;
	[tilespmem:s26+$0xFFFFFE80] =	vst v20  }
0x39: {  	_ =	sdelay $0x1  }
0x3a: {  	[tilespmem:s26+$0xFFFFFF00] =	vst v5  }
0x3b: {  	[tilespmem:s26+$0xFFFFFF80] =	vst v8  }
0x3c: {  	v2 =	vld.idx.msk [tilespmem:v15+s9+$0x0], $0xffff;
	[tilespmem:s26+$0xFFFFFE00] =	vst v1  }
0x3d: {  	v4 =	vld.idx.msk [tilespmem:v10+s9+$0x0], $0xffff;
	s1 =	sadd.s32 $0x400, s26;
	[tilespmem:s26+$0x0] =	vst v13  }
0x3e: {  	v5 =	vld.idx.msk [tilespmem:v14+s9+$0x0], $0xffff;
	[tilespmem:s1+$0xFFFFFE00] =	vst v3  }
0x3f: {  	v8 =	vld.idx.msk [tilespmem:v11+s9+$0x0], $0xffff;
	[tilespmem:s26+$0x80] =	vst v16  }
0x40: {  	v9 =	vld.idx.msk [tilespmem:v12+s9+$0x0], $0xffff;
	[tilespmem:s26+$0x100] =	vst v17  }
0x41: {  	v1 =	vld.idx.msk [tilespmem:v7+s9+$0x0], $0xffff;
	[tilespmem:s1+$0x180] =	vst v2  }
0x42: {  	v2 =	vld.idx.msk [tilespmem:v6+s9+$0x0], $0xffff;
	[tilespmem:s1+$0xFFFFFE80] =	vst v4  }
0x43: {  	[tilespmem:s1+$0xFFFFFF00] =	vst v5  }
0x44: {  	[tilespmem:s1+$0xFFFFFF80] =	vst v8  }
0x45: {  	[tilespmem:s1+$0x0] =	vst v9  }
0x46: {  	[tilespmem:s1+$0x80] =	vst v1  }
0x47: {  	[tilespmem:s1+$0x100] =	vst v2  }
0x48: {  	v1 =	vld [tilespmem:s25+$0x10];
	_ =	sdelay $0x4  }
0x49: {  	s0 =	simm.s32 $0x1B58;
	v1 =	vadd.s32 v0, v1  }
0x4a: {  	s3 =	simm.s32 $0x3E8;
	v5 =	vadd.s32 s0, v1  }
0x4b: {  	s30 =	simm.s32 $0x7D0;
	v6 =	vadd.s32 s3, v1  }
0x4c: {  	s31 =	simm.s32 $0x0;
	v3 =	vadd.s32 $0x1F40, v1;
	v7 =	vadd.s32 s30, v1  }
0x4d: {  	v4 =	vadd.s32 s31, v3;
	s31 =	simm.s32 $0xBB8  }
0x4e: {  	s0 =	simm.s32 $0xFA0;
	v8 =	vadd.s32 s31, v1;
	v2 =	vld.idx.msk [tilespmem:v1+s9+$0x0], $0xffff  }
0x4f: {  	s3 =	simm.s32 $0x1388;
	v11 =	vadd.s32 s0, v1;
	v17 =	vld.idx.msk [tilespmem:v5+s9+$0x0], $0xffff  }
0x50: {  	s30 =	simm.s32 $0x1770;
	v12 =	vadd.s32 s3, v1;
	v19 =	vld.idx.msk [tilespmem:v6+s9+$0x0], $0xffff  }
0x51: {  	s28 =	simm.s32 $0x1F40;
	v18 =	vadd.s32 s30, v1;
	v5 =	vld.idx.msk [tilespmem:v7+s9+$0x0], $0xffff  }
0x52: {  	s29 =	simm.s32 $0x3A98;
	v9 =	vadd.s32 s28, v3;
	v4 =	vld.idx.msk [tilespmem:v4+s9+$0x0], $0xffff  }
0x53: {  	v15 =	vadd.s32 s29, v1;
	s30 =	simm.s32 $0x2710;
	s31 =	simm.s32 $0x2328;
	v8 =	vld.idx.msk [tilespmem:v8+s9+$0x0], $0xffff  }
0x54: {  	s26 =	simm.s32 $0x14490;
	s3 =	simm.s32 $0x32C8;
	v14 =	vadd.s32 s30, v1;
	v10 =	vadd.s32 s31, v1;
	s31 =	simm.s32 $0x36B0;
	v13 =	vld.idx.msk [tilespmem:v11+s9+$0x0], $0xffff  }
0x55: {  	s29 =	simm.s32 $0x2EE0;
	s0 =	simm.s32 $0x2AF8;
	v7 =	vadd.s32 s3, v1;
	v6 =	vadd.s32 s31, v1;
	v16 =	vld.idx.msk [tilespmem:v12+s9+$0x0], $0xffff;
	[tilespmem:s26+$0x180] =	vst v17  }
0x56: {  	v11 =	vadd.s32 s0, v1;
	v12 =	vadd.s32 s29, v1;
	s29 =	simm.s32 $0x8;
	v17 =	vld.idx.msk [tilespmem:v18+s9+$0x0], $0xffff;
	[tilespmem:s26+$0xFFFFFE80] =	vst v19  }
.LBB2_6:
0x57: {  	v18 =	vld.idx.msk [tilespmem:v9+s9+$0x0], $0xffff;
	[tilespmem:s26+$0xFFFFFF00] =	vst v5  }
0x58: {  	v19 =	vld.idx.msk [tilespmem:v15+s9+$0x0], $0xffff;
	[tilespmem:s26+$0xFFFFFF80] =	vst v8  }
0x59: {  	s29 =	sadd.s32 $0x8, s29;
	v20 =	vld.idx.msk [tilespmem:v10+s9+$0x0], $0xffff;
	[tilespmem:s26+$0x0] =	vst v13  }
0x5a: {  	s28 =	sadd.s32 $0x1F40, s28;
	p1 =	slt.u32 s29, $0x20;
	v5 =	vld.idx.msk [tilespmem:v14+s9+$0x0], $0xffff;
	[tilespmem:s26+$0x80] =	vst v16  }
.Ltmp1:
0x5b: {  	v9 =	vadd.s32 s28, v3;
	s1 =	sadd.s32 $0x3E8, s28;
	s30 =	sadd.s32 $0x1B58, s28;
	v8 =	vld.idx.msk [tilespmem:v11+s9+$0x0], $0xffff;
	[tilespmem:s26+$0x100] =	vst v17;
	(pc) =	sbr.rel @p1 .LBB2_6-.Ltmp1, $4  }
0x5c: {  	s31 =	sadd.s32 $0xBB8, s28;
	v10 =	vadd.s32 s1, v1;
	s1 =	sadd.s32 $0x7D0, s28;
	v15 =	vadd.s32 s30, v1;
	v13 =	vld.idx.msk [tilespmem:v12+s9+$0x0], $0xffff;
	[tilespmem:s26+$0xFFFFFE00] =	vst v2;
	v2 =	vmov v4  }
0x5d: {  	s30 =	sadd.s32 $0x1388, s28;
	v14 =	vadd.s32 s1, v1;
	s1 =	sadd.s32 $0xFA0, s28;
	v11 =	vadd.s32 s31, v1;
	s26 =	sadd.s32 $0x400, s26;
	v4 =	vmov v18;
	v16 =	vld.idx.msk [tilespmem:v7+s9+$0x0], $0xffff  }
0x5e: {  	v12 =	vadd.s32 s1, v1;
	s1 =	sadd.s32 $0x1770, s28;
	v7 =	vadd.s32 s30, v1;
	v17 =	vld.idx.msk [tilespmem:v6+s9+$0x0], $0xffff;
	[tilespmem:s26+$0x180] =	vst v19  }
0x5f: {  	v6 =	vadd.s32 s1, v1;
	[tilespmem:s26+$0xFFFFFE80] =	vst v20  }
0x60: {  	_ =	sdelay $0x1  }
0x61: {  	[tilespmem:s26+$0xFFFFFF00] =	vst v5  }
0x62: {  	[tilespmem:s26+$0xFFFFFF80] =	vst v8  }
0x63: {  	v1 =	vld.idx.msk [tilespmem:v15+s9+$0x0], $0xffff;
	[tilespmem:s26+$0xFFFFFE00] =	vst v2  }
0x64: {  	v3 =	vld.idx.msk [tilespmem:v10+s9+$0x0], $0xffff;
	s1 =	sadd.s32 $0x400, s26;
	[tilespmem:s26+$0x0] =	vst v13  }
0x65: {  	v5 =	vld.idx.msk [tilespmem:v14+s9+$0x0], $0xffff;
	[tilespmem:s1+$0xFFFFFE00] =	vst v4  }
0x66: {  	v8 =	vld.idx.msk [tilespmem:v11+s9+$0x0], $0xffff;
	[tilespmem:s26+$0x80] =	vst v16  }
0x67: {  	v9 =	vld.idx.msk [tilespmem:v12+s9+$0x0], $0xffff;
	[tilespmem:s26+$0x100] =	vst v17  }
0x68: {  	v2 =	vld.idx.msk [tilespmem:v7+s9+$0x0], $0xffff;
	[tilespmem:s1+$0x180] =	vst v1  }
0x69: {  	v1 =	vld.idx.msk [tilespmem:v6+s9+$0x0], $0xffff;
	[tilespmem:s1+$0xFFFFFE80] =	vst v3  }
0x6a: {  	[tilespmem:s1+$0xFFFFFF00] =	vst v5  }
0x6b: {  	[tilespmem:s1+$0xFFFFFF80] =	vst v8  }
0x6c: {  	[tilespmem:s1+$0x0] =	vst v9  }
0x6d: {  	[tilespmem:s1+$0x80] =	vst v2  }
0x6e: {  	[tilespmem:s1+$0x100] =	vst v1  }
0x6f: {  	v1 =	vld [tilespmem:s25+$0x20];
	_ =	sdelay $0x4  }
0x70: {  	s0 =	simm.s32 $0x1B58;
	v1 =	vadd.s32 v0, v1  }
0x71: {  	s3 =	simm.s32 $0x3E8;
	v5 =	vadd.s32 s0, v1  }
0x72: {  	s30 =	simm.s32 $0x7D0;
	v6 =	vadd.s32 s3, v1  }
0x73: {  	s31 =	simm.s32 $0x0;
	v3 =	vadd.s32 $0x1F40, v1;
	v7 =	vadd.s32 s30, v1  }
0x74: {  	v4 =	vadd.s32 s31, v3;
	s31 =	simm.s32 $0xBB8  }
0x75: {  	s0 =	simm.s32 $0xFA0;
	v8 =	vadd.s32 s31, v1;
	v2 =	vld.idx.msk [tilespmem:v1+s9+$0x0], $0xffff  }
0x76: {  	s3 =	simm.s32 $0x1388;
	v11 =	vadd.s32 s0, v1;
	v17 =	vld.idx.msk [tilespmem:v5+s9+$0x0], $0xffff  }
0x77: {  	s30 =	simm.s32 $0x1770;
	v12 =	vadd.s32 s3, v1;
	v19 =	vld.idx.msk [tilespmem:v6+s9+$0x0], $0xffff  }
0x78: {  	s28 =	simm.s32 $0x1F40;
	v18 =	vadd.s32 s30, v1;
	v5 =	vld.idx.msk [tilespmem:v7+s9+$0x0], $0xffff  }
0x79: {  	s29 =	simm.s32 $0x3A98;
	v9 =	vadd.s32 s28, v3;
	v4 =	vld.idx.msk [tilespmem:v4+s9+$0x0], $0xffff  }
0x7a: {  	v15 =	vadd.s32 s29, v1;
	s30 =	simm.s32 $0x2710;
	s31 =	simm.s32 $0x2328;
	v8 =	vld.idx.msk [tilespmem:v8+s9+$0x0], $0xffff  }
0x7b: {  	s26 =	simm.s32 $0x144A0;
	s3 =	simm.s32 $0x32C8;
	v14 =	vadd.s32 s30, v1;
	v10 =	vadd.s32 s31, v1;
	s31 =	simm.s32 $0x36B0;
	v13 =	vld.idx.msk [tilespmem:v11+s9+$0x0], $0xffff  }
0x7c: {  	s29 =	simm.s32 $0x2EE0;
	s0 =	simm.s32 $0x2AF8;
	v7 =	vadd.s32 s3, v1;
	v6 =	vadd.s32 s31, v1;
	v16 =	vld.idx.msk [tilespmem:v12+s9+$0x0], $0xffff;
	[tilespmem:s26+$0x180] =	vst v17  }
0x7d: {  	v11 =	vadd.s32 s0, v1;
	v12 =	vadd.s32 s29, v1;
	s29 =	simm.s32 $0x8;
	v17 =	vld.idx.msk [tilespmem:v18+s9+$0x0], $0xffff;
	[tilespmem:s26+$0xFFFFFE80] =	vst v19  }
.LBB2_8:
0x7e: {  	v18 =	vld.idx.msk [tilespmem:v9+s9+$0x0], $0xffff;
	[tilespmem:s26+$0xFFFFFF00] =	vst v5  }
0x7f: {  	v19 =	vld.idx.msk [tilespmem:v15+s9+$0x0], $0xffff;
	[tilespmem:s26+$0xFFFFFF80] =	vst v8  }
0x80: {  	s29 =	sadd.s32 $0x8, s29;
	v20 =	vld.idx.msk [tilespmem:v10+s9+$0x0], $0xffff;
	[tilespmem:s26+$0x0] =	vst v13  }
0x81: {  	s28 =	sadd.s32 $0x1F40, s28;
	p1 =	slt.u32 s29, $0x20;
	v5 =	vld.idx.msk [tilespmem:v14+s9+$0x0], $0xffff;
	[tilespmem:s26+$0x80] =	vst v16  }
.Ltmp2:
0x82: {  	v9 =	vadd.s32 s28, v3;
	s1 =	sadd.s32 $0x3E8, s28;
	s30 =	sadd.s32 $0x1B58, s28;
	v8 =	vld.idx.msk [tilespmem:v11+s9+$0x0], $0xffff;
	[tilespmem:s26+$0x100] =	vst v17;
	(pc) =	sbr.rel @p1 .LBB2_8-.Ltmp2, $4  }
0x83: {  	s31 =	sadd.s32 $0xBB8, s28;
	v10 =	vadd.s32 s1, v1;
	s1 =	sadd.s32 $0x7D0, s28;
	v15 =	vadd.s32 s30, v1;
	v13 =	vld.idx.msk [tilespmem:v12+s9+$0x0], $0xffff;
	[tilespmem:s26+$0xFFFFFE00] =	vst v2;
	v2 =	vmov v4  }
0x84: {  	s30 =	sadd.s32 $0x1388, s28;
	v14 =	vadd.s32 s1, v1;
	s1 =	sadd.s32 $0xFA0, s28;
	v11 =	vadd.s32 s31, v1;
	s26 =	sadd.s32 $0x400, s26;
	v4 =	vmov v18;
	v16 =	vld.idx.msk [tilespmem:v7+s9+$0x0], $0xffff  }
0x85: {  	v12 =	vadd.s32 s1, v1;
	s1 =	sadd.s32 $0x1770, s28;
	v7 =	vadd.s32 s30, v1;
	v17 =	vld.idx.msk [tilespmem:v6+s9+$0x0], $0xffff;
	[tilespmem:s26+$0x180] =	vst v19  }
0x86: {  	v6 =	vadd.s32 s1, v1;
	[tilespmem:s26+$0xFFFFFE80] =	vst v20  }
0x87: {  	_ =	sdelay $0x1  }
0x88: {  	[tilespmem:s26+$0xFFFFFF00] =	vst v5  }
0x89: {  	[tilespmem:s26+$0xFFFFFF80] =	vst v8  }
0x8a: {  	v1 =	vld.idx.msk [tilespmem:v15+s9+$0x0], $0xffff;
	[tilespmem:s26+$0xFFFFFE00] =	vst v2  }
0x8b: {  	v3 =	vld.idx.msk [tilespmem:v10+s9+$0x0], $0xffff;
	s1 =	sadd.s32 $0x400, s26;
	[tilespmem:s26+$0x0] =	vst v13  }
0x8c: {  	v5 =	vld.idx.msk [tilespmem:v14+s9+$0x0], $0xffff;
	[tilespmem:s1+$0xFFFFFE00] =	vst v4  }
0x8d: {  	v8 =	vld.idx.msk [tilespmem:v11+s9+$0x0], $0xffff;
	[tilespmem:s26+$0x80] =	vst v16  }
0x8e: {  	v9 =	vld.idx.msk [tilespmem:v12+s9+$0x0], $0xffff;
	[tilespmem:s26+$0x100] =	vst v17  }
0x8f: {  	v2 =	vld.idx.msk [tilespmem:v7+s9+$0x0], $0xffff;
	[tilespmem:s1+$0x180] =	vst v1  }
0x90: {  	v1 =	vld.idx.msk [tilespmem:v6+s9+$0x0], $0xffff;
	[tilespmem:s1+$0xFFFFFE80] =	vst v3  }
0x91: {  	[tilespmem:s1+$0xFFFFFF00] =	vst v5  }
0x92: {  	[tilespmem:s1+$0xFFFFFF80] =	vst v8  }
0x93: {  	[tilespmem:s1+$0x0] =	vst v9  }
0x94: {  	[tilespmem:s1+$0x80] =	vst v2  }
0x95: {  	[tilespmem:s1+$0x100] =	vst v1  }
0x96: {  	v1 =	vld [tilespmem:s25+$0x30];
	_ =	sdelay $0x4  }
0x97: {  	s0 =	simm.s32 $0x1B58;
	v1 =	vadd.s32 v0, v1  }
0x98: {  	s3 =	simm.s32 $0x3E8;
	v5 =	vadd.s32 s0, v1  }
0x99: {  	s30 =	simm.s32 $0x7D0;
	v6 =	vadd.s32 s3, v1  }
0x9a: {  	s31 =	simm.s32 $0x0;
	v3 =	vadd.s32 $0x1F40, v1;
	v7 =	vadd.s32 s30, v1  }
0x9b: {  	v4 =	vadd.s32 s31, v3;
	s31 =	simm.s32 $0xBB8  }
0x9c: {  	s0 =	simm.s32 $0xFA0;
	v8 =	vadd.s32 s31, v1;
	v2 =	vld.idx.msk [tilespmem:v1+s9+$0x0], $0xffff  }
0x9d: {  	s3 =	simm.s32 $0x1388;
	v11 =	vadd.s32 s0, v1;
	v17 =	vld.idx.msk [tilespmem:v5+s9+$0x0], $0xffff  }
0x9e: {  	s30 =	simm.s32 $0x1770;
	v12 =	vadd.s32 s3, v1;
	v19 =	vld.idx.msk [tilespmem:v6+s9+$0x0], $0xffff  }
0x9f: {  	s28 =	simm.s32 $0x1F40;
	v18 =	vadd.s32 s30, v1;
	v5 =	vld.idx.msk [tilespmem:v7+s9+$0x0], $0xffff  }
0xa0: {  	s29 =	simm.s32 $0x3A98;
	v9 =	vadd.s32 s28, v3;
	v4 =	vld.idx.msk [tilespmem:v4+s9+$0x0], $0xffff  }
0xa1: {  	v15 =	vadd.s32 s29, v1;
	s30 =	simm.s32 $0x2710;
	s31 =	simm.s32 $0x2328;
	v8 =	vld.idx.msk [tilespmem:v8+s9+$0x0], $0xffff  }
0xa2: {  	s26 =	simm.s32 $0x144B0;
	s3 =	simm.s32 $0x32C8;
	v14 =	vadd.s32 s30, v1;
	v10 =	vadd.s32 s31, v1;
	s31 =	simm.s32 $0x36B0;
	v13 =	vld.idx.msk [tilespmem:v11+s9+$0x0], $0xffff  }
0xa3: {  	s29 =	simm.s32 $0x2EE0;
	s0 =	simm.s32 $0x2AF8;
	v7 =	vadd.s32 s3, v1;
	v6 =	vadd.s32 s31, v1;
	v16 =	vld.idx.msk [tilespmem:v12+s9+$0x0], $0xffff;
	[tilespmem:s26+$0x180] =	vst v17  }
0xa4: {  	v11 =	vadd.s32 s0, v1;
	v12 =	vadd.s32 s29, v1;
	s29 =	simm.s32 $0x8;
	v17 =	vld.idx.msk [tilespmem:v18+s9+$0x0], $0xffff;
	[tilespmem:s26+$0xFFFFFE80] =	vst v19  }
.LBB2_10:
0xa5: {  	v18 =	vld.idx.msk [tilespmem:v9+s9+$0x0], $0xffff;
	[tilespmem:s26+$0xFFFFFF00] =	vst v5  }
0xa6: {  	v19 =	vld.idx.msk [tilespmem:v15+s9+$0x0], $0xffff;
	[tilespmem:s26+$0xFFFFFF80] =	vst v8  }
0xa7: {  	s29 =	sadd.s32 $0x8, s29;
	v20 =	vld.idx.msk [tilespmem:v10+s9+$0x0], $0xffff;
	[tilespmem:s26+$0x0] =	vst v13  }
0xa8: {  	s28 =	sadd.s32 $0x1F40, s28;
	p1 =	slt.u32 s29, $0x20;
	v5 =	vld.idx.msk [tilespmem:v14+s9+$0x0], $0xffff;
	[tilespmem:s26+$0x80] =	vst v16  }
.Ltmp3:
0xa9: {  	v9 =	vadd.s32 s28, v3;
	s1 =	sadd.s32 $0x3E8, s28;
	s30 =	sadd.s32 $0x1B58, s28;
	v8 =	vld.idx.msk [tilespmem:v11+s9+$0x0], $0xffff;
	[tilespmem:s26+$0x100] =	vst v17;
	(pc) =	sbr.rel @p1 .LBB2_10-.Ltmp3, $4  }
0xaa: {  	s31 =	sadd.s32 $0xBB8, s28;
	v10 =	vadd.s32 s1, v1;
	s1 =	sadd.s32 $0x7D0, s28;
	v15 =	vadd.s32 s30, v1;
	v13 =	vld.idx.msk [tilespmem:v12+s9+$0x0], $0xffff;
	[tilespmem:s26+$0xFFFFFE00] =	vst v2;
	v2 =	vmov v4  }
0xab: {  	s30 =	sadd.s32 $0x1388, s28;
	v14 =	vadd.s32 s1, v1;
	s1 =	sadd.s32 $0xFA0, s28;
	v11 =	vadd.s32 s31, v1;
	s26 =	sadd.s32 $0x400, s26;
	v4 =	vmov v18;
	v16 =	vld.idx.msk [tilespmem:v7+s9+$0x0], $0xffff  }
0xac: {  	v12 =	vadd.s32 s1, v1;
	s1 =	sadd.s32 $0x1770, s28;
	v7 =	vadd.s32 s30, v1;
	v17 =	vld.idx.msk [tilespmem:v6+s9+$0x0], $0xffff;
	[tilespmem:s26+$0x180] =	vst v19  }
0xad: {  	v6 =	vadd.s32 s1, v1;
	[tilespmem:s26+$0xFFFFFE80] =	vst v20  }
0xae: {  	_ =	sdelay $0x1  }
0xaf: {  	[tilespmem:s26+$0xFFFFFF00] =	vst v5  }
0xb0: {  	[tilespmem:s26+$0xFFFFFF80] =	vst v8  }
0xb1: {  	v1 =	vld.idx.msk [tilespmem:v15+s9+$0x0], $0xffff;
	[tilespmem:s26+$0xFFFFFE00] =	vst v2  }
0xb2: {  	v3 =	vld.idx.msk [tilespmem:v10+s9+$0x0], $0xffff;
	s1 =	sadd.s32 $0x400, s26;
	[tilespmem:s26+$0x0] =	vst v13  }
0xb3: {  	v5 =	vld.idx.msk [tilespmem:v14+s9+$0x0], $0xffff;
	[tilespmem:s1+$0xFFFFFE00] =	vst v4  }
0xb4: {  	v8 =	vld.idx.msk [tilespmem:v11+s9+$0x0], $0xffff;
	[tilespmem:s26+$0x80] =	vst v16  }
0xb5: {  	v9 =	vld.idx.msk [tilespmem:v12+s9+$0x0], $0xffff;
	[tilespmem:s26+$0x100] =	vst v17  }
0xb6: {  	v2 =	vld.idx.msk [tilespmem:v7+s9+$0x0], $0xffff;
	[tilespmem:s1+$0x180] =	vst v1  }
0xb7: {  	v1 =	vld.idx.msk [tilespmem:v6+s9+$0x0], $0xffff;
	[tilespmem:s1+$0xFFFFFE80] =	vst v3  }
0xb8: {  	[tilespmem:s1+$0xFFFFFF00] =	vst v5  }
0xb9: {  	[tilespmem:s1+$0xFFFFFF80] =	vst v8  }
0xba: {  	[tilespmem:s1+$0x0] =	vst v9  }
0xbb: {  	[tilespmem:s1+$0x80] =	vst v2  }
0xbc: {  	[tilespmem:s1+$0x100] =	vst v1  }
0xbd: {  	v1 =	vld [tilespmem:s25+$0x40];
	_ =	sdelay $0x4  }
0xbe: {  	s0 =	simm.s32 $0x1B58;
	v1 =	vadd.s32 v0, v1  }
0xbf: {  	s3 =	simm.s32 $0x3E8;
	v5 =	vadd.s32 s0, v1  }
0xc0: {  	s30 =	simm.s32 $0x7D0;
	v6 =	vadd.s32 s3, v1  }
0xc1: {  	s31 =	simm.s32 $0x0;
	v3 =	vadd.s32 $0x1F40, v1;
	v7 =	vadd.s32 s30, v1  }
0xc2: {  	v4 =	vadd.s32 s31, v3;
	s31 =	simm.s32 $0xBB8  }
0xc3: {  	s0 =	simm.s32 $0xFA0;
	v8 =	vadd.s32 s31, v1;
	v2 =	vld.idx.msk [tilespmem:v1+s9+$0x0], $0xffff  }
0xc4: {  	s3 =	simm.s32 $0x1388;
	v11 =	vadd.s32 s0, v1;
	v17 =	vld.idx.msk [tilespmem:v5+s9+$0x0], $0xffff  }
0xc5: {  	s30 =	simm.s32 $0x1770;
	v12 =	vadd.s32 s3, v1;
	v19 =	vld.idx.msk [tilespmem:v6+s9+$0x0], $0xffff  }
0xc6: {  	s28 =	simm.s32 $0x1F40;
	v18 =	vadd.s32 s30, v1;
	v5 =	vld.idx.msk [tilespmem:v7+s9+$0x0], $0xffff  }
0xc7: {  	s29 =	simm.s32 $0x3A98;
	v9 =	vadd.s32 s28, v3;
	v4 =	vld.idx.msk [tilespmem:v4+s9+$0x0], $0xffff  }
0xc8: {  	v15 =	vadd.s32 s29, v1;
	s30 =	simm.s32 $0x2710;
	s31 =	simm.s32 $0x2328;
	v8 =	vld.idx.msk [tilespmem:v8+s9+$0x0], $0xffff  }
0xc9: {  	s26 =	simm.s32 $0x144C0;
	s3 =	simm.s32 $0x32C8;
	v14 =	vadd.s32 s30, v1;
	v10 =	vadd.s32 s31, v1;
	s31 =	simm.s32 $0x36B0;
	v13 =	vld.idx.msk [tilespmem:v11+s9+$0x0], $0xffff  }
0xca: {  	s29 =	simm.s32 $0x2EE0;
	s0 =	simm.s32 $0x2AF8;
	v7 =	vadd.s32 s3, v1;
	v6 =	vadd.s32 s31, v1;
	v16 =	vld.idx.msk [tilespmem:v12+s9+$0x0], $0xffff;
	[tilespmem:s26+$0x180] =	vst v17  }
0xcb: {  	v11 =	vadd.s32 s0, v1;
	v12 =	vadd.s32 s29, v1;
	s29 =	simm.s32 $0x8;
	v17 =	vld.idx.msk [tilespmem:v18+s9+$0x0], $0xffff;
	[tilespmem:s26+$0xFFFFFE80] =	vst v19  }
.LBB2_12:
0xcc: {  	v18 =	vld.idx.msk [tilespmem:v9+s9+$0x0], $0xffff;
	[tilespmem:s26+$0xFFFFFF00] =	vst v5  }
0xcd: {  	v19 =	vld.idx.msk [tilespmem:v15+s9+$0x0], $0xffff;
	[tilespmem:s26+$0xFFFFFF80] =	vst v8  }
0xce: {  	s29 =	sadd.s32 $0x8, s29;
	v20 =	vld.idx.msk [tilespmem:v10+s9+$0x0], $0xffff;
	[tilespmem:s26+$0x0] =	vst v13  }
0xcf: {  	s28 =	sadd.s32 $0x1F40, s28;
	p1 =	slt.u32 s29, $0x20;
	v5 =	vld.idx.msk [tilespmem:v14+s9+$0x0], $0xffff;
	[tilespmem:s26+$0x80] =	vst v16  }
.Ltmp4:
0xd0: {  	v9 =	vadd.s32 s28, v3;
	s1 =	sadd.s32 $0x3E8, s28;
	s30 =	sadd.s32 $0x1B58, s28;
	v8 =	vld.idx.msk [tilespmem:v11+s9+$0x0], $0xffff;
	[tilespmem:s26+$0x100] =	vst v17;
	(pc) =	sbr.rel @p1 .LBB2_12-.Ltmp4, $4  }
0xd1: {  	s31 =	sadd.s32 $0xBB8, s28;
	v10 =	vadd.s32 s1, v1;
	s1 =	sadd.s32 $0x7D0, s28;
	v15 =	vadd.s32 s30, v1;
	v13 =	vld.idx.msk [tilespmem:v12+s9+$0x0], $0xffff;
	[tilespmem:s26+$0xFFFFFE00] =	vst v2;
	v2 =	vmov v4  }
0xd2: {  	s30 =	sadd.s32 $0x1388, s28;
	v14 =	vadd.s32 s1, v1;
	s1 =	sadd.s32 $0xFA0, s28;
	v11 =	vadd.s32 s31, v1;
	s26 =	sadd.s32 $0x400, s26;
	v4 =	vmov v18;
	v16 =	vld.idx.msk [tilespmem:v7+s9+$0x0], $0xffff  }
0xd3: {  	v12 =	vadd.s32 s1, v1;
	s1 =	sadd.s32 $0x1770, s28;
	v7 =	vadd.s32 s30, v1;
	v17 =	vld.idx.msk [tilespmem:v6+s9+$0x0], $0xffff;
	[tilespmem:s26+$0x180] =	vst v19  }
0xd4: {  	v6 =	vadd.s32 s1, v1;
	[tilespmem:s26+$0xFFFFFE80] =	vst v20  }
0xd5: {  	_ =	sdelay $0x1  }
0xd6: {  	[tilespmem:s26+$0xFFFFFF00] =	vst v5  }
0xd7: {  	[tilespmem:s26+$0xFFFFFF80] =	vst v8  }
0xd8: {  	v1 =	vld.idx.msk [tilespmem:v15+s9+$0x0], $0xffff;
	[tilespmem:s26+$0xFFFFFE00] =	vst v2  }
0xd9: {  	v3 =	vld.idx.msk [tilespmem:v10+s9+$0x0], $0xffff;
	s1 =	sadd.s32 $0x400, s26;
	[tilespmem:s26+$0x0] =	vst v13  }
0xda: {  	v5 =	vld.idx.msk [tilespmem:v14+s9+$0x0], $0xffff;
	[tilespmem:s1+$0xFFFFFE00] =	vst v4  }
0xdb: {  	v8 =	vld.idx.msk [tilespmem:v11+s9+$0x0], $0xffff;
	[tilespmem:s26+$0x80] =	vst v16  }
0xdc: {  	v9 =	vld.idx.msk [tilespmem:v12+s9+$0x0], $0xffff;
	[tilespmem:s26+$0x100] =	vst v17  }
0xdd: {  	v2 =	vld.idx.msk [tilespmem:v7+s9+$0x0], $0xffff;
	[tilespmem:s1+$0x180] =	vst v1  }
0xde: {  	v1 =	vld.idx.msk [tilespmem:v6+s9+$0x0], $0xffff;
	[tilespmem:s1+$0xFFFFFE80] =	vst v3  }
0xdf: {  	[tilespmem:s1+$0xFFFFFF00] =	vst v5  }
0xe0: {  	[tilespmem:s1+$0xFFFFFF80] =	vst v8  }
0xe1: {  	[tilespmem:s1+$0x0] =	vst v9  }
0xe2: {  	[tilespmem:s1+$0x80] =	vst v2  }
0xe3: {  	[tilespmem:s1+$0x100] =	vst v1  }
0xe4: {  	v1 =	vld [tilespmem:s25+$0x50];
	_ =	sdelay $0x4  }
0xe5: {  	s0 =	simm.s32 $0x1B58;
	v1 =	vadd.s32 v0, v1  }
0xe6: {  	s3 =	simm.s32 $0x3E8;
	v5 =	vadd.s32 s0, v1  }
0xe7: {  	s30 =	simm.s32 $0x7D0;
	v6 =	vadd.s32 s3, v1  }
0xe8: {  	s31 =	simm.s32 $0x0;
	v3 =	vadd.s32 $0x1F40, v1;
	v7 =	vadd.s32 s30, v1  }
0xe9: {  	v4 =	vadd.s32 s31, v3;
	s31 =	simm.s32 $0xBB8  }
0xea: {  	s0 =	simm.s32 $0xFA0;
	v8 =	vadd.s32 s31, v1;
	v2 =	vld.idx.msk [tilespmem:v1+s9+$0x0], $0xffff  }
0xeb: {  	s3 =	simm.s32 $0x1388;
	v11 =	vadd.s32 s0, v1;
	v17 =	vld.idx.msk [tilespmem:v5+s9+$0x0], $0xffff  }
0xec: {  	s30 =	simm.s32 $0x1770;
	v12 =	vadd.s32 s3, v1;
	v19 =	vld.idx.msk [tilespmem:v6+s9+$0x0], $0xffff  }
0xed: {  	s28 =	simm.s32 $0x1F40;
	v18 =	vadd.s32 s30, v1;
	v5 =	vld.idx.msk [tilespmem:v7+s9+$0x0], $0xffff  }
0xee: {  	s29 =	simm.s32 $0x3A98;
	v9 =	vadd.s32 s28, v3;
	v4 =	vld.idx.msk [tilespmem:v4+s9+$0x0], $0xffff  }
0xef: {  	v15 =	vadd.s32 s29, v1;
	s30 =	simm.s32 $0x2710;
	s31 =	simm.s32 $0x2328;
	v8 =	vld.idx.msk [tilespmem:v8+s9+$0x0], $0xffff  }
0xf0: {  	s26 =	simm.s32 $0x144D0;
	s3 =	simm.s32 $0x32C8;
	v14 =	vadd.s32 s30, v1;
	v10 =	vadd.s32 s31, v1;
	s31 =	simm.s32 $0x36B0;
	v13 =	vld.idx.msk [tilespmem:v11+s9+$0x0], $0xffff  }
0xf1: {  	s29 =	simm.s32 $0x2EE0;
	s0 =	simm.s32 $0x2AF8;
	v7 =	vadd.s32 s3, v1;
	v6 =	vadd.s32 s31, v1;
	v16 =	vld.idx.msk [tilespmem:v12+s9+$0x0], $0xffff;
	[tilespmem:s26+$0x180] =	vst v17  }
0xf2: {  	v11 =	vadd.s32 s0, v1;
	v12 =	vadd.s32 s29, v1;
	s29 =	simm.s32 $0x8;
	v17 =	vld.idx.msk [tilespmem:v18+s9+$0x0], $0xffff;
	[tilespmem:s26+$0xFFFFFE80] =	vst v19  }
.LBB2_14:
0xf3: {  	v18 =	vld.idx.msk [tilespmem:v9+s9+$0x0], $0xffff;
	[tilespmem:s26+$0xFFFFFF00] =	vst v5  }
0xf4: {  	v19 =	vld.idx.msk [tilespmem:v15+s9+$0x0], $0xffff;
	[tilespmem:s26+$0xFFFFFF80] =	vst v8  }
0xf5: {  	s29 =	sadd.s32 $0x8, s29;
	v20 =	vld.idx.msk [tilespmem:v10+s9+$0x0], $0xffff;
	[tilespmem:s26+$0x0] =	vst v13  }
0xf6: {  	s28 =	sadd.s32 $0x1F40, s28;
	p1 =	slt.u32 s29, $0x20;
	v5 =	vld.idx.msk [tilespmem:v14+s9+$0x0], $0xffff;
	[tilespmem:s26+$0x80] =	vst v16  }
.Ltmp5:
0xf7: {  	v9 =	vadd.s32 s28, v3;
	s1 =	sadd.s32 $0x3E8, s28;
	s30 =	sadd.s32 $0x1B58, s28;
	v8 =	vld.idx.msk [tilespmem:v11+s9+$0x0], $0xffff;
	[tilespmem:s26+$0x100] =	vst v17;
	(pc) =	sbr.rel @p1 .LBB2_14-.Ltmp5, $4  }
0xf8: {  	s31 =	sadd.s32 $0xBB8, s28;
	v10 =	vadd.s32 s1, v1;
	s1 =	sadd.s32 $0x7D0, s28;
	v15 =	vadd.s32 s30, v1;
	v13 =	vld.idx.msk [tilespmem:v12+s9+$0x0], $0xffff;
	[tilespmem:s26+$0xFFFFFE00] =	vst v2;
	v2 =	vmov v4  }
0xf9: {  	s30 =	sadd.s32 $0x1388, s28;
	v14 =	vadd.s32 s1, v1;
	s1 =	sadd.s32 $0xFA0, s28;
	v11 =	vadd.s32 s31, v1;
	s26 =	sadd.s32 $0x400, s26;
	v4 =	vmov v18;
	v16 =	vld.idx.msk [tilespmem:v7+s9+$0x0], $0xffff  }
0xfa: {  	v12 =	vadd.s32 s1, v1;
	s1 =	sadd.s32 $0x1770, s28;
	v7 =	vadd.s32 s30, v1;
	v17 =	vld.idx.msk [tilespmem:v6+s9+$0x0], $0xffff;
	[tilespmem:s26+$0x180] =	vst v19  }
0xfb: {  	v6 =	vadd.s32 s1, v1;
	[tilespmem:s26+$0xFFFFFE80] =	vst v20  }
0xfc: {  	_ =	sdelay $0x1  }
0xfd: {  	[tilespmem:s26+$0xFFFFFF00] =	vst v5  }
0xfe: {  	[tilespmem:s26+$0xFFFFFF80] =	vst v8  }
0xff: {  	v1 =	vld.idx.msk [tilespmem:v15+s9+$0x0], $0xffff;
	[tilespmem:s26+$0xFFFFFE00] =	vst v2  }
0x100: {  	v3 =	vld.idx.msk [tilespmem:v10+s9+$0x0], $0xffff;
	s1 =	sadd.s32 $0x400, s26;
	[tilespmem:s26+$0x0] =	vst v13  }
0x101: {  	v5 =	vld.idx.msk [tilespmem:v14+s9+$0x0], $0xffff;
	[tilespmem:s1+$0xFFFFFE00] =	vst v4  }
0x102: {  	v8 =	vld.idx.msk [tilespmem:v11+s9+$0x0], $0xffff;
	[tilespmem:s26+$0x80] =	vst v16  }
0x103: {  	v9 =	vld.idx.msk [tilespmem:v12+s9+$0x0], $0xffff;
	[tilespmem:s26+$0x100] =	vst v17  }
0x104: {  	v2 =	vld.idx.msk [tilespmem:v7+s9+$0x0], $0xffff;
	[tilespmem:s1+$0x180] =	vst v1  }
0x105: {  	v1 =	vld.idx.msk [tilespmem:v6+s9+$0x0], $0xffff;
	[tilespmem:s1+$0xFFFFFE80] =	vst v3  }
0x106: {  	[tilespmem:s1+$0xFFFFFF00] =	vst v5  }
0x107: {  	[tilespmem:s1+$0xFFFFFF80] =	vst v8  }
0x108: {  	[tilespmem:s1+$0x0] =	vst v9  }
0x109: {  	[tilespmem:s1+$0x80] =	vst v2  }
0x10a: {  	[tilespmem:s1+$0x100] =	vst v1  }
0x10b: {  	v1 =	vld [tilespmem:s25+$0x60];
	_ =	sdelay $0x4  }
0x10c: {  	s0 =	simm.s32 $0x1B58;
	v1 =	vadd.s32 v0, v1  }
0x10d: {  	s3 =	simm.s32 $0x3E8;
	v5 =	vadd.s32 s0, v1  }
0x10e: {  	s30 =	simm.s32 $0x7D0;
	v6 =	vadd.s32 s3, v1  }
0x10f: {  	s31 =	simm.s32 $0x0;
	v3 =	vadd.s32 $0x1F40, v1;
	v7 =	vadd.s32 s30, v1  }
0x110: {  	v4 =	vadd.s32 s31, v3;
	s31 =	simm.s32 $0xBB8  }
0x111: {  	s0 =	simm.s32 $0xFA0;
	v8 =	vadd.s32 s31, v1;
	v2 =	vld.idx.msk [tilespmem:v1+s9+$0x0], $0xffff  }
0x112: {  	s3 =	simm.s32 $0x1388;
	v11 =	vadd.s32 s0, v1;
	v17 =	vld.idx.msk [tilespmem:v5+s9+$0x0], $0xffff  }
0x113: {  	s30 =	simm.s32 $0x1770;
	v12 =	vadd.s32 s3, v1;
	v19 =	vld.idx.msk [tilespmem:v6+s9+$0x0], $0xffff  }
0x114: {  	s28 =	simm.s32 $0x1F40;
	v18 =	vadd.s32 s30, v1;
	v5 =	vld.idx.msk [tilespmem:v7+s9+$0x0], $0xffff  }
0x115: {  	s29 =	simm.s32 $0x3A98;
	v9 =	vadd.s32 s28, v3;
	v4 =	vld.idx.msk [tilespmem:v4+s9+$0x0], $0xffff  }
0x116: {  	v15 =	vadd.s32 s29, v1;
	s30 =	simm.s32 $0x2710;
	s31 =	simm.s32 $0x2328;
	v8 =	vld.idx.msk [tilespmem:v8+s9+$0x0], $0xffff  }
0x117: {  	s26 =	simm.s32 $0x144E0;
	s3 =	simm.s32 $0x32C8;
	v14 =	vadd.s32 s30, v1;
	v10 =	vadd.s32 s31, v1;
	s31 =	simm.s32 $0x36B0;
	v13 =	vld.idx.msk [tilespmem:v11+s9+$0x0], $0xffff  }
0x118: {  	s29 =	simm.s32 $0x2EE0;
	s0 =	simm.s32 $0x2AF8;
	v7 =	vadd.s32 s3, v1;
	v6 =	vadd.s32 s31, v1;
	v16 =	vld.idx.msk [tilespmem:v12+s9+$0x0], $0xffff;
	[tilespmem:s26+$0x180] =	vst v17  }
0x119: {  	v11 =	vadd.s32 s0, v1;
	v12 =	vadd.s32 s29, v1;
	s29 =	simm.s32 $0x8;
	v17 =	vld.idx.msk [tilespmem:v18+s9+$0x0], $0xffff;
	[tilespmem:s26+$0xFFFFFE80] =	vst v19  }
.LBB2_16:
0x11a: {  	v18 =	vld.idx.msk [tilespmem:v9+s9+$0x0], $0xffff;
	[tilespmem:s26+$0xFFFFFF00] =	vst v5  }
0x11b: {  	v19 =	vld.idx.msk [tilespmem:v15+s9+$0x0], $0xffff;
	[tilespmem:s26+$0xFFFFFF80] =	vst v8  }
0x11c: {  	s29 =	sadd.s32 $0x8, s29;
	v20 =	vld.idx.msk [tilespmem:v10+s9+$0x0], $0xffff;
	[tilespmem:s26+$0x0] =	vst v13  }
0x11d: {  	s28 =	sadd.s32 $0x1F40, s28;
	p1 =	slt.u32 s29, $0x20;
	v5 =	vld.idx.msk [tilespmem:v14+s9+$0x0], $0xffff;
	[tilespmem:s26+$0x80] =	vst v16  }
.Ltmp6:
0x11e: {  	v9 =	vadd.s32 s28, v3;
	s1 =	sadd.s32 $0x3E8, s28;
	s30 =	sadd.s32 $0x1B58, s28;
	v8 =	vld.idx.msk [tilespmem:v11+s9+$0x0], $0xffff;
	[tilespmem:s26+$0x100] =	vst v17;
	(pc) =	sbr.rel @p1 .LBB2_16-.Ltmp6, $4  }
0x11f: {  	s31 =	sadd.s32 $0xBB8, s28;
	v10 =	vadd.s32 s1, v1;
	s1 =	sadd.s32 $0x7D0, s28;
	v15 =	vadd.s32 s30, v1;
	v13 =	vld.idx.msk [tilespmem:v12+s9+$0x0], $0xffff;
	[tilespmem:s26+$0xFFFFFE00] =	vst v2;
	v2 =	vmov v4  }
0x120: {  	s30 =	sadd.s32 $0x1388, s28;
	v14 =	vadd.s32 s1, v1;
	s1 =	sadd.s32 $0xFA0, s28;
	v11 =	vadd.s32 s31, v1;
	s26 =	sadd.s32 $0x400, s26;
	v4 =	vmov v18;
	v16 =	vld.idx.msk [tilespmem:v7+s9+$0x0], $0xffff  }
0x121: {  	v12 =	vadd.s32 s1, v1;
	s1 =	sadd.s32 $0x1770, s28;
	v7 =	vadd.s32 s30, v1;
	v17 =	vld.idx.msk [tilespmem:v6+s9+$0x0], $0xffff;
	[tilespmem:s26+$0x180] =	vst v19  }
0x122: {  	v6 =	vadd.s32 s1, v1;
	[tilespmem:s26+$0xFFFFFE80] =	vst v20  }
0x123: {  	_ =	sdelay $0x1  }
0x124: {  	[tilespmem:s26+$0xFFFFFF00] =	vst v5  }
0x125: {  	[tilespmem:s26+$0xFFFFFF80] =	vst v8  }
0x126: {  	v1 =	vld.idx.msk [tilespmem:v15+s9+$0x0], $0xffff;
	[tilespmem:s26+$0xFFFFFE00] =	vst v2  }
0x127: {  	v3 =	vld.idx.msk [tilespmem:v10+s9+$0x0], $0xffff;
	s1 =	sadd.s32 $0x400, s26;
	[tilespmem:s26+$0x0] =	vst v13  }
0x128: {  	v5 =	vld.idx.msk [tilespmem:v14+s9+$0x0], $0xffff;
	[tilespmem:s1+$0xFFFFFE00] =	vst v4  }
0x129: {  	v8 =	vld.idx.msk [tilespmem:v11+s9+$0x0], $0xffff;
	[tilespmem:s26+$0x80] =	vst v16  }
0x12a: {  	v9 =	vld.idx.msk [tilespmem:v12+s9+$0x0], $0xffff;
	[tilespmem:s26+$0x100] =	vst v17  }
0x12b: {  	v2 =	vld.idx.msk [tilespmem:v7+s9+$0x0], $0xffff;
	[tilespmem:s1+$0x180] =	vst v1  }
0x12c: {  	v1 =	vld.idx.msk [tilespmem:v6+s9+$0x0], $0xffff;
	[tilespmem:s1+$0xFFFFFE80] =	vst v3  }
0x12d: {  	[tilespmem:s1+$0xFFFFFF00] =	vst v5  }
0x12e: {  	[tilespmem:s1+$0xFFFFFF80] =	vst v8  }
0x12f: {  	[tilespmem:s1+$0x0] =	vst v9  }
0x130: {  	[tilespmem:s1+$0x80] =	vst v2  }
0x131: {  	[tilespmem:s1+$0x100] =	vst v1  }
0x132: {  	v1 =	vld [tilespmem:s25+$0x70];
	_ =	sdelay $0x4  }
0x133: {  	s0 =	simm.s32 $0x1B58;
	v2 =	vadd.s32 v0, v1  }
0x134: {  	s3 =	simm.s32 $0x3E8;
	v5 =	vadd.s32 s0, v2  }
0x135: {  	s25 =	simm.s32 $0x7D0;
	v6 =	vadd.s32 s3, v2  }
0x136: {  	s26 =	simm.s32 $0xBB8;
	v7 =	vadd.s32 s25, v2  }
0x137: {  	s29 =	simm.s32 $0xFA0;
	v8 =	vadd.s32 s26, v2  }
0x138: {  	s30 =	simm.s32 $0x1388;
	v11 =	vadd.s32 s29, v2;
	v3 =	vld.idx.msk [tilespmem:v2+s9+$0x0], $0xffff  }
0x139: {  	s31 =	simm.s32 $0x0;
	v4 =	vadd.s32 $0x1F40, v2;
	v12 =	vadd.s32 s30, v2;
	v17 =	vld.idx.msk [tilespmem:v5+s9+$0x0], $0xffff  }
0x13a: {  	v1 =	vadd.s32 s31, v4;
	s31 =	simm.s32 $0x1770;
	v19 =	vld.idx.msk [tilespmem:v6+s9+$0x0], $0xffff  }
0x13b: {  	s26 =	simm.s32 $0x1F40;
	v18 =	vadd.s32 s31, v2;
	v5 =	vld.idx.msk [tilespmem:v7+s9+$0x0], $0xffff  }
0x13c: {  	s28 =	simm.s32 $0x3A98;
	v9 =	vadd.s32 s26, v4;
	v8 =	vld.idx.msk [tilespmem:v8+s9+$0x0], $0xffff  }
0x13d: {  	s0 =	simm.s32 $0x2328;
	s29 =	simm.s32 $0x2710;
	v15 =	vadd.s32 s28, v2;
	v13 =	vld.idx.msk [tilespmem:v11+s9+$0x0], $0xffff  }
0x13e: {  	s25 =	simm.s32 $0x144F0;
	s3 =	simm.s32 $0x2AF8;
	s28 =	simm.s32 $0x2EE0;
	v10 =	vadd.s32 s0, v2;
	v14 =	vadd.s32 s29, v2;
	v16 =	vld.idx.msk [tilespmem:v12+s9+$0x0], $0xffff  }
0x13f: {  	s30 =	simm.s32 $0x32C8;
	s31 =	simm.s32 $0x36B0;
	v11 =	vadd.s32 s3, v2;
	v12 =	vadd.s32 s28, v2;
	v1 =	vld.idx.msk [tilespmem:v1+s9+$0x0], $0xffff;
	[tilespmem:s25+$0x180] =	vst v17  }
0x140: {  	s28 =	simm.s32 $0x8;
	v7 =	vadd.s32 s30, v2;
	v6 =	vadd.s32 s31, v2;
	v17 =	vld.idx.msk [tilespmem:v18+s9+$0x0], $0xffff;
	[tilespmem:s25+$0xFFFFFE80] =	vst v19  }
.LBB2_18:
0x141: {  	v18 =	vld.idx.msk [tilespmem:v9+s9+$0x0], $0xffff;
	[tilespmem:s25+$0xFFFFFF00] =	vst v5  }
0x142: {  	v19 =	vld.idx.msk [tilespmem:v15+s9+$0x0], $0xffff;
	[tilespmem:s25+$0xFFFFFF80] =	vst v8  }
0x143: {  	s28 =	sadd.s32 $0x8, s28;
	v20 =	vld.idx.msk [tilespmem:v10+s9+$0x0], $0xffff;
	[tilespmem:s25+$0x0] =	vst v13  }
0x144: {  	s26 =	sadd.s32 $0x1F40, s26;
	p1 =	slt.u32 s28, $0x20;
	v5 =	vld.idx.msk [tilespmem:v14+s9+$0x0], $0xffff;
	[tilespmem:s25+$0x80] =	vst v16  }
.Ltmp7:
0x145: {  	v9 =	vadd.s32 s26, v4;
	s1 =	sadd.s32 $0x3E8, s26;
	s29 =	sadd.s32 $0x1B58, s26;
	v8 =	vld.idx.msk [tilespmem:v11+s9+$0x0], $0xffff;
	[tilespmem:s25+$0x100] =	vst v17;
	(pc) =	sbr.rel @p1 .LBB2_18-.Ltmp7, $4  }
0x146: {  	s30 =	sadd.s32 $0xBB8, s26;
	v10 =	vadd.s32 s1, v2;
	s1 =	sadd.s32 $0x7D0, s26;
	v15 =	vadd.s32 s29, v2;
	v13 =	vld.idx.msk [tilespmem:v12+s9+$0x0], $0xffff;
	[tilespmem:s25+$0xFFFFFE00] =	vst v3;
	v3 =	vmov v1  }
0x147: {  	s29 =	sadd.s32 $0x1388, s26;
	v14 =	vadd.s32 s1, v2;
	s1 =	sadd.s32 $0xFA0, s26;
	v11 =	vadd.s32 s30, v2;
	s25 =	sadd.s32 $0x400, s25;
	v1 =	vmov v18;
	v16 =	vld.idx.msk [tilespmem:v7+s9+$0x0], $0xffff  }
0x148: {  	v12 =	vadd.s32 s1, v2;
	s1 =	sadd.s32 $0x1770, s26;
	v7 =	vadd.s32 s29, v2;
	v17 =	vld.idx.msk [tilespmem:v6+s9+$0x0], $0xffff;
	[tilespmem:s25+$0x180] =	vst v19  }
0x149: {  	v6 =	vadd.s32 s1, v2;
	[tilespmem:s25+$0xFFFFFE80] =	vst v20  }
0x14a: {  	_ =	sdelay $0x1  }
0x14b: {  	[tilespmem:s25+$0xFFFFFF00] =	vst v5  }
0x14c: {  	[tilespmem:s25+$0xFFFFFF80] =	vst v8  }
0x14d: {  	v2 =	vld.idx.msk [tilespmem:v15+s9+$0x0], $0xffff;
	[tilespmem:s25+$0xFFFFFE00] =	vst v3  }
0x14e: {  	v4 =	vld.idx.msk [tilespmem:v10+s9+$0x0], $0xffff;
	s1 =	sadd.s32 $0x400, s25;
	[tilespmem:s25+$0x0] =	vst v13  }
0x14f: {  	v5 =	vld.idx.msk [tilespmem:v14+s9+$0x0], $0xffff;
	[tilespmem:s1+$0xFFFFFE00] =	vst v1  }
0x150: {  	v8 =	vld.idx.msk [tilespmem:v11+s9+$0x0], $0xffff;
	[tilespmem:s25+$0x80] =	vst v16  }
0x151: {  	v9 =	vld.idx.msk [tilespmem:v12+s9+$0x0], $0xffff;
	[tilespmem:s25+$0x100] =	vst v17  }
0x152: {  	v3 =	vld.idx.msk [tilespmem:v7+s9+$0x0], $0xffff;
	s3 =	smul.u32 $0xFA0, s24;
	[tilespmem:s1+$0x180] =	vst v2  }
0x153: {  	v2 =	vld.idx.msk [tilespmem:v6+s9+$0x0], $0xffff;
	[tilespmem:s1+$0xFFFFFE80] =	vst v4  }
0x154: {  	s25 =	sadd.s32 s22, s3;
	[tilespmem:s1+$0xFFFFFF00] =	vst v5  }
0x155: {  	s25 =	sshll.u32 s25, $0xC;
	[tilespmem:s1+$0xFFFFFF80] =	vst v8  }
0x156: {  	[tilespmem:s1+$0x0] =	vst v9;
	s25 =	sor.u32 s6, s25  }
0x157: {  	[tilespmem:s1+$0x80] =	vst v3;
	s25 =	sshrl.u32 s25, $0x3  }
0x158: {  	s26 =	sadd.s32 s2, s25;
	s25 =	sshll.u32 s24, $0x2;
	[tilespmem:s1+$0x100] =	vst v2;
	s1 =	simm.s32 @!p0 $0x4  }
0x159: {  	[hbm4b:s26+s10] =	stream.strided.scatter [tilespmem:s12], [sflag:$0x3], $0x1400, s11, s10, $0x38;
	[tilespmem:$0x19280] =	vst v63  }
0x15a: {  	s26 =	sor.u32 $0x1, s25;
	_ =	swait.ge @!p0 [sflag:s1], $0x1400  }
0x15b: {  	s28 =	sshll.u32 s26, $0x7;
	[sflag:s1] =	ssyncset.done @!p0 $0x0  }
0x15c: {  	s28 =	sand.u32 $0x3FFFFF80, s28;
	[sflag:s1] =	ssyncadd.s32 @!p0 $0xFFFFEC00  }
0x15d: {  	v1 =	vld [tilespmem:s28+$0x0];
	_ =	sdelay $0x4  }
0x15e: {  	s3 =	simm.s32 $0x1B58;
	v1 =	vadd.s32 v0, v1  }
0x15f: {  	s29 =	simm.s32 $0x3E8;
	v5 =	vadd.s32 s3, v1  }
0x160: {  	s0 =	simm.s32 $0x0;
	v3 =	vadd.s32 $0x1F40, v1;
	v6 =	vadd.s32 s29, v1  }
0x161: {  	v4 =	vadd.s32 s0, v3;
	s0 =	simm.s32 $0x7D0  }
0x162: {  	s29 =	simm.s32 $0xBB8;
	v7 =	vadd.s32 s0, v1  }
0x163: {  	s3 =	simm.s32 $0xFA0;
	v8 =	vadd.s32 s29, v1;
	v2 =	vld.idx.msk [tilespmem:v1+s9+$0x0], $0xffff  }
0x164: {  	s29 =	simm.s32 $0x1388;
	v11 =	vadd.s32 s3, v1;
	v17 =	vld.idx.msk [tilespmem:v5+s9+$0x0], $0xffff  }
0x165: {  	v12 =	vadd.s32 s29, v1;
	s0 =	simm.s32 $0x1770;
	v19 =	vld.idx.msk [tilespmem:v6+s9+$0x0], $0xffff  }
0x166: {  	s30 =	simm.s32 $0x1F40;
	v18 =	vadd.s32 s0, v1;
	v4 =	vld.idx.msk [tilespmem:v4+s9+$0x0], $0xffff  }
0x167: {  	s31 =	simm.s32 $0x3A98;
	v9 =	vadd.s32 s30, v3;
	v5 =	vld.idx.msk [tilespmem:v7+s9+$0x0], $0xffff  }
0x168: {  	v15 =	vadd.s32 s31, v1;
	s3 =	simm.s32 $0x2328;
	s0 =	simm.s32 $0x2710;
	v8 =	vld.idx.msk [tilespmem:v8+s9+$0x0], $0xffff  }
0x169: {  	s1 =	simm.s32 $0x2AF8;
	s29 =	simm.s32 $0x15A00;
	v10 =	vadd.s32 s3, v1;
	s3 =	simm.s32 $0x2EE0;
	v14 =	vadd.s32 s0, v1;
	v13 =	vld.idx.msk [tilespmem:v11+s9+$0x0], $0xffff  }
0x16a: {  	v11 =	vadd.s32 s1, v1;
	s1 =	simm.s32 $0x32C8;
	v16 =	vld.idx.msk [tilespmem:v12+s9+$0x0], $0xffff;
	v12 =	vadd.s32 s3, v1;
	s3 =	simm.s32 $0x36B0;
	[tilespmem:s29+$0x0] =	vst v17  }
0x16b: {  	s31 =	simm.s32 $0x8;
	v7 =	vadd.s32 s1, v1;
	v6 =	vadd.s32 s3, v1;
	v17 =	vld.idx.msk [tilespmem:v18+s9+$0x0], $0xffff;
	[tilespmem:s29+$0xFFFFFD00] =	vst v19  }
.LBB2_20:
0x16c: {  	v18 =	vld.idx.msk [tilespmem:v9+s9+$0x0], $0xffff;
	[tilespmem:s29+$0xFFFFFD80] =	vst v5  }
0x16d: {  	v19 =	vld.idx.msk [tilespmem:v15+s9+$0x0], $0xffff;
	[tilespmem:s29+$0xFFFFFE00] =	vst v8  }
0x16e: {  	s31 =	sadd.s32 $0x8, s31;
	v20 =	vld.idx.msk [tilespmem:v10+s9+$0x0], $0xffff;
	[tilespmem:s29+$0xFFFFFE80] =	vst v13  }
0x16f: {  	s30 =	sadd.s32 $0x1F40, s30;
	p1 =	slt.u32 s31, $0x20;
	v5 =	vld.idx.msk [tilespmem:v14+s9+$0x0], $0xffff;
	[tilespmem:s29+$0xFFFFFF00] =	vst v16  }
.Ltmp8:
0x170: {  	v9 =	vadd.s32 s30, v3;
	s0 =	sadd.s32 $0x3E8, s30;
	s1 =	sadd.s32 $0x1B58, s30;
	v8 =	vld.idx.msk [tilespmem:v11+s9+$0x0], $0xffff;
	[tilespmem:s29+$0xFFFFFF80] =	vst v17;
	(pc) =	sbr.rel @p1 .LBB2_20-.Ltmp8, $4  }
0x171: {  	s3 =	sadd.s32 $0xBB8, s30;
	v10 =	vadd.s32 s0, v1;
	s0 =	sadd.s32 $0x7D0, s30;
	v15 =	vadd.s32 s1, v1;
	v13 =	vld.idx.msk [tilespmem:v12+s9+$0x0], $0xffff;
	[tilespmem:s29+$0xFFFFFC80] =	vst v2;
	v2 =	vmov v4  }
0x172: {  	s1 =	sadd.s32 $0x1388, s30;
	v14 =	vadd.s32 s0, v1;
	s0 =	sadd.s32 $0xFA0, s30;
	v11 =	vadd.s32 s3, v1;
	s29 =	sadd.s32 $0x400, s29;
	v4 =	vmov v18;
	v16 =	vld.idx.msk [tilespmem:v7+s9+$0x0], $0xffff  }
0x173: {  	v12 =	vadd.s32 s0, v1;
	s0 =	sadd.s32 $0x1770, s30;
	v7 =	vadd.s32 s1, v1;
	v17 =	vld.idx.msk [tilespmem:v6+s9+$0x0], $0xffff;
	[tilespmem:s29+$0x0] =	vst v19  }
0x174: {  	v6 =	vadd.s32 s0, v1;
	[tilespmem:s29+$0xFFFFFD00] =	vst v20  }
0x175: {  	_ =	sdelay $0x1  }
0x176: {  	[tilespmem:s29+$0xFFFFFD80] =	vst v5  }
0x177: {  	[tilespmem:s29+$0xFFFFFE00] =	vst v8  }
0x178: {  	v1 =	vld.idx.msk [tilespmem:v15+s9+$0x0], $0xffff;
	[tilespmem:s29+$0xFFFFFC80] =	vst v2  }
0x179: {  	v3 =	vld.idx.msk [tilespmem:v10+s9+$0x0], $0xffff;
	s0 =	sadd.s32 $0x400, s29;
	[tilespmem:s29+$0xFFFFFE80] =	vst v13  }
0x17a: {  	v5 =	vld.idx.msk [tilespmem:v14+s9+$0x0], $0xffff;
	[tilespmem:s0+$0xFFFFFC80] =	vst v4  }
0x17b: {  	v8 =	vld.idx.msk [tilespmem:v11+s9+$0x0], $0xffff;
	[tilespmem:s29+$0xFFFFFF00] =	vst v16  }
0x17c: {  	v9 =	vld.idx.msk [tilespmem:v12+s9+$0x0], $0xffff;
	[tilespmem:s29+$0xFFFFFF80] =	vst v17  }
0x17d: {  	v2 =	vld.idx.msk [tilespmem:v7+s9+$0x0], $0xffff;
	[tilespmem:s0+$0x0] =	vst v1  }
0x17e: {  	v1 =	vld.idx.msk [tilespmem:v6+s9+$0x0], $0xffff;
	[tilespmem:s0+$0xFFFFFD00] =	vst v3  }
0x17f: {  	[tilespmem:s0+$0xFFFFFD80] =	vst v5  }
0x180: {  	[tilespmem:s0+$0xFFFFFE00] =	vst v8  }
0x181: {  	[tilespmem:s0+$0xFFFFFE80] =	vst v9  }
0x182: {  	[tilespmem:s0+$0xFFFFFF00] =	vst v2  }
0x183: {  	[tilespmem:s0+$0xFFFFFF80] =	vst v1  }
0x184: {  	v1 =	vld [tilespmem:s28+$0x10];
	_ =	sdelay $0x4  }
0x185: {  	s3 =	simm.s32 $0x1B58;
	v1 =	vadd.s32 v0, v1  }
0x186: {  	s1 =	simm.s32 $0x0;
	v3 =	vadd.s32 $0x1F40, v1;
	v5 =	vadd.s32 s3, v1  }
0x187: {  	v4 =	vadd.s32 s1, v3;
	s1 =	simm.s32 $0x3E8  }
0x188: {  	v6 =	vadd.s32 s1, v1;
	s1 =	simm.s32 $0x7D0  }
0x189: {  	s3 =	simm.s32 $0xBB8;
	v7 =	vadd.s32 s1, v1  }
0x18a: {  	v8 =	vadd.s32 s3, v1;
	s1 =	simm.s32 $0xFA0;
	v2 =	vld.idx.msk [tilespmem:v1+s9+$0x0], $0xffff  }
0x18b: {  	s3 =	simm.s32 $0x1388;
	v11 =	vadd.s32 s1, v1;
	v17 =	vld.idx.msk [tilespmem:v5+s9+$0x0], $0xffff  }
0x18c: {  	v12 =	vadd.s32 s3, v1;
	s1 =	simm.s32 $0x1770;
	v4 =	vld.idx.msk [tilespmem:v4+s9+$0x0], $0xffff  }
0x18d: {  	s30 =	simm.s32 $0x1F40;
	v18 =	vadd.s32 s1, v1;
	v19 =	vld.idx.msk [tilespmem:v6+s9+$0x0], $0xffff  }
0x18e: {  	v9 =	vadd.s32 s30, v3;
	s1 =	simm.s32 $0x3A98;
	v5 =	vld.idx.msk [tilespmem:v7+s9+$0x0], $0xffff  }
0x18f: {  	s0 =	simm.s32 $0x2328;
	s3 =	simm.s32 $0x2710;
	v8 =	vld.idx.msk [tilespmem:v8+s9+$0x0], $0xffff;
	v15 =	vadd.s32 s1, v1  }
0x190: {  	s29 =	simm.s32 $0x15A10;
	v10 =	vadd.s32 s0, v1;
	s0 =	simm.s32 $0x2AF8;
	v14 =	vadd.s32 s3, v1;
	s3 =	simm.s32 $0x2EE0;
	v13 =	vld.idx.msk [tilespmem:v11+s9+$0x0], $0xffff  }
0x191: {  	v16 =	vld.idx.msk [tilespmem:v12+s9+$0x0], $0xffff;
	v12 =	vadd.s32 s3, v1;
	s3 =	simm.s32 $0x36B0;
	v11 =	vadd.s32 s0, v1;
	s0 =	simm.s32 $0x32C8;
	[tilespmem:s29+$0x0] =	vst v17  }
0x192: {  	s31 =	simm.s32 $0x8;
	v6 =	vadd.s32 s3, v1;
	v7 =	vadd.s32 s0, v1;
	v17 =	vld.idx.msk [tilespmem:v18+s9+$0x0], $0xffff;
	[tilespmem:s29+$0xFFFFFD00] =	vst v19  }
.LBB2_22:
0x193: {  	v18 =	vld.idx.msk [tilespmem:v9+s9+$0x0], $0xffff;
	[tilespmem:s29+$0xFFFFFD80] =	vst v5  }
0x194: {  	v19 =	vld.idx.msk [tilespmem:v15+s9+$0x0], $0xffff;
	[tilespmem:s29+$0xFFFFFE00] =	vst v8  }
0x195: {  	s31 =	sadd.s32 $0x8, s31;
	v20 =	vld.idx.msk [tilespmem:v10+s9+$0x0], $0xffff;
	[tilespmem:s29+$0xFFFFFE80] =	vst v13  }
0x196: {  	s30 =	sadd.s32 $0x1F40, s30;
	p1 =	slt.u32 s31, $0x20;
	v5 =	vld.idx.msk [tilespmem:v14+s9+$0x0], $0xffff;
	[tilespmem:s29+$0xFFFFFF00] =	vst v16  }
.Ltmp9:
0x197: {  	v9 =	vadd.s32 s30, v3;
	s0 =	sadd.s32 $0x3E8, s30;
	s1 =	sadd.s32 $0x1B58, s30;
	v8 =	vld.idx.msk [tilespmem:v11+s9+$0x0], $0xffff;
	[tilespmem:s29+$0xFFFFFF80] =	vst v17;
	(pc) =	sbr.rel @p1 .LBB2_22-.Ltmp9, $4  }
0x198: {  	s3 =	sadd.s32 $0xBB8, s30;
	v10 =	vadd.s32 s0, v1;
	s0 =	sadd.s32 $0x7D0, s30;
	v15 =	vadd.s32 s1, v1;
	v13 =	vld.idx.msk [tilespmem:v12+s9+$0x0], $0xffff;
	[tilespmem:s29+$0xFFFFFC80] =	vst v2;
	v2 =	vmov v4  }
0x199: {  	s1 =	sadd.s32 $0x1388, s30;
	v14 =	vadd.s32 s0, v1;
	s0 =	sadd.s32 $0xFA0, s30;
	v11 =	vadd.s32 s3, v1;
	s29 =	sadd.s32 $0x400, s29;
	v4 =	vmov v18;
	v16 =	vld.idx.msk [tilespmem:v7+s9+$0x0], $0xffff  }
0x19a: {  	v12 =	vadd.s32 s0, v1;
	s0 =	sadd.s32 $0x1770, s30;
	v7 =	vadd.s32 s1, v1;
	v17 =	vld.idx.msk [tilespmem:v6+s9+$0x0], $0xffff;
	[tilespmem:s29+$0x0] =	vst v19  }
0x19b: {  	v6 =	vadd.s32 s0, v1;
	[tilespmem:s29+$0xFFFFFD00] =	vst v20  }
0x19c: {  	_ =	sdelay $0x1  }
0x19d: {  	[tilespmem:s29+$0xFFFFFD80] =	vst v5  }
0x19e: {  	[tilespmem:s29+$0xFFFFFE00] =	vst v8  }
0x19f: {  	v1 =	vld.idx.msk [tilespmem:v15+s9+$0x0], $0xffff;
	[tilespmem:s29+$0xFFFFFC80] =	vst v2  }
0x1a0: {  	v3 =	vld.idx.msk [tilespmem:v10+s9+$0x0], $0xffff;
	s0 =	sadd.s32 $0x400, s29;
	[tilespmem:s29+$0xFFFFFE80] =	vst v13  }
0x1a1: {  	v5 =	vld.idx.msk [tilespmem:v14+s9+$0x0], $0xffff;
	[tilespmem:s0+$0xFFFFFC80] =	vst v4  }
0x1a2: {  	v8 =	vld.idx.msk [tilespmem:v11+s9+$0x0], $0xffff;
	[tilespmem:s29+$0xFFFFFF00] =	vst v16  }
0x1a3: {  	v9 =	vld.idx.msk [tilespmem:v12+s9+$0x0], $0xffff;
	[tilespmem:s29+$0xFFFFFF80] =	vst v17  }
0x1a4: {  	v2 =	vld.idx.msk [tilespmem:v7+s9+$0x0], $0xffff;
	[tilespmem:s0+$0x0] =	vst v1  }
0x1a5: {  	v1 =	vld.idx.msk [tilespmem:v6+s9+$0x0], $0xffff;
	[tilespmem:s0+$0xFFFFFD00] =	vst v3  }
0x1a6: {  	[tilespmem:s0+$0xFFFFFD80] =	vst v5  }
0x1a7: {  	[tilespmem:s0+$0xFFFFFE00] =	vst v8  }
0x1a8: {  	[tilespmem:s0+$0xFFFFFE80] =	vst v9  }
0x1a9: {  	[tilespmem:s0+$0xFFFFFF00] =	vst v2  }
0x1aa: {  	[tilespmem:s0+$0xFFFFFF80] =	vst v1  }
0x1ab: {  	v1 =	vld [tilespmem:s28+$0x20];
	_ =	sdelay $0x4  }
0x1ac: {  	s3 =	simm.s32 $0x1B58;
	v1 =	vadd.s32 v0, v1  }
0x1ad: {  	s1 =	simm.s32 $0x0;
	v3 =	vadd.s32 $0x1F40, v1;
	v5 =	vadd.s32 s3, v1  }
0x1ae: {  	v4 =	vadd.s32 s1, v3;
	s1 =	simm.s32 $0x3E8  }
0x1af: {  	v6 =	vadd.s32 s1, v1;
	s1 =	simm.s32 $0x7D0  }
0x1b0: {  	s3 =	simm.s32 $0xBB8;
	v7 =	vadd.s32 s1, v1  }
0x1b1: {  	v8 =	vadd.s32 s3, v1;
	s1 =	simm.s32 $0xFA0;
	v2 =	vld.idx.msk [tilespmem:v1+s9+$0x0], $0xffff  }
0x1b2: {  	s3 =	simm.s32 $0x1388;
	v11 =	vadd.s32 s1, v1;
	v17 =	vld.idx.msk [tilespmem:v5+s9+$0x0], $0xffff  }
0x1b3: {  	v12 =	vadd.s32 s3, v1;
	s1 =	simm.s32 $0x1770;
	v4 =	vld.idx.msk [tilespmem:v4+s9+$0x0], $0xffff  }
0x1b4: {  	s30 =	simm.s32 $0x1F40;
	v18 =	vadd.s32 s1, v1;
	v19 =	vld.idx.msk [tilespmem:v6+s9+$0x0], $0xffff  }
0x1b5: {  	v9 =	vadd.s32 s30, v3;
	s1 =	simm.s32 $0x3A98;
	v5 =	vld.idx.msk [tilespmem:v7+s9+$0x0], $0xffff  }
0x1b6: {  	s0 =	simm.s32 $0x2328;
	s3 =	simm.s32 $0x2710;
	v8 =	vld.idx.msk [tilespmem:v8+s9+$0x0], $0xffff;
	v15 =	vadd.s32 s1, v1  }
0x1b7: {  	s29 =	simm.s32 $0x15A20;
	v10 =	vadd.s32 s0, v1;
	s0 =	simm.s32 $0x2AF8;
	v14 =	vadd.s32 s3, v1;
	s3 =	simm.s32 $0x2EE0;
	v13 =	vld.idx.msk [tilespmem:v11+s9+$0x0], $0xffff  }
0x1b8: {  	v16 =	vld.idx.msk [tilespmem:v12+s9+$0x0], $0xffff;
	v12 =	vadd.s32 s3, v1;
	s3 =	simm.s32 $0x36B0;
	v11 =	vadd.s32 s0, v1;
	s0 =	simm.s32 $0x32C8;
	[tilespmem:s29+$0x0] =	vst v17  }
0x1b9: {  	s31 =	simm.s32 $0x8;
	v6 =	vadd.s32 s3, v1;
	v7 =	vadd.s32 s0, v1;
	v17 =	vld.idx.msk [tilespmem:v18+s9+$0x0], $0xffff;
	[tilespmem:s29+$0xFFFFFD00] =	vst v19  }
.LBB2_24:
0x1ba: {  	v18 =	vld.idx.msk [tilespmem:v9+s9+$0x0], $0xffff;
	[tilespmem:s29+$0xFFFFFD80] =	vst v5  }
0x1bb: {  	v19 =	vld.idx.msk [tilespmem:v15+s9+$0x0], $0xffff;
	[tilespmem:s29+$0xFFFFFE00] =	vst v8  }
0x1bc: {  	s31 =	sadd.s32 $0x8, s31;
	v20 =	vld.idx.msk [tilespmem:v10+s9+$0x0], $0xffff;
	[tilespmem:s29+$0xFFFFFE80] =	vst v13  }
0x1bd: {  	s30 =	sadd.s32 $0x1F40, s30;
	p1 =	slt.u32 s31, $0x20;
	v5 =	vld.idx.msk [tilespmem:v14+s9+$0x0], $0xffff;
	[tilespmem:s29+$0xFFFFFF00] =	vst v16  }
.Ltmp10:
0x1be: {  	v9 =	vadd.s32 s30, v3;
	s0 =	sadd.s32 $0x3E8, s30;
	s1 =	sadd.s32 $0x1B58, s30;
	v8 =	vld.idx.msk [tilespmem:v11+s9+$0x0], $0xffff;
	[tilespmem:s29+$0xFFFFFF80] =	vst v17;
	(pc) =	sbr.rel @p1 .LBB2_24-.Ltmp10, $4  }
0x1bf: {  	s3 =	sadd.s32 $0xBB8, s30;
	v10 =	vadd.s32 s0, v1;
	s0 =	sadd.s32 $0x7D0, s30;
	v15 =	vadd.s32 s1, v1;
	v13 =	vld.idx.msk [tilespmem:v12+s9+$0x0], $0xffff;
	[tilespmem:s29+$0xFFFFFC80] =	vst v2;
	v2 =	vmov v4  }
0x1c0: {  	s1 =	sadd.s32 $0x1388, s30;
	v14 =	vadd.s32 s0, v1;
	s0 =	sadd.s32 $0xFA0, s30;
	v11 =	vadd.s32 s3, v1;
	s29 =	sadd.s32 $0x400, s29;
	v4 =	vmov v18;
	v16 =	vld.idx.msk [tilespmem:v7+s9+$0x0], $0xffff  }
0x1c1: {  	v12 =	vadd.s32 s0, v1;
	s0 =	sadd.s32 $0x1770, s30;
	v7 =	vadd.s32 s1, v1;
	v17 =	vld.idx.msk [tilespmem:v6+s9+$0x0], $0xffff;
	[tilespmem:s29+$0x0] =	vst v19  }
0x1c2: {  	v6 =	vadd.s32 s0, v1;
	[tilespmem:s29+$0xFFFFFD00] =	vst v20  }
0x1c3: {  	_ =	sdelay $0x1  }
0x1c4: {  	[tilespmem:s29+$0xFFFFFD80] =	vst v5  }
0x1c5: {  	[tilespmem:s29+$0xFFFFFE00] =	vst v8  }
0x1c6: {  	v1 =	vld.idx.msk [tilespmem:v15+s9+$0x0], $0xffff;
	[tilespmem:s29+$0xFFFFFC80] =	vst v2  }
0x1c7: {  	v3 =	vld.idx.msk [tilespmem:v10+s9+$0x0], $0xffff;
	s0 =	sadd.s32 $0x400, s29;
	[tilespmem:s29+$0xFFFFFE80] =	vst v13  }
0x1c8: {  	v5 =	vld.idx.msk [tilespmem:v14+s9+$0x0], $0xffff;
	[tilespmem:s0+$0xFFFFFC80] =	vst v4  }
0x1c9: {  	v8 =	vld.idx.msk [tilespmem:v11+s9+$0x0], $0xffff;
	[tilespmem:s29+$0xFFFFFF00] =	vst v16  }
0x1ca: {  	v9 =	vld.idx.msk [tilespmem:v12+s9+$0x0], $0xffff;
	[tilespmem:s29+$0xFFFFFF80] =	vst v17  }
0x1cb: {  	v2 =	vld.idx.msk [tilespmem:v7+s9+$0x0], $0xffff;
	[tilespmem:s0+$0x0] =	vst v1  }
0x1cc: {  	v1 =	vld.idx.msk [tilespmem:v6+s9+$0x0], $0xffff;
	[tilespmem:s0+$0xFFFFFD00] =	vst v3  }
0x1cd: {  	[tilespmem:s0+$0xFFFFFD80] =	vst v5  }
0x1ce: {  	[tilespmem:s0+$0xFFFFFE00] =	vst v8  }
0x1cf: {  	[tilespmem:s0+$0xFFFFFE80] =	vst v9  }
0x1d0: {  	[tilespmem:s0+$0xFFFFFF00] =	vst v2  }
0x1d1: {  	[tilespmem:s0+$0xFFFFFF80] =	vst v1  }
0x1d2: {  	v1 =	vld [tilespmem:s28+$0x30];
	_ =	sdelay $0x4  }
0x1d3: {  	s3 =	simm.s32 $0x1B58;
	v1 =	vadd.s32 v0, v1  }
0x1d4: {  	s1 =	simm.s32 $0x0;
	v3 =	vadd.s32 $0x1F40, v1;
	v5 =	vadd.s32 s3, v1  }
0x1d5: {  	v4 =	vadd.s32 s1, v3;
	s1 =	simm.s32 $0x3E8  }
0x1d6: {  	v6 =	vadd.s32 s1, v1;
	s1 =	simm.s32 $0x7D0  }
0x1d7: {  	s3 =	simm.s32 $0xBB8;
	v7 =	vadd.s32 s1, v1  }
0x1d8: {  	v8 =	vadd.s32 s3, v1;
	s1 =	simm.s32 $0xFA0;
	v2 =	vld.idx.msk [tilespmem:v1+s9+$0x0], $0xffff  }
0x1d9: {  	s3 =	simm.s32 $0x1388;
	v11 =	vadd.s32 s1, v1;
	v17 =	vld.idx.msk [tilespmem:v5+s9+$0x0], $0xffff  }
0x1da: {  	v12 =	vadd.s32 s3, v1;
	s1 =	simm.s32 $0x1770;
	v4 =	vld.idx.msk [tilespmem:v4+s9+$0x0], $0xffff  }
0x1db: {  	s30 =	simm.s32 $0x1F40;
	v18 =	vadd.s32 s1, v1;
	v19 =	vld.idx.msk [tilespmem:v6+s9+$0x0], $0xffff  }
0x1dc: {  	v9 =	vadd.s32 s30, v3;
	s1 =	simm.s32 $0x3A98;
	v5 =	vld.idx.msk [tilespmem:v7+s9+$0x0], $0xffff  }
0x1dd: {  	s0 =	simm.s32 $0x2328;
	s3 =	simm.s32 $0x2710;
	v8 =	vld.idx.msk [tilespmem:v8+s9+$0x0], $0xffff;
	v15 =	vadd.s32 s1, v1  }
0x1de: {  	s29 =	simm.s32 $0x15A30;
	v10 =	vadd.s32 s0, v1;
	s0 =	simm.s32 $0x2AF8;
	v14 =	vadd.s32 s3, v1;
	s3 =	simm.s32 $0x2EE0;
	v13 =	vld.idx.msk [tilespmem:v11+s9+$0x0], $0xffff  }
0x1df: {  	v16 =	vld.idx.msk [tilespmem:v12+s9+$0x0], $0xffff;
	v12 =	vadd.s32 s3, v1;
	s3 =	simm.s32 $0x36B0;
	v11 =	vadd.s32 s0, v1;
	s0 =	simm.s32 $0x32C8;
	[tilespmem:s29+$0x0] =	vst v17  }
0x1e0: {  	s31 =	simm.s32 $0x8;
	v6 =	vadd.s32 s3, v1;
	v7 =	vadd.s32 s0, v1;
	v17 =	vld.idx.msk [tilespmem:v18+s9+$0x0], $0xffff;
	[tilespmem:s29+$0xFFFFFD00] =	vst v19  }
.LBB2_26:
0x1e1: {  	v18 =	vld.idx.msk [tilespmem:v9+s9+$0x0], $0xffff;
	[tilespmem:s29+$0xFFFFFD80] =	vst v5  }
0x1e2: {  	v19 =	vld.idx.msk [tilespmem:v15+s9+$0x0], $0xffff;
	[tilespmem:s29+$0xFFFFFE00] =	vst v8  }
0x1e3: {  	s31 =	sadd.s32 $0x8, s31;
	v20 =	vld.idx.msk [tilespmem:v10+s9+$0x0], $0xffff;
	[tilespmem:s29+$0xFFFFFE80] =	vst v13  }
0x1e4: {  	s30 =	sadd.s32 $0x1F40, s30;
	p1 =	slt.u32 s31, $0x20;
	v5 =	vld.idx.msk [tilespmem:v14+s9+$0x0], $0xffff;
	[tilespmem:s29+$0xFFFFFF00] =	vst v16  }
.Ltmp11:
0x1e5: {  	v9 =	vadd.s32 s30, v3;
	s0 =	sadd.s32 $0x3E8, s30;
	s1 =	sadd.s32 $0x1B58, s30;
	v8 =	vld.idx.msk [tilespmem:v11+s9+$0x0], $0xffff;
	[tilespmem:s29+$0xFFFFFF80] =	vst v17;
	(pc) =	sbr.rel @p1 .LBB2_26-.Ltmp11, $4  }
0x1e6: {  	s3 =	sadd.s32 $0xBB8, s30;
	v10 =	vadd.s32 s0, v1;
	s0 =	sadd.s32 $0x7D0, s30;
	v15 =	vadd.s32 s1, v1;
	v13 =	vld.idx.msk [tilespmem:v12+s9+$0x0], $0xffff;
	[tilespmem:s29+$0xFFFFFC80] =	vst v2;
	v2 =	vmov v4  }
0x1e7: {  	s1 =	sadd.s32 $0x1388, s30;
	v14 =	vadd.s32 s0, v1;
	s0 =	sadd.s32 $0xFA0, s30;
	v11 =	vadd.s32 s3, v1;
	s29 =	sadd.s32 $0x400, s29;
	v4 =	vmov v18;
	v16 =	vld.idx.msk [tilespmem:v7+s9+$0x0], $0xffff  }
0x1e8: {  	v12 =	vadd.s32 s0, v1;
	s0 =	sadd.s32 $0x1770, s30;
	v7 =	vadd.s32 s1, v1;
	v17 =	vld.idx.msk [tilespmem:v6+s9+$0x0], $0xffff;
	[tilespmem:s29+$0x0] =	vst v19  }
0x1e9: {  	v6 =	vadd.s32 s0, v1;
	[tilespmem:s29+$0xFFFFFD00] =	vst v20  }
0x1ea: {  	_ =	sdelay $0x1  }
0x1eb: {  	[tilespmem:s29+$0xFFFFFD80] =	vst v5  }
0x1ec: {  	[tilespmem:s29+$0xFFFFFE00] =	vst v8  }
0x1ed: {  	v1 =	vld.idx.msk [tilespmem:v15+s9+$0x0], $0xffff;
	[tilespmem:s29+$0xFFFFFC80] =	vst v2  }
0x1ee: {  	v3 =	vld.idx.msk [tilespmem:v10+s9+$0x0], $0xffff;
	s0 =	sadd.s32 $0x400, s29;
	[tilespmem:s29+$0xFFFFFE80] =	vst v13  }
0x1ef: {  	v5 =	vld.idx.msk [tilespmem:v14+s9+$0x0], $0xffff;
	[tilespmem:s0+$0xFFFFFC80] =	vst v4  }
0x1f0: {  	v8 =	vld.idx.msk [tilespmem:v11+s9+$0x0], $0xffff;
	[tilespmem:s29+$0xFFFFFF00] =	vst v16  }
0x1f1: {  	v9 =	vld.idx.msk [tilespmem:v12+s9+$0x0], $0xffff;
	[tilespmem:s29+$0xFFFFFF80] =	vst v17  }
0x1f2: {  	v2 =	vld.idx.msk [tilespmem:v7+s9+$0x0], $0xffff;
	[tilespmem:s0+$0x0] =	vst v1  }
0x1f3: {  	v1 =	vld.idx.msk [tilespmem:v6+s9+$0x0], $0xffff;
	[tilespmem:s0+$0xFFFFFD00] =	vst v3  }
0x1f4: {  	[tilespmem:s0+$0xFFFFFD80] =	vst v5  }
0x1f5: {  	[tilespmem:s0+$0xFFFFFE00] =	vst v8  }
0x1f6: {  	[tilespmem:s0+$0xFFFFFE80] =	vst v9  }
0x1f7: {  	[tilespmem:s0+$0xFFFFFF00] =	vst v2  }
0x1f8: {  	[tilespmem:s0+$0xFFFFFF80] =	vst v1  }
0x1f9: {  	v1 =	vld [tilespmem:s28+$0x40];
	_ =	sdelay $0x4  }
0x1fa: {  	s3 =	simm.s32 $0x1B58;
	v1 =	vadd.s32 v0, v1  }
0x1fb: {  	s1 =	simm.s32 $0x0;
	v3 =	vadd.s32 $0x1F40, v1;
	v5 =	vadd.s32 s3, v1  }
0x1fc: {  	v4 =	vadd.s32 s1, v3;
	s1 =	simm.s32 $0x3E8  }
0x1fd: {  	v6 =	vadd.s32 s1, v1;
	s1 =	simm.s32 $0x7D0  }
0x1fe: {  	s3 =	simm.s32 $0xBB8;
	v7 =	vadd.s32 s1, v1  }
0x1ff: {  	v8 =	vadd.s32 s3, v1;
	s1 =	simm.s32 $0xFA0;
	v2 =	vld.idx.msk [tilespmem:v1+s9+$0x0], $0xffff  }
0x200: {  	s3 =	simm.s32 $0x1388;
	v11 =	vadd.s32 s1, v1;
	v17 =	vld.idx.msk [tilespmem:v5+s9+$0x0], $0xffff  }
0x201: {  	v12 =	vadd.s32 s3, v1;
	s1 =	simm.s32 $0x1770;
	v4 =	vld.idx.msk [tilespmem:v4+s9+$0x0], $0xffff  }
0x202: {  	s30 =	simm.s32 $0x1F40;
	v18 =	vadd.s32 s1, v1;
	v19 =	vld.idx.msk [tilespmem:v6+s9+$0x0], $0xffff  }
0x203: {  	v9 =	vadd.s32 s30, v3;
	s1 =	simm.s32 $0x3A98;
	v5 =	vld.idx.msk [tilespmem:v7+s9+$0x0], $0xffff  }
0x204: {  	s0 =	simm.s32 $0x2328;
	s3 =	simm.s32 $0x2710;
	v8 =	vld.idx.msk [tilespmem:v8+s9+$0x0], $0xffff;
	v15 =	vadd.s32 s1, v1  }
0x205: {  	s29 =	simm.s32 $0x15A40;
	v10 =	vadd.s32 s0, v1;
	s0 =	simm.s32 $0x2AF8;
	v14 =	vadd.s32 s3, v1;
	s3 =	simm.s32 $0x2EE0;
	v13 =	vld.idx.msk [tilespmem:v11+s9+$0x0], $0xffff  }
0x206: {  	v16 =	vld.idx.msk [tilespmem:v12+s9+$0x0], $0xffff;
	v12 =	vadd.s32 s3, v1;
	s3 =	simm.s32 $0x36B0;
	v11 =	vadd.s32 s0, v1;
	s0 =	simm.s32 $0x32C8;
	[tilespmem:s29+$0x0] =	vst v17  }
0x207: {  	s31 =	simm.s32 $0x8;
	v6 =	vadd.s32 s3, v1;
	v7 =	vadd.s32 s0, v1;
	v17 =	vld.idx.msk [tilespmem:v18+s9+$0x0], $0xffff;
	[tilespmem:s29+$0xFFFFFD00] =	vst v19  }
.LBB2_28:
0x208: {  	v18 =	vld.idx.msk [tilespmem:v9+s9+$0x0], $0xffff;
	[tilespmem:s29+$0xFFFFFD80] =	vst v5  }
0x209: {  	v19 =	vld.idx.msk [tilespmem:v15+s9+$0x0], $0xffff;
	[tilespmem:s29+$0xFFFFFE00] =	vst v8  }
0x20a: {  	s31 =	sadd.s32 $0x8, s31;
	v20 =	vld.idx.msk [tilespmem:v10+s9+$0x0], $0xffff;
	[tilespmem:s29+$0xFFFFFE80] =	vst v13  }
0x20b: {  	s30 =	sadd.s32 $0x1F40, s30;
	p1 =	slt.u32 s31, $0x20;
	v5 =	vld.idx.msk [tilespmem:v14+s9+$0x0], $0xffff;
	[tilespmem:s29+$0xFFFFFF00] =	vst v16  }
.Ltmp12:
0x20c: {  	v9 =	vadd.s32 s30, v3;
	s0 =	sadd.s32 $0x3E8, s30;
	s1 =	sadd.s32 $0x1B58, s30;
	v8 =	vld.idx.msk [tilespmem:v11+s9+$0x0], $0xffff;
	[tilespmem:s29+$0xFFFFFF80] =	vst v17;
	(pc) =	sbr.rel @p1 .LBB2_28-.Ltmp12, $4  }
0x20d: {  	s3 =	sadd.s32 $0xBB8, s30;
	v10 =	vadd.s32 s0, v1;
	s0 =	sadd.s32 $0x7D0, s30;
	v15 =	vadd.s32 s1, v1;
	v13 =	vld.idx.msk [tilespmem:v12+s9+$0x0], $0xffff;
	[tilespmem:s29+$0xFFFFFC80] =	vst v2;
	v2 =	vmov v4  }
0x20e: {  	s1 =	sadd.s32 $0x1388, s30;
	v14 =	vadd.s32 s0, v1;
	s0 =	sadd.s32 $0xFA0, s30;
	v11 =	vadd.s32 s3, v1;
	s29 =	sadd.s32 $0x400, s29;
	v4 =	vmov v18;
	v16 =	vld.idx.msk [tilespmem:v7+s9+$0x0], $0xffff  }
0x20f: {  	v12 =	vadd.s32 s0, v1;
	s0 =	sadd.s32 $0x1770, s30;
	v7 =	vadd.s32 s1, v1;
	v17 =	vld.idx.msk [tilespmem:v6+s9+$0x0], $0xffff;
	[tilespmem:s29+$0x0] =	vst v19  }
0x210: {  	v6 =	vadd.s32 s0, v1;
	[tilespmem:s29+$0xFFFFFD00] =	vst v20  }
0x211: {  	_ =	sdelay $0x1  }
0x212: {  	[tilespmem:s29+$0xFFFFFD80] =	vst v5  }
0x213: {  	[tilespmem:s29+$0xFFFFFE00] =	vst v8  }
0x214: {  	v1 =	vld.idx.msk [tilespmem:v15+s9+$0x0], $0xffff;
	[tilespmem:s29+$0xFFFFFC80] =	vst v2  }
0x215: {  	v3 =	vld.idx.msk [tilespmem:v10+s9+$0x0], $0xffff;
	s0 =	sadd.s32 $0x400, s29;
	[tilespmem:s29+$0xFFFFFE80] =	vst v13  }
0x216: {  	v5 =	vld.idx.msk [tilespmem:v14+s9+$0x0], $0xffff;
	[tilespmem:s0+$0xFFFFFC80] =	vst v4  }
0x217: {  	v8 =	vld.idx.msk [tilespmem:v11+s9+$0x0], $0xffff;
	[tilespmem:s29+$0xFFFFFF00] =	vst v16  }
0x218: {  	v9 =	vld.idx.msk [tilespmem:v12+s9+$0x0], $0xffff;
	[tilespmem:s29+$0xFFFFFF80] =	vst v17  }
0x219: {  	v2 =	vld.idx.msk [tilespmem:v7+s9+$0x0], $0xffff;
	[tilespmem:s0+$0x0] =	vst v1  }
0x21a: {  	v1 =	vld.idx.msk [tilespmem:v6+s9+$0x0], $0xffff;
	[tilespmem:s0+$0xFFFFFD00] =	vst v3  }
0x21b: {  	[tilespmem:s0+$0xFFFFFD80] =	vst v5  }
0x21c: {  	[tilespmem:s0+$0xFFFFFE00] =	vst v8  }
0x21d: {  	[tilespmem:s0+$0xFFFFFE80] =	vst v9  }
0x21e: {  	[tilespmem:s0+$0xFFFFFF00] =	vst v2  }
0x21f: {  	[tilespmem:s0+$0xFFFFFF80] =	vst v1  }
0x220: {  	v1 =	vld [tilespmem:s28+$0x50];
	_ =	sdelay $0x4  }
0x221: {  	s3 =	simm.s32 $0x1B58;
	v1 =	vadd.s32 v0, v1  }
0x222: {  	s1 =	simm.s32 $0x0;
	v3 =	vadd.s32 $0x1F40, v1;
	v5 =	vadd.s32 s3, v1  }
0x223: {  	v4 =	vadd.s32 s1, v3;
	s1 =	simm.s32 $0x3E8  }
0x224: {  	v6 =	vadd.s32 s1, v1;
	s1 =	simm.s32 $0x7D0  }
0x225: {  	s3 =	simm.s32 $0xBB8;
	v7 =	vadd.s32 s1, v1  }
0x226: {  	v8 =	vadd.s32 s3, v1;
	s1 =	simm.s32 $0xFA0;
	v2 =	vld.idx.msk [tilespmem:v1+s9+$0x0], $0xffff  }
0x227: {  	s3 =	simm.s32 $0x1388;
	v11 =	vadd.s32 s1, v1;
	v17 =	vld.idx.msk [tilespmem:v5+s9+$0x0], $0xffff  }
0x228: {  	v12 =	vadd.s32 s3, v1;
	s1 =	simm.s32 $0x1770;
	v4 =	vld.idx.msk [tilespmem:v4+s9+$0x0], $0xffff  }
0x229: {  	s30 =	simm.s32 $0x1F40;
	v18 =	vadd.s32 s1, v1;
	v19 =	vld.idx.msk [tilespmem:v6+s9+$0x0], $0xffff  }
0x22a: {  	v9 =	vadd.s32 s30, v3;
	s1 =	simm.s32 $0x3A98;
	v5 =	vld.idx.msk [tilespmem:v7+s9+$0x0], $0xffff  }
0x22b: {  	s0 =	simm.s32 $0x2328;
	s3 =	simm.s32 $0x2710;
	v8 =	vld.idx.msk [tilespmem:v8+s9+$0x0], $0xffff;
	v15 =	vadd.s32 s1, v1  }
0x22c: {  	s29 =	simm.s32 $0x15A50;
	v10 =	vadd.s32 s0, v1;
	s0 =	simm.s32 $0x2AF8;
	v14 =	vadd.s32 s3, v1;
	s3 =	simm.s32 $0x2EE0;
	v13 =	vld.idx.msk [tilespmem:v11+s9+$0x0], $0xffff  }
0x22d: {  	v16 =	vld.idx.msk [tilespmem:v12+s9+$0x0], $0xffff;
	v12 =	vadd.s32 s3, v1;
	s3 =	simm.s32 $0x36B0;
	v11 =	vadd.s32 s0, v1;
	s0 =	simm.s32 $0x32C8;
	[tilespmem:s29+$0x0] =	vst v17  }
0x22e: {  	s31 =	simm.s32 $0x8;
	v6 =	vadd.s32 s3, v1;
	v7 =	vadd.s32 s0, v1;
	v17 =	vld.idx.msk [tilespmem:v18+s9+$0x0], $0xffff;
	[tilespmem:s29+$0xFFFFFD00] =	vst v19  }
.LBB2_30:
0x22f: {  	v18 =	vld.idx.msk [tilespmem:v9+s9+$0x0], $0xffff;
	[tilespmem:s29+$0xFFFFFD80] =	vst v5  }
0x230: {  	v19 =	vld.idx.msk [tilespmem:v15+s9+$0x0], $0xffff;
	[tilespmem:s29+$0xFFFFFE00] =	vst v8  }
0x231: {  	s31 =	sadd.s32 $0x8, s31;
	v20 =	vld.idx.msk [tilespmem:v10+s9+$0x0], $0xffff;
	[tilespmem:s29+$0xFFFFFE80] =	vst v13  }
0x232: {  	s30 =	sadd.s32 $0x1F40, s30;
	p1 =	slt.u32 s31, $0x20;
	v5 =	vld.idx.msk [tilespmem:v14+s9+$0x0], $0xffff;
	[tilespmem:s29+$0xFFFFFF00] =	vst v16  }
.Ltmp13:
0x233: {  	v9 =	vadd.s32 s30, v3;
	s0 =	sadd.s32 $0x3E8, s30;
	s1 =	sadd.s32 $0x1B58, s30;
	v8 =	vld.idx.msk [tilespmem:v11+s9+$0x0], $0xffff;
	[tilespmem:s29+$0xFFFFFF80] =	vst v17;
	(pc) =	sbr.rel @p1 .LBB2_30-.Ltmp13, $4  }
0x234: {  	s3 =	sadd.s32 $0xBB8, s30;
	v10 =	vadd.s32 s0, v1;
	s0 =	sadd.s32 $0x7D0, s30;
	v15 =	vadd.s32 s1, v1;
	v13 =	vld.idx.msk [tilespmem:v12+s9+$0x0], $0xffff;
	[tilespmem:s29+$0xFFFFFC80] =	vst v2;
	v2 =	vmov v4  }
0x235: {  	s1 =	sadd.s32 $0x1388, s30;
	v14 =	vadd.s32 s0, v1;
	s0 =	sadd.s32 $0xFA0, s30;
	v11 =	vadd.s32 s3, v1;
	s29 =	sadd.s32 $0x400, s29;
	v4 =	vmov v18;
	v16 =	vld.idx.msk [tilespmem:v7+s9+$0x0], $0xffff  }
0x236: {  	v12 =	vadd.s32 s0, v1;
	s0 =	sadd.s32 $0x1770, s30;
	v7 =	vadd.s32 s1, v1;
	v17 =	vld.idx.msk [tilespmem:v6+s9+$0x0], $0xffff;
	[tilespmem:s29+$0x0] =	vst v19  }
0x237: {  	v6 =	vadd.s32 s0, v1;
	[tilespmem:s29+$0xFFFFFD00] =	vst v20  }
0x238: {  	_ =	sdelay $0x1  }
0x239: {  	[tilespmem:s29+$0xFFFFFD80] =	vst v5  }
0x23a: {  	[tilespmem:s29+$0xFFFFFE00] =	vst v8  }
0x23b: {  	v1 =	vld.idx.msk [tilespmem:v15+s9+$0x0], $0xffff;
	[tilespmem:s29+$0xFFFFFC80] =	vst v2  }
0x23c: {  	v3 =	vld.idx.msk [tilespmem:v10+s9+$0x0], $0xffff;
	s0 =	sadd.s32 $0x400, s29;
	[tilespmem:s29+$0xFFFFFE80] =	vst v13  }
0x23d: {  	v5 =	vld.idx.msk [tilespmem:v14+s9+$0x0], $0xffff;
	[tilespmem:s0+$0xFFFFFC80] =	vst v4  }
0x23e: {  	v8 =	vld.idx.msk [tilespmem:v11+s9+$0x0], $0xffff;
	[tilespmem:s29+$0xFFFFFF00] =	vst v16  }
0x23f: {  	v9 =	vld.idx.msk [tilespmem:v12+s9+$0x0], $0xffff;
	[tilespmem:s29+$0xFFFFFF80] =	vst v17  }
0x240: {  	v2 =	vld.idx.msk [tilespmem:v7+s9+$0x0], $0xffff;
	[tilespmem:s0+$0x0] =	vst v1  }
0x241: {  	v1 =	vld.idx.msk [tilespmem:v6+s9+$0x0], $0xffff;
	[tilespmem:s0+$0xFFFFFD00] =	vst v3  }
0x242: {  	[tilespmem:s0+$0xFFFFFD80] =	vst v5  }
0x243: {  	[tilespmem:s0+$0xFFFFFE00] =	vst v8  }
0x244: {  	[tilespmem:s0+$0xFFFFFE80] =	vst v9  }
0x245: {  	[tilespmem:s0+$0xFFFFFF00] =	vst v2  }
0x246: {  	[tilespmem:s0+$0xFFFFFF80] =	vst v1  }
0x247: {  	v1 =	vld [tilespmem:s28+$0x60];
	_ =	sdelay $0x4  }
0x248: {  	s3 =	simm.s32 $0x1B58;
	v1 =	vadd.s32 v0, v1  }
0x249: {  	s1 =	simm.s32 $0x0;
	v3 =	vadd.s32 $0x1F40, v1;
	v5 =	vadd.s32 s3, v1  }
0x24a: {  	v4 =	vadd.s32 s1, v3;
	s1 =	simm.s32 $0x3E8  }
0x24b: {  	v6 =	vadd.s32 s1, v1;
	s1 =	simm.s32 $0x7D0  }
0x24c: {  	s3 =	simm.s32 $0xBB8;
	v7 =	vadd.s32 s1, v1  }
0x24d: {  	v8 =	vadd.s32 s3, v1;
	s1 =	simm.s32 $0xFA0;
	v2 =	vld.idx.msk [tilespmem:v1+s9+$0x0], $0xffff  }
0x24e: {  	s3 =	simm.s32 $0x1388;
	v11 =	vadd.s32 s1, v1;
	v17 =	vld.idx.msk [tilespmem:v5+s9+$0x0], $0xffff  }
0x24f: {  	v12 =	vadd.s32 s3, v1;
	s1 =	simm.s32 $0x1770;
	v4 =	vld.idx.msk [tilespmem:v4+s9+$0x0], $0xffff  }
0x250: {  	s30 =	simm.s32 $0x1F40;
	v18 =	vadd.s32 s1, v1;
	v19 =	vld.idx.msk [tilespmem:v6+s9+$0x0], $0xffff  }
0x251: {  	v9 =	vadd.s32 s30, v3;
	s1 =	simm.s32 $0x3A98;
	v5 =	vld.idx.msk [tilespmem:v7+s9+$0x0], $0xffff  }
0x252: {  	s0 =	simm.s32 $0x2328;
	s3 =	simm.s32 $0x2710;
	v8 =	vld.idx.msk [tilespmem:v8+s9+$0x0], $0xffff;
	v15 =	vadd.s32 s1, v1  }
0x253: {  	s29 =	simm.s32 $0x15A60;
	v10 =	vadd.s32 s0, v1;
	s0 =	simm.s32 $0x2AF8;
	v14 =	vadd.s32 s3, v1;
	s3 =	simm.s32 $0x2EE0;
	v13 =	vld.idx.msk [tilespmem:v11+s9+$0x0], $0xffff  }
0x254: {  	v16 =	vld.idx.msk [tilespmem:v12+s9+$0x0], $0xffff;
	v12 =	vadd.s32 s3, v1;
	s3 =	simm.s32 $0x36B0;
	v11 =	vadd.s32 s0, v1;
	s0 =	simm.s32 $0x32C8;
	[tilespmem:s29+$0x0] =	vst v17  }
0x255: {  	s31 =	simm.s32 $0x8;
	v6 =	vadd.s32 s3, v1;
	v7 =	vadd.s32 s0, v1;
	v17 =	vld.idx.msk [tilespmem:v18+s9+$0x0], $0xffff;
	[tilespmem:s29+$0xFFFFFD00] =	vst v19  }
.LBB2_32:
0x256: {  	v18 =	vld.idx.msk [tilespmem:v9+s9+$0x0], $0xffff;
	[tilespmem:s29+$0xFFFFFD80] =	vst v5  }
0x257: {  	v19 =	vld.idx.msk [tilespmem:v15+s9+$0x0], $0xffff;
	[tilespmem:s29+$0xFFFFFE00] =	vst v8  }
0x258: {  	s31 =	sadd.s32 $0x8, s31;
	v20 =	vld.idx.msk [tilespmem:v10+s9+$0x0], $0xffff;
	[tilespmem:s29+$0xFFFFFE80] =	vst v13  }
0x259: {  	s30 =	sadd.s32 $0x1F40, s30;
	p1 =	slt.u32 s31, $0x20;
	v5 =	vld.idx.msk [tilespmem:v14+s9+$0x0], $0xffff;
	[tilespmem:s29+$0xFFFFFF00] =	vst v16  }
.Ltmp14:
0x25a: {  	v9 =	vadd.s32 s30, v3;
	s0 =	sadd.s32 $0x3E8, s30;
	s1 =	sadd.s32 $0x1B58, s30;
	v8 =	vld.idx.msk [tilespmem:v11+s9+$0x0], $0xffff;
	[tilespmem:s29+$0xFFFFFF80] =	vst v17;
	(pc) =	sbr.rel @p1 .LBB2_32-.Ltmp14, $4  }
0x25b: {  	s3 =	sadd.s32 $0xBB8, s30;
	v10 =	vadd.s32 s0, v1;
	s0 =	sadd.s32 $0x7D0, s30;
	v15 =	vadd.s32 s1, v1;
	v13 =	vld.idx.msk [tilespmem:v12+s9+$0x0], $0xffff;
	[tilespmem:s29+$0xFFFFFC80] =	vst v2;
	v2 =	vmov v4  }
0x25c: {  	s1 =	sadd.s32 $0x1388, s30;
	v14 =	vadd.s32 s0, v1;
	s0 =	sadd.s32 $0xFA0, s30;
	v11 =	vadd.s32 s3, v1;
	s29 =	sadd.s32 $0x400, s29;
	v4 =	vmov v18;
	v16 =	vld.idx.msk [tilespmem:v7+s9+$0x0], $0xffff  }
0x25d: {  	v12 =	vadd.s32 s0, v1;
	s0 =	sadd.s32 $0x1770, s30;
	v7 =	vadd.s32 s1, v1;
	v17 =	vld.idx.msk [tilespmem:v6+s9+$0x0], $0xffff;
	[tilespmem:s29+$0x0] =	vst v19  }
0x25e: {  	v6 =	vadd.s32 s0, v1;
	[tilespmem:s29+$0xFFFFFD00] =	vst v20  }
0x25f: {  	_ =	sdelay $0x1  }
0x260: {  	[tilespmem:s29+$0xFFFFFD80] =	vst v5  }
0x261: {  	[tilespmem:s29+$0xFFFFFE00] =	vst v8  }
0x262: {  	v1 =	vld.idx.msk [tilespmem:v15+s9+$0x0], $0xffff;
	[tilespmem:s29+$0xFFFFFC80] =	vst v2  }
0x263: {  	v3 =	vld.idx.msk [tilespmem:v10+s9+$0x0], $0xffff;
	s0 =	sadd.s32 $0x400, s29;
	[tilespmem:s29+$0xFFFFFE80] =	vst v13  }
0x264: {  	v5 =	vld.idx.msk [tilespmem:v14+s9+$0x0], $0xffff;
	[tilespmem:s0+$0xFFFFFC80] =	vst v4  }
0x265: {  	v8 =	vld.idx.msk [tilespmem:v11+s9+$0x0], $0xffff;
	[tilespmem:s29+$0xFFFFFF00] =	vst v16  }
0x266: {  	v9 =	vld.idx.msk [tilespmem:v12+s9+$0x0], $0xffff;
	[tilespmem:s29+$0xFFFFFF80] =	vst v17  }
0x267: {  	v2 =	vld.idx.msk [tilespmem:v7+s9+$0x0], $0xffff;
	[tilespmem:s0+$0x0] =	vst v1  }
0x268: {  	v1 =	vld.idx.msk [tilespmem:v6+s9+$0x0], $0xffff;
	[tilespmem:s0+$0xFFFFFD00] =	vst v3  }
0x269: {  	[tilespmem:s0+$0xFFFFFD80] =	vst v5  }
0x26a: {  	[tilespmem:s0+$0xFFFFFE00] =	vst v8  }
0x26b: {  	[tilespmem:s0+$0xFFFFFE80] =	vst v9  }
0x26c: {  	[tilespmem:s0+$0xFFFFFF00] =	vst v2  }
0x26d: {  	[tilespmem:s0+$0xFFFFFF80] =	vst v1  }
0x26e: {  	v1 =	vld [tilespmem:s28+$0x70];
	_ =	sdelay $0x4  }
0x26f: {  	s31 =	simm.s32 $0x1B58;
	v2 =	vadd.s32 v0, v1  }
0x270: {  	s1 =	simm.s32 $0x3E8;
	v5 =	vadd.s32 s31, v2  }
0x271: {  	s3 =	simm.s32 $0x0;
	v4 =	vadd.s32 $0x1F40, v2;
	v6 =	vadd.s32 s1, v2  }
0x272: {  	v1 =	vadd.s32 s3, v4;
	s3 =	simm.s32 $0x7D0  }
0x273: {  	s31 =	simm.s32 $0xBB8;
	v7 =	vadd.s32 s3, v2  }
0x274: {  	s1 =	simm.s32 $0xFA0;
	v8 =	vadd.s32 s31, v2;
	v3 =	vld.idx.msk [tilespmem:v2+s9+$0x0], $0xffff  }
0x275: {  	v11 =	vadd.s32 s1, v2;
	s3 =	simm.s32 $0x1388;
	v17 =	vld.idx.msk [tilespmem:v5+s9+$0x0], $0xffff  }
0x276: {  	s31 =	simm.s32 $0x1770;
	v12 =	vadd.s32 s3, v2;
	v19 =	vld.idx.msk [tilespmem:v6+s9+$0x0], $0xffff  }
0x277: {  	s29 =	simm.s32 $0x1F40;
	v18 =	vadd.s32 s31, v2;
	v1 =	vld.idx.msk [tilespmem:v1+s9+$0x0], $0xffff  }
0x278: {  	v9 =	vadd.s32 s29, v4;
	s31 =	simm.s32 $0x3A98;
	v5 =	vld.idx.msk [tilespmem:v7+s9+$0x0], $0xffff  }
0x279: {  	s1 =	simm.s32 $0x2328;
	s3 =	simm.s32 $0x2710;
	v15 =	vadd.s32 s31, v2;
	v8 =	vld.idx.msk [tilespmem:v8+s9+$0x0], $0xffff  }
0x27a: {  	s0 =	simm.s32 $0x2AF8;
	s28 =	simm.s32 $0x15A70;
	v10 =	vadd.s32 s1, v2;
	s31 =	simm.s32 $0x2EE0;
	v14 =	vadd.s32 s3, v2;
	v13 =	vld.idx.msk [tilespmem:v11+s9+$0x0], $0xffff  }
0x27b: {  	s3 =	simm.s32 $0x32C8;
	v11 =	vadd.s32 s0, v2;
	v16 =	vld.idx.msk [tilespmem:v12+s9+$0x0], $0xffff;
	v12 =	vadd.s32 s31, v2;
	s31 =	simm.s32 $0x36B0;
	[tilespmem:s28+$0x0] =	vst v17  }
0x27c: {  	s30 =	simm.s32 $0x8;
	v7 =	vadd.s32 s3, v2;
	v6 =	vadd.s32 s31, v2;
	v17 =	vld.idx.msk [tilespmem:v18+s9+$0x0], $0xffff;
	[tilespmem:s28+$0xFFFFFD00] =	vst v19  }
.LBB2_34:
0x27d: {  	v18 =	vld.idx.msk [tilespmem:v9+s9+$0x0], $0xffff;
	[tilespmem:s28+$0xFFFFFD80] =	vst v5  }
0x27e: {  	v19 =	vld.idx.msk [tilespmem:v15+s9+$0x0], $0xffff;
	[tilespmem:s28+$0xFFFFFE00] =	vst v8  }
0x27f: {  	s30 =	sadd.s32 $0x8, s30;
	v20 =	vld.idx.msk [tilespmem:v10+s9+$0x0], $0xffff;
	[tilespmem:s28+$0xFFFFFE80] =	vst v13  }
0x280: {  	s29 =	sadd.s32 $0x1F40, s29;
	p1 =	slt.u32 s30, $0x20;
	v5 =	vld.idx.msk [tilespmem:v14+s9+$0x0], $0xffff;
	[tilespmem:s28+$0xFFFFFF00] =	vst v16  }
.Ltmp15:
0x281: {  	v9 =	vadd.s32 s29, v4;
	s0 =	sadd.s32 $0x3E8, s29;
	s1 =	sadd.s32 $0x1B58, s29;
	v8 =	vld.idx.msk [tilespmem:v11+s9+$0x0], $0xffff;
	[tilespmem:s28+$0xFFFFFF80] =	vst v17;
	(pc) =	sbr.rel @p1 .LBB2_34-.Ltmp15, $4  }
0x282: {  	s3 =	sadd.s32 $0xBB8, s29;
	v10 =	vadd.s32 s0, v2;
	s0 =	sadd.s32 $0x7D0, s29;
	v15 =	vadd.s32 s1, v2;
	v13 =	vld.idx.msk [tilespmem:v12+s9+$0x0], $0xffff;
	[tilespmem:s28+$0xFFFFFC80] =	vst v3;
	v3 =	vmov v1  }
0x283: {  	s1 =	sadd.s32 $0x1388, s29;
	v14 =	vadd.s32 s0, v2;
	s0 =	sadd.s32 $0xFA0, s29;
	v11 =	vadd.s32 s3, v2;
	s28 =	sadd.s32 $0x400, s28;
	v1 =	vmov v18;
	v16 =	vld.idx.msk [tilespmem:v7+s9+$0x0], $0xffff  }
0x284: {  	v12 =	vadd.s32 s0, v2;
	s0 =	sadd.s32 $0x1770, s29;
	v7 =	vadd.s32 s1, v2;
	v17 =	vld.idx.msk [tilespmem:v6+s9+$0x0], $0xffff;
	[tilespmem:s28+$0x0] =	vst v19  }
0x285: {  	v6 =	vadd.s32 s0, v2;
	[tilespmem:s28+$0xFFFFFD00] =	vst v20  }
0x286: {  	_ =	sdelay $0x1  }
0x287: {  	[tilespmem:s28+$0xFFFFFD80] =	vst v5  }
0x288: {  	[tilespmem:s28+$0xFFFFFE00] =	vst v8  }
0x289: {  	v2 =	vld.idx.msk [tilespmem:v15+s9+$0x0], $0xffff;
	[tilespmem:s28+$0xFFFFFC80] =	vst v3  }
0x28a: {  	v4 =	vld.idx.msk [tilespmem:v10+s9+$0x0], $0xffff;
	s0 =	sadd.s32 $0x400, s28;
	[tilespmem:s28+$0xFFFFFE80] =	vst v13  }
0x28b: {  	v5 =	vld.idx.msk [tilespmem:v14+s9+$0x0], $0xffff;
	[tilespmem:s0+$0xFFFFFC80] =	vst v1  }
0x28c: {  	v8 =	vld.idx.msk [tilespmem:v11+s9+$0x0], $0xffff;
	[tilespmem:s28+$0xFFFFFF00] =	vst v16  }
0x28d: {  	v9 =	vld.idx.msk [tilespmem:v12+s9+$0x0], $0xffff;
	[tilespmem:s28+$0xFFFFFF80] =	vst v17  }
0x28e: {  	v3 =	vld.idx.msk [tilespmem:v7+s9+$0x0], $0xffff;
	s1 =	smul.u32 $0x3E8, s26;
	[tilespmem:s0+$0x0] =	vst v2  }
0x28f: {  	v2 =	vld.idx.msk [tilespmem:v6+s9+$0x0], $0xffff;
	[tilespmem:s0+$0xFFFFFD00] =	vst v4  }
0x290: {  	s1 =	sadd.s32 s22, s1;
	[tilespmem:s0+$0xFFFFFD80] =	vst v5  }
0x291: {  	s1 =	sshll.u32 s1, $0xC;
	[tilespmem:s0+$0xFFFFFE00] =	vst v8  }
0x292: {  	s1 =	sor.u32 s6, s1;
	[tilespmem:s0+$0xFFFFFE80] =	vst v9  }
0x293: {  	[tilespmem:s0+$0xFFFFFF00] =	vst v3;
	s1 =	sshrl.u32 s1, $0x3  }
0x294: {  	s1 =	sadd.s32 s2, s1;
	[tilespmem:s0+$0xFFFFFF80] =	vst v2;
	s0 =	simm.s32 @!p0 $0x5  }
0x295: {  	[hbm4b:s1+s10] =	stream.strided.scatter [tilespmem:s13], [sflag:$0x4], $0x1400, s11, s10, $0x38;
	[tilespmem:$0x19280] =	vst v63  }
0x296: {  	s26 =	sor.u32 $0x2, s25;
	_ =	swait.ge @!p0 [sflag:s0], $0x1400  }
0x297: {  	s3 =	sshll.u32 s26, $0x7;
	[sflag:s0] =	ssyncset.done @!p0 $0x0  }
0x298: {  	s28 =	sand.u32 $0x3FFFFF80, s3;
	[sflag:s0] =	ssyncadd.s32 @!p0 $0xFFFFEC00  }
0x299: {  	v1 =	vld [tilespmem:s28+$0x0];
	_ =	sdelay $0x4  }
0x29a: {  	s1 =	simm.s32 $0x1B58;
	v1 =	vadd.s32 v0, v1  }
0x29b: {  	s3 =	simm.s32 $0x0;
	v3 =	vadd.s32 $0x1F40, v1;
	v5 =	vadd.s32 s1, v1  }
0x29c: {  	v4 =	vadd.s32 s3, v3;
	s3 =	simm.s32 $0x3E8  }
0x29d: {  	s1 =	simm.s32 $0x7D0;
	v6 =	vadd.s32 s3, v1  }
0x29e: {  	v7 =	vadd.s32 s1, v1;
	s3 =	simm.s32 $0xBB8  }
0x29f: {  	s1 =	simm.s32 $0xFA0;
	v8 =	vadd.s32 s3, v1;
	v2 =	vld.idx.msk [tilespmem:v1+s9+$0x0], $0xffff  }
0x2a0: {  	v11 =	vadd.s32 s1, v1;
	s3 =	simm.s32 $0x1388;
	v17 =	vld.idx.msk [tilespmem:v5+s9+$0x0], $0xffff  }
0x2a1: {  	s1 =	simm.s32 $0x1770;
	v12 =	vadd.s32 s3, v1;
	v4 =	vld.idx.msk [tilespmem:v4+s9+$0x0], $0xffff  }
0x2a2: {  	s30 =	simm.s32 $0x1F40;
	v18 =	vadd.s32 s1, v1;
	v19 =	vld.idx.msk [tilespmem:v6+s9+$0x0], $0xffff  }
0x2a3: {  	v9 =	vadd.s32 s30, v3;
	s1 =	simm.s32 $0x3A98;
	v5 =	vld.idx.msk [tilespmem:v7+s9+$0x0], $0xffff  }
0x2a4: {  	s0 =	simm.s32 $0x2328;
	s3 =	simm.s32 $0x2710;
	v15 =	vadd.s32 s1, v1;
	v8 =	vld.idx.msk [tilespmem:v8+s9+$0x0], $0xffff  }
0x2a5: {  	s29 =	simm.s32 $0x16E00;
	v10 =	vadd.s32 s0, v1;
	s0 =	simm.s32 $0x2AF8;
	v14 =	vadd.s32 s3, v1;
	s3 =	simm.s32 $0x2EE0;
	v13 =	vld.idx.msk [tilespmem:v11+s9+$0x0], $0xffff  }
0x2a6: {  	v11 =	vadd.s32 s0, v1;
	s0 =	simm.s32 $0x32C8;
	v16 =	vld.idx.msk [tilespmem:v12+s9+$0x0], $0xffff;
	v12 =	vadd.s32 s3, v1;
	s3 =	simm.s32 $0x36B0;
	[tilespmem:s29+$0x0] =	vst v17  }
0x2a7: {  	s31 =	simm.s32 $0x8;
	v7 =	vadd.s32 s0, v1;
	v17 =	vld.idx.msk [tilespmem:v18+s9+$0x0], $0xffff;
	v6 =	vadd.s32 s3, v1;
	[tilespmem:s29+$0xFFFFFD00] =	vst v19  }
.LBB2_36:
0x2a8: {  	v18 =	vld.idx.msk [tilespmem:v9+s9+$0x0], $0xffff;
	[tilespmem:s29+$0xFFFFFD80] =	vst v5  }
0x2a9: {  	v19 =	vld.idx.msk [tilespmem:v15+s9+$0x0], $0xffff;
	[tilespmem:s29+$0xFFFFFE00] =	vst v8  }
0x2aa: {  	s31 =	sadd.s32 $0x8, s31;
	v20 =	vld.idx.msk [tilespmem:v10+s9+$0x0], $0xffff;
	[tilespmem:s29+$0xFFFFFE80] =	vst v13  }
0x2ab: {  	s30 =	sadd.s32 $0x1F40, s30;
	p1 =	slt.u32 s31, $0x20;
	v5 =	vld.idx.msk [tilespmem:v14+s9+$0x0], $0xffff;
	[tilespmem:s29+$0xFFFFFF00] =	vst v16  }
.Ltmp16:
0x2ac: {  	v9 =	vadd.s32 s30, v3;
	s0 =	sadd.s32 $0x3E8, s30;
	s1 =	sadd.s32 $0x1B58, s30;
	v8 =	vld.idx.msk [tilespmem:v11+s9+$0x0], $0xffff;
	[tilespmem:s29+$0xFFFFFF80] =	vst v17;
	(pc) =	sbr.rel @p1 .LBB2_36-.Ltmp16, $4  }
0x2ad: {  	s3 =	sadd.s32 $0xBB8, s30;
	v10 =	vadd.s32 s0, v1;
	s0 =	sadd.s32 $0x7D0, s30;
	v15 =	vadd.s32 s1, v1;
	v13 =	vld.idx.msk [tilespmem:v12+s9+$0x0], $0xffff;
	[tilespmem:s29+$0xFFFFFC80] =	vst v2;
	v2 =	vmov v4  }
0x2ae: {  	s1 =	sadd.s32 $0x1388, s30;
	v14 =	vadd.s32 s0, v1;
	s0 =	sadd.s32 $0xFA0, s30;
	v11 =	vadd.s32 s3, v1;
	s29 =	sadd.s32 $0x400, s29;
	v4 =	vmov v18;
	v16 =	vld.idx.msk [tilespmem:v7+s9+$0x0], $0xffff  }
0x2af: {  	v12 =	vadd.s32 s0, v1;
	s0 =	sadd.s32 $0x1770, s30;
	v7 =	vadd.s32 s1, v1;
	v17 =	vld.idx.msk [tilespmem:v6+s9+$0x0], $0xffff;
	[tilespmem:s29+$0x0] =	vst v19  }
0x2b0: {  	v6 =	vadd.s32 s0, v1;
	[tilespmem:s29+$0xFFFFFD00] =	vst v20  }
0x2b1: {  	_ =	sdelay $0x1  }
0x2b2: {  	[tilespmem:s29+$0xFFFFFD80] =	vst v5  }
0x2b3: {  	[tilespmem:s29+$0xFFFFFE00] =	vst v8  }
0x2b4: {  	v1 =	vld.idx.msk [tilespmem:v15+s9+$0x0], $0xffff;
	[tilespmem:s29+$0xFFFFFC80] =	vst v2  }
0x2b5: {  	v3 =	vld.idx.msk [tilespmem:v10+s9+$0x0], $0xffff;
	s0 =	sadd.s32 $0x400, s29;
	[tilespmem:s29+$0xFFFFFE80] =	vst v13  }
0x2b6: {  	v5 =	vld.idx.msk [tilespmem:v14+s9+$0x0], $0xffff;
	[tilespmem:s0+$0xFFFFFC80] =	vst v4  }
0x2b7: {  	v8 =	vld.idx.msk [tilespmem:v11+s9+$0x0], $0xffff;
	[tilespmem:s29+$0xFFFFFF00] =	vst v16  }
0x2b8: {  	v9 =	vld.idx.msk [tilespmem:v12+s9+$0x0], $0xffff;
	[tilespmem:s29+$0xFFFFFF80] =	vst v17  }
0x2b9: {  	v2 =	vld.idx.msk [tilespmem:v7+s9+$0x0], $0xffff;
	[tilespmem:s0+$0x0] =	vst v1  }
0x2ba: {  	v1 =	vld.idx.msk [tilespmem:v6+s9+$0x0], $0xffff;
	[tilespmem:s0+$0xFFFFFD00] =	vst v3  }
0x2bb: {  	[tilespmem:s0+$0xFFFFFD80] =	vst v5  }
0x2bc: {  	[tilespmem:s0+$0xFFFFFE00] =	vst v8  }
0x2bd: {  	[tilespmem:s0+$0xFFFFFE80] =	vst v9  }
0x2be: {  	[tilespmem:s0+$0xFFFFFF00] =	vst v2  }
0x2bf: {  	[tilespmem:s0+$0xFFFFFF80] =	vst v1  }
0x2c0: {  	v1 =	vld [tilespmem:s28+$0x10];
	_ =	sdelay $0x4  }
0x2c1: {  	s3 =	simm.s32 $0x1B58;
	v1 =	vadd.s32 v0, v1  }
0x2c2: {  	s1 =	simm.s32 $0x0;
	v3 =	vadd.s32 $0x1F40, v1;
	v5 =	vadd.s32 s3, v1  }
0x2c3: {  	v4 =	vadd.s32 s1, v3;
	s1 =	simm.s32 $0x3E8  }
0x2c4: {  	v6 =	vadd.s32 s1, v1;
	s1 =	simm.s32 $0x7D0  }
0x2c5: {  	s3 =	simm.s32 $0xBB8;
	v7 =	vadd.s32 s1, v1  }
0x2c6: {  	v8 =	vadd.s32 s3, v1;
	s1 =	simm.s32 $0xFA0;
	v2 =	vld.idx.msk [tilespmem:v1+s9+$0x0], $0xffff  }
0x2c7: {  	s3 =	simm.s32 $0x1388;
	v11 =	vadd.s32 s1, v1;
	v17 =	vld.idx.msk [tilespmem:v5+s9+$0x0], $0xffff  }
0x2c8: {  	v12 =	vadd.s32 s3, v1;
	s1 =	simm.s32 $0x1770;
	v4 =	vld.idx.msk [tilespmem:v4+s9+$0x0], $0xffff  }
0x2c9: {  	s30 =	simm.s32 $0x1F40;
	v18 =	vadd.s32 s1, v1;
	v19 =	vld.idx.msk [tilespmem:v6+s9+$0x0], $0xffff  }
0x2ca: {  	v9 =	vadd.s32 s30, v3;
	s1 =	simm.s32 $0x3A98;
	v5 =	vld.idx.msk [tilespmem:v7+s9+$0x0], $0xffff  }
0x2cb: {  	s0 =	simm.s32 $0x2328;
	s3 =	simm.s32 $0x2710;
	v8 =	vld.idx.msk [tilespmem:v8+s9+$0x0], $0xffff;
	v15 =	vadd.s32 s1, v1  }
0x2cc: {  	s29 =	simm.s32 $0x16E10;
	v10 =	vadd.s32 s0, v1;
	s0 =	simm.s32 $0x2AF8;
	v14 =	vadd.s32 s3, v1;
	s3 =	simm.s32 $0x2EE0;
	v13 =	vld.idx.msk [tilespmem:v11+s9+$0x0], $0xffff  }
0x2cd: {  	v16 =	vld.idx.msk [tilespmem:v12+s9+$0x0], $0xffff;
	v12 =	vadd.s32 s3, v1;
	s3 =	simm.s32 $0x36B0;
	v11 =	vadd.s32 s0, v1;
	s0 =	simm.s32 $0x32C8;
	[tilespmem:s29+$0x0] =	vst v17  }
0x2ce: {  	s31 =	simm.s32 $0x8;
	v6 =	vadd.s32 s3, v1;
	v7 =	vadd.s32 s0, v1;
	v17 =	vld.idx.msk [tilespmem:v18+s9+$0x0], $0xffff;
	[tilespmem:s29+$0xFFFFFD00] =	vst v19  }
.LBB2_38:
0x2cf: {  	v18 =	vld.idx.msk [tilespmem:v9+s9+$0x0], $0xffff;
	[tilespmem:s29+$0xFFFFFD80] =	vst v5  }
0x2d0: {  	v19 =	vld.idx.msk [tilespmem:v15+s9+$0x0], $0xffff;
	[tilespmem:s29+$0xFFFFFE00] =	vst v8  }
0x2d1: {  	s31 =	sadd.s32 $0x8, s31;
	v20 =	vld.idx.msk [tilespmem:v10+s9+$0x0], $0xffff;
	[tilespmem:s29+$0xFFFFFE80] =	vst v13  }
0x2d2: {  	s30 =	sadd.s32 $0x1F40, s30;
	p1 =	slt.u32 s31, $0x20;
	v5 =	vld.idx.msk [tilespmem:v14+s9+$0x0], $0xffff;
	[tilespmem:s29+$0xFFFFFF00] =	vst v16  }
.Ltmp17:
0x2d3: {  	v9 =	vadd.s32 s30, v3;
	s0 =	sadd.s32 $0x3E8, s30;
	s1 =	sadd.s32 $0x1B58, s30;
	v8 =	vld.idx.msk [tilespmem:v11+s9+$0x0], $0xffff;
	[tilespmem:s29+$0xFFFFFF80] =	vst v17;
	(pc) =	sbr.rel @p1 .LBB2_38-.Ltmp17, $4  }
0x2d4: {  	s3 =	sadd.s32 $0xBB8, s30;
	v10 =	vadd.s32 s0, v1;
	s0 =	sadd.s32 $0x7D0, s30;
	v15 =	vadd.s32 s1, v1;
	v13 =	vld.idx.msk [tilespmem:v12+s9+$0x0], $0xffff;
	[tilespmem:s29+$0xFFFFFC80] =	vst v2;
	v2 =	vmov v4  }
0x2d5: {  	s1 =	sadd.s32 $0x1388, s30;
	v14 =	vadd.s32 s0, v1;
	s0 =	sadd.s32 $0xFA0, s30;
	v11 =	vadd.s32 s3, v1;
	s29 =	sadd.s32 $0x400, s29;
	v4 =	vmov v18;
	v16 =	vld.idx.msk [tilespmem:v7+s9+$0x0], $0xffff  }
0x2d6: {  	v12 =	vadd.s32 s0, v1;
	s0 =	sadd.s32 $0x1770, s30;
	v7 =	vadd.s32 s1, v1;
	v17 =	vld.idx.msk [tilespmem:v6+s9+$0x0], $0xffff;
	[tilespmem:s29+$0x0] =	vst v19  }
0x2d7: {  	v6 =	vadd.s32 s0, v1;
	[tilespmem:s29+$0xFFFFFD00] =	vst v20  }
0x2d8: {  	_ =	sdelay $0x1  }
0x2d9: {  	[tilespmem:s29+$0xFFFFFD80] =	vst v5  }
0x2da: {  	[tilespmem:s29+$0xFFFFFE00] =	vst v8  }
0x2db: {  	v1 =	vld.idx.msk [tilespmem:v15+s9+$0x0], $0xffff;
	[tilespmem:s29+$0xFFFFFC80] =	vst v2  }
0x2dc: {  	v3 =	vld.idx.msk [tilespmem:v10+s9+$0x0], $0xffff;
	s0 =	sadd.s32 $0x400, s29;
	[tilespmem:s29+$0xFFFFFE80] =	vst v13  }
0x2dd: {  	v5 =	vld.idx.msk [tilespmem:v14+s9+$0x0], $0xffff;
	[tilespmem:s0+$0xFFFFFC80] =	vst v4  }
0x2de: {  	v8 =	vld.idx.msk [tilespmem:v11+s9+$0x0], $0xffff;
	[tilespmem:s29+$0xFFFFFF00] =	vst v16  }
0x2df: {  	v9 =	vld.idx.msk [tilespmem:v12+s9+$0x0], $0xffff;
	[tilespmem:s29+$0xFFFFFF80] =	vst v17  }
0x2e0: {  	v2 =	vld.idx.msk [tilespmem:v7+s9+$0x0], $0xffff;
	[tilespmem:s0+$0x0] =	vst v1  }
0x2e1: {  	v1 =	vld.idx.msk [tilespmem:v6+s9+$0x0], $0xffff;
	[tilespmem:s0+$0xFFFFFD00] =	vst v3  }
0x2e2: {  	[tilespmem:s0+$0xFFFFFD80] =	vst v5  }
0x2e3: {  	[tilespmem:s0+$0xFFFFFE00] =	vst v8  }
0x2e4: {  	[tilespmem:s0+$0xFFFFFE80] =	vst v9  }
0x2e5: {  	[tilespmem:s0+$0xFFFFFF00] =	vst v2  }
0x2e6: {  	[tilespmem:s0+$0xFFFFFF80] =	vst v1  }
0x2e7: {  	v1 =	vld [tilespmem:s28+$0x20];
	_ =	sdelay $0x4  }
0x2e8: {  	s3 =	simm.s32 $0x1B58;
	v1 =	vadd.s32 v0, v1  }
0x2e9: {  	s1 =	simm.s32 $0x0;
	v3 =	vadd.s32 $0x1F40, v1;
	v5 =	vadd.s32 s3, v1  }
0x2ea: {  	v4 =	vadd.s32 s1, v3;
	s1 =	simm.s32 $0x3E8  }
0x2eb: {  	v6 =	vadd.s32 s1, v1;
	s1 =	simm.s32 $0x7D0  }
0x2ec: {  	s3 =	simm.s32 $0xBB8;
	v7 =	vadd.s32 s1, v1  }
0x2ed: {  	v8 =	vadd.s32 s3, v1;
	s1 =	simm.s32 $0xFA0;
	v2 =	vld.idx.msk [tilespmem:v1+s9+$0x0], $0xffff  }
0x2ee: {  	s3 =	simm.s32 $0x1388;
	v11 =	vadd.s32 s1, v1;
	v17 =	vld.idx.msk [tilespmem:v5+s9+$0x0], $0xffff  }
0x2ef: {  	v12 =	vadd.s32 s3, v1;
	s1 =	simm.s32 $0x1770;
	v4 =	vld.idx.msk [tilespmem:v4+s9+$0x0], $0xffff  }
0x2f0: {  	s30 =	simm.s32 $0x1F40;
	v18 =	vadd.s32 s1, v1;
	v19 =	vld.idx.msk [tilespmem:v6+s9+$0x0], $0xffff  }
0x2f1: {  	v9 =	vadd.s32 s30, v3;
	s1 =	simm.s32 $0x3A98;
	v5 =	vld.idx.msk [tilespmem:v7+s9+$0x0], $0xffff  }
0x2f2: {  	s0 =	simm.s32 $0x2328;
	s3 =	simm.s32 $0x2710;
	v8 =	vld.idx.msk [tilespmem:v8+s9+$0x0], $0xffff;
	v15 =	vadd.s32 s1, v1  }
0x2f3: {  	s29 =	simm.s32 $0x16E20;
	v10 =	vadd.s32 s0, v1;
	s0 =	simm.s32 $0x2AF8;
	v14 =	vadd.s32 s3, v1;
	s3 =	simm.s32 $0x2EE0;
	v13 =	vld.idx.msk [tilespmem:v11+s9+$0x0], $0xffff  }
0x2f4: {  	v16 =	vld.idx.msk [tilespmem:v12+s9+$0x0], $0xffff;
	v12 =	vadd.s32 s3, v1;
	s3 =	simm.s32 $0x36B0;
	v11 =	vadd.s32 s0, v1;
	s0 =	simm.s32 $0x32C8;
	[tilespmem:s29+$0x0] =	vst v17  }
0x2f5: {  	s31 =	simm.s32 $0x8;
	v6 =	vadd.s32 s3, v1;
	v7 =	vadd.s32 s0, v1;
	v17 =	vld.idx.msk [tilespmem:v18+s9+$0x0], $0xffff;
	[tilespmem:s29+$0xFFFFFD00] =	vst v19  }
.LBB2_40:
0x2f6: {  	v18 =	vld.idx.msk [tilespmem:v9+s9+$0x0], $0xffff;
	[tilespmem:s29+$0xFFFFFD80] =	vst v5  }
0x2f7: {  	v19 =	vld.idx.msk [tilespmem:v15+s9+$0x0], $0xffff;
	[tilespmem:s29+$0xFFFFFE00] =	vst v8  }
0x2f8: {  	s31 =	sadd.s32 $0x8, s31;
	v20 =	vld.idx.msk [tilespmem:v10+s9+$0x0], $0xffff;
	[tilespmem:s29+$0xFFFFFE80] =	vst v13  }
0x2f9: {  	s30 =	sadd.s32 $0x1F40, s30;
	p1 =	slt.u32 s31, $0x20;
	v5 =	vld.idx.msk [tilespmem:v14+s9+$0x0], $0xffff;
	[tilespmem:s29+$0xFFFFFF00] =	vst v16  }
.Ltmp18:
0x2fa: {  	v9 =	vadd.s32 s30, v3;
	s0 =	sadd.s32 $0x3E8, s30;
	s1 =	sadd.s32 $0x1B58, s30;
	v8 =	vld.idx.msk [tilespmem:v11+s9+$0x0], $0xffff;
	[tilespmem:s29+$0xFFFFFF80] =	vst v17;
	(pc) =	sbr.rel @p1 .LBB2_40-.Ltmp18, $4  }
0x2fb: {  	s3 =	sadd.s32 $0xBB8, s30;
	v10 =	vadd.s32 s0, v1;
	s0 =	sadd.s32 $0x7D0, s30;
	v15 =	vadd.s32 s1, v1;
	v13 =	vld.idx.msk [tilespmem:v12+s9+$0x0], $0xffff;
	[tilespmem:s29+$0xFFFFFC80] =	vst v2;
	v2 =	vmov v4  }
0x2fc: {  	s1 =	sadd.s32 $0x1388, s30;
	v14 =	vadd.s32 s0, v1;
	s0 =	sadd.s32 $0xFA0, s30;
	v11 =	vadd.s32 s3, v1;
	s29 =	sadd.s32 $0x400, s29;
	v4 =	vmov v18;
	v16 =	vld.idx.msk [tilespmem:v7+s9+$0x0], $0xffff  }
0x2fd: {  	v12 =	vadd.s32 s0, v1;
	s0 =	sadd.s32 $0x1770, s30;
	v7 =	vadd.s32 s1, v1;
	v17 =	vld.idx.msk [tilespmem:v6+s9+$0x0], $0xffff;
	[tilespmem:s29+$0x0] =	vst v19  }
0x2fe: {  	v6 =	vadd.s32 s0, v1;
	[tilespmem:s29+$0xFFFFFD00] =	vst v20  }
0x2ff: {  	_ =	sdelay $0x1  }
0x300: {  	[tilespmem:s29+$0xFFFFFD80] =	vst v5  }
0x301: {  	[tilespmem:s29+$0xFFFFFE00] =	vst v8  }
0x302: {  	v1 =	vld.idx.msk [tilespmem:v15+s9+$0x0], $0xffff;
	[tilespmem:s29+$0xFFFFFC80] =	vst v2  }
0x303: {  	v3 =	vld.idx.msk [tilespmem:v10+s9+$0x0], $0xffff;
	s0 =	sadd.s32 $0x400, s29;
	[tilespmem:s29+$0xFFFFFE80] =	vst v13  }
0x304: {  	v5 =	vld.idx.msk [tilespmem:v14+s9+$0x0], $0xffff;
	[tilespmem:s0+$0xFFFFFC80] =	vst v4  }
0x305: {  	v8 =	vld.idx.msk [tilespmem:v11+s9+$0x0], $0xffff;
	[tilespmem:s29+$0xFFFFFF00] =	vst v16  }
0x306: {  	v9 =	vld.idx.msk [tilespmem:v12+s9+$0x0], $0xffff;
	[tilespmem:s29+$0xFFFFFF80] =	vst v17  }
0x307: {  	v2 =	vld.idx.msk [tilespmem:v7+s9+$0x0], $0xffff;
	[tilespmem:s0+$0x0] =	vst v1  }
0x308: {  	v1 =	vld.idx.msk [tilespmem:v6+s9+$0x0], $0xffff;
	[tilespmem:s0+$0xFFFFFD00] =	vst v3  }
0x309: {  	[tilespmem:s0+$0xFFFFFD80] =	vst v5  }
0x30a: {  	[tilespmem:s0+$0xFFFFFE00] =	vst v8  }
0x30b: {  	[tilespmem:s0+$0xFFFFFE80] =	vst v9  }
0x30c: {  	[tilespmem:s0+$0xFFFFFF00] =	vst v2  }
0x30d: {  	[tilespmem:s0+$0xFFFFFF80] =	vst v1  }
0x30e: {  	v1 =	vld [tilespmem:s28+$0x30];
	_ =	sdelay $0x4  }
0x30f: {  	s3 =	simm.s32 $0x1B58;
	v1 =	vadd.s32 v0, v1  }
0x310: {  	s1 =	simm.s32 $0x0;
	v3 =	vadd.s32 $0x1F40, v1;
	v5 =	vadd.s32 s3, v1  }
0x311: {  	v4 =	vadd.s32 s1, v3;
	s1 =	simm.s32 $0x3E8  }
0x312: {  	v6 =	vadd.s32 s1, v1;
	s1 =	simm.s32 $0x7D0  }
0x313: {  	s3 =	simm.s32 $0xBB8;
	v7 =	vadd.s32 s1, v1  }
0x314: {  	v8 =	vadd.s32 s3, v1;
	s1 =	simm.s32 $0xFA0;
	v2 =	vld.idx.msk [tilespmem:v1+s9+$0x0], $0xffff  }
0x315: {  	s3 =	simm.s32 $0x1388;
	v11 =	vadd.s32 s1, v1;
	v17 =	vld.idx.msk [tilespmem:v5+s9+$0x0], $0xffff  }
0x316: {  	v12 =	vadd.s32 s3, v1;
	s1 =	simm.s32 $0x1770;
	v4 =	vld.idx.msk [tilespmem:v4+s9+$0x0], $0xffff  }
0x317: {  	s30 =	simm.s32 $0x1F40;
	v18 =	vadd.s32 s1, v1;
	v19 =	vld.idx.msk [tilespmem:v6+s9+$0x0], $0xffff  }
0x318: {  	v9 =	vadd.s32 s30, v3;
	s1 =	simm.s32 $0x3A98;
	v5 =	vld.idx.msk [tilespmem:v7+s9+$0x0], $0xffff  }
0x319: {  	s0 =	simm.s32 $0x2328;
	s3 =	simm.s32 $0x2710;
	v8 =	vld.idx.msk [tilespmem:v8+s9+$0x0], $0xffff;
	v15 =	vadd.s32 s1, v1  }
0x31a: {  	s29 =	simm.s32 $0x16E30;
	v10 =	vadd.s32 s0, v1;
	s0 =	simm.s32 $0x2AF8;
	v14 =	vadd.s32 s3, v1;
	s3 =	simm.s32 $0x2EE0;
	v13 =	vld.idx.msk [tilespmem:v11+s9+$0x0], $0xffff  }
0x31b: {  	v16 =	vld.idx.msk [tilespmem:v12+s9+$0x0], $0xffff;
	v12 =	vadd.s32 s3, v1;
	s3 =	simm.s32 $0x36B0;
	v11 =	vadd.s32 s0, v1;
	s0 =	simm.s32 $0x32C8;
	[tilespmem:s29+$0x0] =	vst v17  }
0x31c: {  	s31 =	simm.s32 $0x8;
	v6 =	vadd.s32 s3, v1;
	v7 =	vadd.s32 s0, v1;
	v17 =	vld.idx.msk [tilespmem:v18+s9+$0x0], $0xffff;
	[tilespmem:s29+$0xFFFFFD00] =	vst v19  }
.LBB2_42:
0x31d: {  	v18 =	vld.idx.msk [tilespmem:v9+s9+$0x0], $0xffff;
	[tilespmem:s29+$0xFFFFFD80] =	vst v5  }
0x31e: {  	v19 =	vld.idx.msk [tilespmem:v15+s9+$0x0], $0xffff;
	[tilespmem:s29+$0xFFFFFE00] =	vst v8  }
0x31f: {  	s31 =	sadd.s32 $0x8, s31;
	v20 =	vld.idx.msk [tilespmem:v10+s9+$0x0], $0xffff;
	[tilespmem:s29+$0xFFFFFE80] =	vst v13  }
0x320: {  	s30 =	sadd.s32 $0x1F40, s30;
	p1 =	slt.u32 s31, $0x20;
	v5 =	vld.idx.msk [tilespmem:v14+s9+$0x0], $0xffff;
	[tilespmem:s29+$0xFFFFFF00] =	vst v16  }
.Ltmp19:
0x321: {  	v9 =	vadd.s32 s30, v3;
	s0 =	sadd.s32 $0x3E8, s30;
	s1 =	sadd.s32 $0x1B58, s30;
	v8 =	vld.idx.msk [tilespmem:v11+s9+$0x0], $0xffff;
	[tilespmem:s29+$0xFFFFFF80] =	vst v17;
	(pc) =	sbr.rel @p1 .LBB2_42-.Ltmp19, $4  }
0x322: {  	s3 =	sadd.s32 $0xBB8, s30;
	v10 =	vadd.s32 s0, v1;
	s0 =	sadd.s32 $0x7D0, s30;
	v15 =	vadd.s32 s1, v1;
	v13 =	vld.idx.msk [tilespmem:v12+s9+$0x0], $0xffff;
	[tilespmem:s29+$0xFFFFFC80] =	vst v2;
	v2 =	vmov v4  }
0x323: {  	s1 =	sadd.s32 $0x1388, s30;
	v14 =	vadd.s32 s0, v1;
	s0 =	sadd.s32 $0xFA0, s30;
	v11 =	vadd.s32 s3, v1;
	s29 =	sadd.s32 $0x400, s29;
	v4 =	vmov v18;
	v16 =	vld.idx.msk [tilespmem:v7+s9+$0x0], $0xffff  }
0x324: {  	v12 =	vadd.s32 s0, v1;
	s0 =	sadd.s32 $0x1770, s30;
	v7 =	vadd.s32 s1, v1;
	v17 =	vld.idx.msk [tilespmem:v6+s9+$0x0], $0xffff;
	[tilespmem:s29+$0x0] =	vst v19  }
0x325: {  	v6 =	vadd.s32 s0, v1;
	[tilespmem:s29+$0xFFFFFD00] =	vst v20  }
0x326: {  	_ =	sdelay $0x1  }
0x327: {  	[tilespmem:s29+$0xFFFFFD80] =	vst v5  }
0x328: {  	[tilespmem:s29+$0xFFFFFE00] =	vst v8  }
0x329: {  	v1 =	vld.idx.msk [tilespmem:v15+s9+$0x0], $0xffff;
	[tilespmem:s29+$0xFFFFFC80] =	vst v2  }
0x32a: {  	v3 =	vld.idx.msk [tilespmem:v10+s9+$0x0], $0xffff;
	s0 =	sadd.s32 $0x400, s29;
	[tilespmem:s29+$0xFFFFFE80] =	vst v13  }
0x32b: {  	v5 =	vld.idx.msk [tilespmem:v14+s9+$0x0], $0xffff;
	[tilespmem:s0+$0xFFFFFC80] =	vst v4  }
0x32c: {  	v8 =	vld.idx.msk [tilespmem:v11+s9+$0x0], $0xffff;
	[tilespmem:s29+$0xFFFFFF00] =	vst v16  }
0x32d: {  	v9 =	vld.idx.msk [tilespmem:v12+s9+$0x0], $0xffff;
	[tilespmem:s29+$0xFFFFFF80] =	vst v17  }
0x32e: {  	v2 =	vld.idx.msk [tilespmem:v7+s9+$0x0], $0xffff;
	[tilespmem:s0+$0x0] =	vst v1  }
0x32f: {  	v1 =	vld.idx.msk [tilespmem:v6+s9+$0x0], $0xffff;
	[tilespmem:s0+$0xFFFFFD00] =	vst v3  }
0x330: {  	[tilespmem:s0+$0xFFFFFD80] =	vst v5  }
0x331: {  	[tilespmem:s0+$0xFFFFFE00] =	vst v8  }
0x332: {  	[tilespmem:s0+$0xFFFFFE80] =	vst v9  }
0x333: {  	[tilespmem:s0+$0xFFFFFF00] =	vst v2  }
0x334: {  	[tilespmem:s0+$0xFFFFFF80] =	vst v1  }
0x335: {  	v1 =	vld [tilespmem:s28+$0x40];
	_ =	sdelay $0x4  }
0x336: {  	s3 =	simm.s32 $0x1B58;
	v1 =	vadd.s32 v0, v1  }
0x337: {  	s1 =	simm.s32 $0x0;
	v3 =	vadd.s32 $0x1F40, v1;
	v5 =	vadd.s32 s3, v1  }
0x338: {  	v4 =	vadd.s32 s1, v3;
	s1 =	simm.s32 $0x3E8  }
0x339: {  	v6 =	vadd.s32 s1, v1;
	s1 =	simm.s32 $0x7D0  }
0x33a: {  	s3 =	simm.s32 $0xBB8;
	v7 =	vadd.s32 s1, v1  }
0x33b: {  	v8 =	vadd.s32 s3, v1;
	s1 =	simm.s32 $0xFA0;
	v2 =	vld.idx.msk [tilespmem:v1+s9+$0x0], $0xffff  }
0x33c: {  	s3 =	simm.s32 $0x1388;
	v11 =	vadd.s32 s1, v1;
	v17 =	vld.idx.msk [tilespmem:v5+s9+$0x0], $0xffff  }
0x33d: {  	v12 =	vadd.s32 s3, v1;
	s1 =	simm.s32 $0x1770;
	v4 =	vld.idx.msk [tilespmem:v4+s9+$0x0], $0xffff  }
0x33e: {  	s30 =	simm.s32 $0x1F40;
	v18 =	vadd.s32 s1, v1;
	v19 =	vld.idx.msk [tilespmem:v6+s9+$0x0], $0xffff  }
0x33f: {  	v9 =	vadd.s32 s30, v3;
	s1 =	simm.s32 $0x3A98;
	v5 =	vld.idx.msk [tilespmem:v7+s9+$0x0], $0xffff  }
0x340: {  	s0 =	simm.s32 $0x2328;
	s3 =	simm.s32 $0x2710;
	v8 =	vld.idx.msk [tilespmem:v8+s9+$0x0], $0xffff;
	v15 =	vadd.s32 s1, v1  }
0x341: {  	s29 =	simm.s32 $0x16E40;
	v10 =	vadd.s32 s0, v1;
	s0 =	simm.s32 $0x2AF8;
	v14 =	vadd.s32 s3, v1;
	s3 =	simm.s32 $0x2EE0;
	v13 =	vld.idx.msk [tilespmem:v11+s9+$0x0], $0xffff  }
0x342: {  	v16 =	vld.idx.msk [tilespmem:v12+s9+$0x0], $0xffff;
	v12 =	vadd.s32 s3, v1;
	s3 =	simm.s32 $0x36B0;
	v11 =	vadd.s32 s0, v1;
	s0 =	simm.s32 $0x32C8;
	[tilespmem:s29+$0x0] =	vst v17  }
0x343: {  	s31 =	simm.s32 $0x8;
	v6 =	vadd.s32 s3, v1;
	v7 =	vadd.s32 s0, v1;
	v17 =	vld.idx.msk [tilespmem:v18+s9+$0x0], $0xffff;
	[tilespmem:s29+$0xFFFFFD00] =	vst v19  }
.LBB2_44:
0x344: {  	v18 =	vld.idx.msk [tilespmem:v9+s9+$0x0], $0xffff;
	[tilespmem:s29+$0xFFFFFD80] =	vst v5  }
0x345: {  	v19 =	vld.idx.msk [tilespmem:v15+s9+$0x0], $0xffff;
	[tilespmem:s29+$0xFFFFFE00] =	vst v8  }
0x346: {  	s31 =	sadd.s32 $0x8, s31;
	v20 =	vld.idx.msk [tilespmem:v10+s9+$0x0], $0xffff;
	[tilespmem:s29+$0xFFFFFE80] =	vst v13  }
0x347: {  	s30 =	sadd.s32 $0x1F40, s30;
	p1 =	slt.u32 s31, $0x20;
	v5 =	vld.idx.msk [tilespmem:v14+s9+$0x0], $0xffff;
	[tilespmem:s29+$0xFFFFFF00] =	vst v16  }
.Ltmp20:
0x348: {  	v9 =	vadd.s32 s30, v3;
	s0 =	sadd.s32 $0x3E8, s30;
	s1 =	sadd.s32 $0x1B58, s30;
	v8 =	vld.idx.msk [tilespmem:v11+s9+$0x0], $0xffff;
	[tilespmem:s29+$0xFFFFFF80] =	vst v17;
	(pc) =	sbr.rel @p1 .LBB2_44-.Ltmp20, $4  }
0x349: {  	s3 =	sadd.s32 $0xBB8, s30;
	v10 =	vadd.s32 s0, v1;
	s0 =	sadd.s32 $0x7D0, s30;
	v15 =	vadd.s32 s1, v1;
	v13 =	vld.idx.msk [tilespmem:v12+s9+$0x0], $0xffff;
	[tilespmem:s29+$0xFFFFFC80] =	vst v2;
	v2 =	vmov v4  }
0x34a: {  	s1 =	sadd.s32 $0x1388, s30;
	v14 =	vadd.s32 s0, v1;
	s0 =	sadd.s32 $0xFA0, s30;
	v11 =	vadd.s32 s3, v1;
	s29 =	sadd.s32 $0x400, s29;
	v4 =	vmov v18;
	v16 =	vld.idx.msk [tilespmem:v7+s9+$0x0], $0xffff  }
0x34b: {  	v12 =	vadd.s32 s0, v1;
	s0 =	sadd.s32 $0x1770, s30;
	v7 =	vadd.s32 s1, v1;
	v17 =	vld.idx.msk [tilespmem:v6+s9+$0x0], $0xffff;
	[tilespmem:s29+$0x0] =	vst v19  }
0x34c: {  	v6 =	vadd.s32 s0, v1;
	[tilespmem:s29+$0xFFFFFD00] =	vst v20  }
0x34d: {  	_ =	sdelay $0x1  }
0x34e: {  	[tilespmem:s29+$0xFFFFFD80] =	vst v5  }
0x34f: {  	[tilespmem:s29+$0xFFFFFE00] =	vst v8  }
0x350: {  	v1 =	vld.idx.msk [tilespmem:v15+s9+$0x0], $0xffff;
	[tilespmem:s29+$0xFFFFFC80] =	vst v2  }
0x351: {  	v3 =	vld.idx.msk [tilespmem:v10+s9+$0x0], $0xffff;
	s0 =	sadd.s32 $0x400, s29;
	[tilespmem:s29+$0xFFFFFE80] =	vst v13  }
0x352: {  	v5 =	vld.idx.msk [tilespmem:v14+s9+$0x0], $0xffff;
	[tilespmem:s0+$0xFFFFFC80] =	vst v4  }
0x353: {  	v8 =	vld.idx.msk [tilespmem:v11+s9+$0x0], $0xffff;
	[tilespmem:s29+$0xFFFFFF00] =	vst v16  }
0x354: {  	v9 =	vld.idx.msk [tilespmem:v12+s9+$0x0], $0xffff;
	[tilespmem:s29+$0xFFFFFF80] =	vst v17  }
0x355: {  	v2 =	vld.idx.msk [tilespmem:v7+s9+$0x0], $0xffff;
	[tilespmem:s0+$0x0] =	vst v1  }
0x356: {  	v1 =	vld.idx.msk [tilespmem:v6+s9+$0x0], $0xffff;
	[tilespmem:s0+$0xFFFFFD00] =	vst v3  }
0x357: {  	[tilespmem:s0+$0xFFFFFD80] =	vst v5  }
0x358: {  	[tilespmem:s0+$0xFFFFFE00] =	vst v8  }
0x359: {  	[tilespmem:s0+$0xFFFFFE80] =	vst v9  }
0x35a: {  	[tilespmem:s0+$0xFFFFFF00] =	vst v2  }
0x35b: {  	[tilespmem:s0+$0xFFFFFF80] =	vst v1  }
0x35c: {  	v1 =	vld [tilespmem:s28+$0x50];
	_ =	sdelay $0x4  }
0x35d: {  	s3 =	simm.s32 $0x1B58;
	v1 =	vadd.s32 v0, v1  }
0x35e: {  	s1 =	simm.s32 $0x0;
	v3 =	vadd.s32 $0x1F40, v1;
	v5 =	vadd.s32 s3, v1  }
0x35f: {  	v4 =	vadd.s32 s1, v3;
	s1 =	simm.s32 $0x3E8  }
0x360: {  	v6 =	vadd.s32 s1, v1;
	s1 =	simm.s32 $0x7D0  }
0x361: {  	s3 =	simm.s32 $0xBB8;
	v7 =	vadd.s32 s1, v1  }
0x362: {  	v8 =	vadd.s32 s3, v1;
	s1 =	simm.s32 $0xFA0;
	v2 =	vld.idx.msk [tilespmem:v1+s9+$0x0], $0xffff  }
0x363: {  	s3 =	simm.s32 $0x1388;
	v11 =	vadd.s32 s1, v1;
	v17 =	vld.idx.msk [tilespmem:v5+s9+$0x0], $0xffff  }
0x364: {  	v12 =	vadd.s32 s3, v1;
	s1 =	simm.s32 $0x1770;
	v4 =	vld.idx.msk [tilespmem:v4+s9+$0x0], $0xffff  }
0x365: {  	s30 =	simm.s32 $0x1F40;
	v18 =	vadd.s32 s1, v1;
	v19 =	vld.idx.msk [tilespmem:v6+s9+$0x0], $0xffff  }
0x366: {  	v9 =	vadd.s32 s30, v3;
	s1 =	simm.s32 $0x3A98;
	v5 =	vld.idx.msk [tilespmem:v7+s9+$0x0], $0xffff  }
0x367: {  	s0 =	simm.s32 $0x2328;
	s3 =	simm.s32 $0x2710;
	v8 =	vld.idx.msk [tilespmem:v8+s9+$0x0], $0xffff;
	v15 =	vadd.s32 s1, v1  }
0x368: {  	s29 =	simm.s32 $0x16E50;
	v10 =	vadd.s32 s0, v1;
	s0 =	simm.s32 $0x2AF8;
	v14 =	vadd.s32 s3, v1;
	s3 =	simm.s32 $0x2EE0;
	v13 =	vld.idx.msk [tilespmem:v11+s9+$0x0], $0xffff  }
0x369: {  	v16 =	vld.idx.msk [tilespmem:v12+s9+$0x0], $0xffff;
	v12 =	vadd.s32 s3, v1;
	s3 =	simm.s32 $0x36B0;
	v11 =	vadd.s32 s0, v1;
	s0 =	simm.s32 $0x32C8;
	[tilespmem:s29+$0x0] =	vst v17  }
0x36a: {  	s31 =	simm.s32 $0x8;
	v6 =	vadd.s32 s3, v1;
	v7 =	vadd.s32 s0, v1;
	v17 =	vld.idx.msk [tilespmem:v18+s9+$0x0], $0xffff;
	[tilespmem:s29+$0xFFFFFD00] =	vst v19  }
.LBB2_46:
0x36b: {  	v18 =	vld.idx.msk [tilespmem:v9+s9+$0x0], $0xffff;
	[tilespmem:s29+$0xFFFFFD80] =	vst v5  }
0x36c: {  	v19 =	vld.idx.msk [tilespmem:v15+s9+$0x0], $0xffff;
	[tilespmem:s29+$0xFFFFFE00] =	vst v8  }
0x36d: {  	s31 =	sadd.s32 $0x8, s31;
	v20 =	vld.idx.msk [tilespmem:v10+s9+$0x0], $0xffff;
	[tilespmem:s29+$0xFFFFFE80] =	vst v13  }
0x36e: {  	s30 =	sadd.s32 $0x1F40, s30;
	p1 =	slt.u32 s31, $0x20;
	v5 =	vld.idx.msk [tilespmem:v14+s9+$0x0], $0xffff;
	[tilespmem:s29+$0xFFFFFF00] =	vst v16  }
.Ltmp21:
0x36f: {  	v9 =	vadd.s32 s30, v3;
	s0 =	sadd.s32 $0x3E8, s30;
	s1 =	sadd.s32 $0x1B58, s30;
	v8 =	vld.idx.msk [tilespmem:v11+s9+$0x0], $0xffff;
	[tilespmem:s29+$0xFFFFFF80] =	vst v17;
	(pc) =	sbr.rel @p1 .LBB2_46-.Ltmp21, $4  }
0x370: {  	s3 =	sadd.s32 $0xBB8, s30;
	v10 =	vadd.s32 s0, v1;
	s0 =	sadd.s32 $0x7D0, s30;
	v15 =	vadd.s32 s1, v1;
	v13 =	vld.idx.msk [tilespmem:v12+s9+$0x0], $0xffff;
	[tilespmem:s29+$0xFFFFFC80] =	vst v2;
	v2 =	vmov v4  }
0x371: {  	s1 =	sadd.s32 $0x1388, s30;
	v14 =	vadd.s32 s0, v1;
	s0 =	sadd.s32 $0xFA0, s30;
	v11 =	vadd.s32 s3, v1;
	s29 =	sadd.s32 $0x400, s29;
	v4 =	vmov v18;
	v16 =	vld.idx.msk [tilespmem:v7+s9+$0x0], $0xffff  }
0x372: {  	v12 =	vadd.s32 s0, v1;
	s0 =	sadd.s32 $0x1770, s30;
	v7 =	vadd.s32 s1, v1;
	v17 =	vld.idx.msk [tilespmem:v6+s9+$0x0], $0xffff;
	[tilespmem:s29+$0x0] =	vst v19  }
0x373: {  	v6 =	vadd.s32 s0, v1;
	[tilespmem:s29+$0xFFFFFD00] =	vst v20  }
0x374: {  	_ =	sdelay $0x1  }
0x375: {  	[tilespmem:s29+$0xFFFFFD80] =	vst v5  }
0x376: {  	[tilespmem:s29+$0xFFFFFE00] =	vst v8  }
0x377: {  	v1 =	vld.idx.msk [tilespmem:v15+s9+$0x0], $0xffff;
	[tilespmem:s29+$0xFFFFFC80] =	vst v2  }
0x378: {  	v3 =	vld.idx.msk [tilespmem:v10+s9+$0x0], $0xffff;
	s0 =	sadd.s32 $0x400, s29;
	[tilespmem:s29+$0xFFFFFE80] =	vst v13  }
0x379: {  	v5 =	vld.idx.msk [tilespmem:v14+s9+$0x0], $0xffff;
	[tilespmem:s0+$0xFFFFFC80] =	vst v4  }
0x37a: {  	v8 =	vld.idx.msk [tilespmem:v11+s9+$0x0], $0xffff;
	[tilespmem:s29+$0xFFFFFF00] =	vst v16  }
0x37b: {  	v9 =	vld.idx.msk [tilespmem:v12+s9+$0x0], $0xffff;
	[tilespmem:s29+$0xFFFFFF80] =	vst v17  }
0x37c: {  	v2 =	vld.idx.msk [tilespmem:v7+s9+$0x0], $0xffff;
	[tilespmem:s0+$0x0] =	vst v1  }
0x37d: {  	v1 =	vld.idx.msk [tilespmem:v6+s9+$0x0], $0xffff;
	[tilespmem:s0+$0xFFFFFD00] =	vst v3  }
0x37e: {  	[tilespmem:s0+$0xFFFFFD80] =	vst v5  }
0x37f: {  	[tilespmem:s0+$0xFFFFFE00] =	vst v8  }
0x380: {  	[tilespmem:s0+$0xFFFFFE80] =	vst v9  }
0x381: {  	[tilespmem:s0+$0xFFFFFF00] =	vst v2  }
0x382: {  	[tilespmem:s0+$0xFFFFFF80] =	vst v1  }
0x383: {  	v1 =	vld [tilespmem:s28+$0x60];
	_ =	sdelay $0x4  }
0x384: {  	s3 =	simm.s32 $0x1B58;
	v1 =	vadd.s32 v0, v1  }
0x385: {  	s1 =	simm.s32 $0x0;
	v3 =	vadd.s32 $0x1F40, v1;
	v5 =	vadd.s32 s3, v1  }
0x386: {  	v4 =	vadd.s32 s1, v3;
	s1 =	simm.s32 $0x3E8  }
0x387: {  	v6 =	vadd.s32 s1, v1;
	s1 =	simm.s32 $0x7D0  }
0x388: {  	s3 =	simm.s32 $0xBB8;
	v7 =	vadd.s32 s1, v1  }
0x389: {  	v8 =	vadd.s32 s3, v1;
	s1 =	simm.s32 $0xFA0;
	v2 =	vld.idx.msk [tilespmem:v1+s9+$0x0], $0xffff  }
0x38a: {  	s3 =	simm.s32 $0x1388;
	v11 =	vadd.s32 s1, v1;
	v17 =	vld.idx.msk [tilespmem:v5+s9+$0x0], $0xffff  }
0x38b: {  	v12 =	vadd.s32 s3, v1;
	s1 =	simm.s32 $0x1770;
	v4 =	vld.idx.msk [tilespmem:v4+s9+$0x0], $0xffff  }
0x38c: {  	s30 =	simm.s32 $0x1F40;
	v18 =	vadd.s32 s1, v1;
	v19 =	vld.idx.msk [tilespmem:v6+s9+$0x0], $0xffff  }
0x38d: {  	v9 =	vadd.s32 s30, v3;
	s1 =	simm.s32 $0x3A98;
	v5 =	vld.idx.msk [tilespmem:v7+s9+$0x0], $0xffff  }
0x38e: {  	s0 =	simm.s32 $0x2328;
	s3 =	simm.s32 $0x2710;
	v8 =	vld.idx.msk [tilespmem:v8+s9+$0x0], $0xffff;
	v15 =	vadd.s32 s1, v1  }
0x38f: {  	s29 =	simm.s32 $0x16E60;
	v10 =	vadd.s32 s0, v1;
	s0 =	simm.s32 $0x2AF8;
	v14 =	vadd.s32 s3, v1;
	s3 =	simm.s32 $0x2EE0;
	v13 =	vld.idx.msk [tilespmem:v11+s9+$0x0], $0xffff  }
0x390: {  	v16 =	vld.idx.msk [tilespmem:v12+s9+$0x0], $0xffff;
	v12 =	vadd.s32 s3, v1;
	s3 =	simm.s32 $0x36B0;
	v11 =	vadd.s32 s0, v1;
	s0 =	simm.s32 $0x32C8;
	[tilespmem:s29+$0x0] =	vst v17  }
0x391: {  	s31 =	simm.s32 $0x8;
	v6 =	vadd.s32 s3, v1;
	v7 =	vadd.s32 s0, v1;
	v17 =	vld.idx.msk [tilespmem:v18+s9+$0x0], $0xffff;
	[tilespmem:s29+$0xFFFFFD00] =	vst v19  }
.LBB2_48:
0x392: {  	v18 =	vld.idx.msk [tilespmem:v9+s9+$0x0], $0xffff;
	[tilespmem:s29+$0xFFFFFD80] =	vst v5  }
0x393: {  	v19 =	vld.idx.msk [tilespmem:v15+s9+$0x0], $0xffff;
	[tilespmem:s29+$0xFFFFFE00] =	vst v8  }
0x394: {  	s31 =	sadd.s32 $0x8, s31;
	v20 =	vld.idx.msk [tilespmem:v10+s9+$0x0], $0xffff;
	[tilespmem:s29+$0xFFFFFE80] =	vst v13  }
0x395: {  	s30 =	sadd.s32 $0x1F40, s30;
	p1 =	slt.u32 s31, $0x20;
	v5 =	vld.idx.msk [tilespmem:v14+s9+$0x0], $0xffff;
	[tilespmem:s29+$0xFFFFFF00] =	vst v16  }
.Ltmp22:
0x396: {  	v9 =	vadd.s32 s30, v3;
	s0 =	sadd.s32 $0x3E8, s30;
	s1 =	sadd.s32 $0x1B58, s30;
	v8 =	vld.idx.msk [tilespmem:v11+s9+$0x0], $0xffff;
	[tilespmem:s29+$0xFFFFFF80] =	vst v17;
	(pc) =	sbr.rel @p1 .LBB2_48-.Ltmp22, $4  }
0x397: {  	s3 =	sadd.s32 $0xBB8, s30;
	v10 =	vadd.s32 s0, v1;
	s0 =	sadd.s32 $0x7D0, s30;
	v15 =	vadd.s32 s1, v1;
	v13 =	vld.idx.msk [tilespmem:v12+s9+$0x0], $0xffff;
	[tilespmem:s29+$0xFFFFFC80] =	vst v2;
	v2 =	vmov v4  }
0x398: {  	s1 =	sadd.s32 $0x1388, s30;
	v14 =	vadd.s32 s0, v1;
	s0 =	sadd.s32 $0xFA0, s30;
	v11 =	vadd.s32 s3, v1;
	s29 =	sadd.s32 $0x400, s29;
	v4 =	vmov v18;
	v16 =	vld.idx.msk [tilespmem:v7+s9+$0x0], $0xffff  }
0x399: {  	v12 =	vadd.s32 s0, v1;
	s0 =	sadd.s32 $0x1770, s30;
	v7 =	vadd.s32 s1, v1;
	v17 =	vld.idx.msk [tilespmem:v6+s9+$0x0], $0xffff;
	[tilespmem:s29+$0x0] =	vst v19  }
0x39a: {  	v6 =	vadd.s32 s0, v1;
	[tilespmem:s29+$0xFFFFFD00] =	vst v20  }
0x39b: {  	_ =	sdelay $0x1  }
0x39c: {  	[tilespmem:s29+$0xFFFFFD80] =	vst v5  }
0x39d: {  	[tilespmem:s29+$0xFFFFFE00] =	vst v8  }
0x39e: {  	v1 =	vld.idx.msk [tilespmem:v15+s9+$0x0], $0xffff;
	[tilespmem:s29+$0xFFFFFC80] =	vst v2  }
0x39f: {  	v3 =	vld.idx.msk [tilespmem:v10+s9+$0x0], $0xffff;
	s0 =	sadd.s32 $0x400, s29;
	[tilespmem:s29+$0xFFFFFE80] =	vst v13  }
0x3a0: {  	v5 =	vld.idx.msk [tilespmem:v14+s9+$0x0], $0xffff;
	[tilespmem:s0+$0xFFFFFC80] =	vst v4  }
0x3a1: {  	v8 =	vld.idx.msk [tilespmem:v11+s9+$0x0], $0xffff;
	[tilespmem:s29+$0xFFFFFF00] =	vst v16  }
0x3a2: {  	v9 =	vld.idx.msk [tilespmem:v12+s9+$0x0], $0xffff;
	[tilespmem:s29+$0xFFFFFF80] =	vst v17  }
0x3a3: {  	v2 =	vld.idx.msk [tilespmem:v7+s9+$0x0], $0xffff;
	[tilespmem:s0+$0x0] =	vst v1  }
0x3a4: {  	v1 =	vld.idx.msk [tilespmem:v6+s9+$0x0], $0xffff;
	[tilespmem:s0+$0xFFFFFD00] =	vst v3  }
0x3a5: {  	[tilespmem:s0+$0xFFFFFD80] =	vst v5  }
0x3a6: {  	[tilespmem:s0+$0xFFFFFE00] =	vst v8  }
0x3a7: {  	[tilespmem:s0+$0xFFFFFE80] =	vst v9  }
0x3a8: {  	[tilespmem:s0+$0xFFFFFF00] =	vst v2  }
0x3a9: {  	[tilespmem:s0+$0xFFFFFF80] =	vst v1  }
0x3aa: {  	v1 =	vld [tilespmem:s28+$0x70];
	_ =	sdelay $0x4  }
0x3ab: {  	s31 =	simm.s32 $0x1B58;
	v2 =	vadd.s32 v0, v1  }
0x3ac: {  	s1 =	simm.s32 $0x3E8;
	v5 =	vadd.s32 s31, v2  }
0x3ad: {  	s3 =	simm.s32 $0x0;
	v4 =	vadd.s32 $0x1F40, v2;
	v6 =	vadd.s32 s1, v2  }
0x3ae: {  	v1 =	vadd.s32 s3, v4;
	s3 =	simm.s32 $0x7D0  }
0x3af: {  	s31 =	simm.s32 $0xBB8;
	v7 =	vadd.s32 s3, v2  }
0x3b0: {  	s1 =	simm.s32 $0xFA0;
	v8 =	vadd.s32 s31, v2;
	v3 =	vld.idx.msk [tilespmem:v2+s9+$0x0], $0xffff  }
0x3b1: {  	v11 =	vadd.s32 s1, v2;
	s3 =	simm.s32 $0x1388;
	v17 =	vld.idx.msk [tilespmem:v5+s9+$0x0], $0xffff  }
0x3b2: {  	s31 =	simm.s32 $0x1770;
	v12 =	vadd.s32 s3, v2;
	v19 =	vld.idx.msk [tilespmem:v6+s9+$0x0], $0xffff  }
0x3b3: {  	s29 =	simm.s32 $0x1F40;
	v18 =	vadd.s32 s31, v2;
	v1 =	vld.idx.msk [tilespmem:v1+s9+$0x0], $0xffff  }
0x3b4: {  	v9 =	vadd.s32 s29, v4;
	s31 =	simm.s32 $0x3A98;
	v5 =	vld.idx.msk [tilespmem:v7+s9+$0x0], $0xffff  }
0x3b5: {  	s1 =	simm.s32 $0x2328;
	s3 =	simm.s32 $0x2710;
	v15 =	vadd.s32 s31, v2;
	v8 =	vld.idx.msk [tilespmem:v8+s9+$0x0], $0xffff  }
0x3b6: {  	s0 =	simm.s32 $0x2AF8;
	s28 =	simm.s32 $0x16E70;
	v10 =	vadd.s32 s1, v2;
	s31 =	simm.s32 $0x2EE0;
	v14 =	vadd.s32 s3, v2;
	v13 =	vld.idx.msk [tilespmem:v11+s9+$0x0], $0xffff  }
0x3b7: {  	s3 =	simm.s32 $0x32C8;
	v11 =	vadd.s32 s0, v2;
	v16 =	vld.idx.msk [tilespmem:v12+s9+$0x0], $0xffff;
	v12 =	vadd.s32 s31, v2;
	s31 =	simm.s32 $0x36B0;
	[tilespmem:s28+$0x0] =	vst v17  }
0x3b8: {  	s30 =	simm.s32 $0x8;
	v7 =	vadd.s32 s3, v2;
	v6 =	vadd.s32 s31, v2;
	v17 =	vld.idx.msk [tilespmem:v18+s9+$0x0], $0xffff;
	[tilespmem:s28+$0xFFFFFD00] =	vst v19  }
.LBB2_50:
0x3b9: {  	v18 =	vld.idx.msk [tilespmem:v9+s9+$0x0], $0xffff;
	[tilespmem:s28+$0xFFFFFD80] =	vst v5  }
0x3ba: {  	v19 =	vld.idx.msk [tilespmem:v15+s9+$0x0], $0xffff;
	[tilespmem:s28+$0xFFFFFE00] =	vst v8  }
0x3bb: {  	s30 =	sadd.s32 $0x8, s30;
	v20 =	vld.idx.msk [tilespmem:v10+s9+$0x0], $0xffff;
	[tilespmem:s28+$0xFFFFFE80] =	vst v13  }
0x3bc: {  	s29 =	sadd.s32 $0x1F40, s29;
	p1 =	slt.u32 s30, $0x20;
	v5 =	vld.idx.msk [tilespmem:v14+s9+$0x0], $0xffff;
	[tilespmem:s28+$0xFFFFFF00] =	vst v16  }
.Ltmp23:
0x3bd: {  	v9 =	vadd.s32 s29, v4;
	s0 =	sadd.s32 $0x3E8, s29;
	s1 =	sadd.s32 $0x1B58, s29;
	v8 =	vld.idx.msk [tilespmem:v11+s9+$0x0], $0xffff;
	[tilespmem:s28+$0xFFFFFF80] =	vst v17;
	(pc) =	sbr.rel @p1 .LBB2_50-.Ltmp23, $4  }
0x3be: {  	s3 =	sadd.s32 $0xBB8, s29;
	v10 =	vadd.s32 s0, v2;
	s0 =	sadd.s32 $0x7D0, s29;
	v15 =	vadd.s32 s1, v2;
	v13 =	vld.idx.msk [tilespmem:v12+s9+$0x0], $0xffff;
	[tilespmem:s28+$0xFFFFFC80] =	vst v3;
	v3 =	vmov v1  }
0x3bf: {  	s1 =	sadd.s32 $0x1388, s29;
	v14 =	vadd.s32 s0, v2;
	s0 =	sadd.s32 $0xFA0, s29;
	v11 =	vadd.s32 s3, v2;
	s28 =	sadd.s32 $0x400, s28;
	v1 =	vmov v18;
	v16 =	vld.idx.msk [tilespmem:v7+s9+$0x0], $0xffff  }
0x3c0: {  	v12 =	vadd.s32 s0, v2;
	s0 =	sadd.s32 $0x1770, s29;
	v7 =	vadd.s32 s1, v2;
	v17 =	vld.idx.msk [tilespmem:v6+s9+$0x0], $0xffff;
	[tilespmem:s28+$0x0] =	vst v19  }
0x3c1: {  	v6 =	vadd.s32 s0, v2;
	[tilespmem:s28+$0xFFFFFD00] =	vst v20  }
0x3c2: {  	_ =	sdelay $0x1  }
0x3c3: {  	[tilespmem:s28+$0xFFFFFD80] =	vst v5  }
0x3c4: {  	[tilespmem:s28+$0xFFFFFE00] =	vst v8  }
0x3c5: {  	v2 =	vld.idx.msk [tilespmem:v15+s9+$0x0], $0xffff;
	[tilespmem:s28+$0xFFFFFC80] =	vst v3  }
0x3c6: {  	v4 =	vld.idx.msk [tilespmem:v10+s9+$0x0], $0xffff;
	s0 =	sadd.s32 $0x400, s28;
	[tilespmem:s28+$0xFFFFFE80] =	vst v13  }
0x3c7: {  	v5 =	vld.idx.msk [tilespmem:v14+s9+$0x0], $0xffff;
	[tilespmem:s0+$0xFFFFFC80] =	vst v1  }
0x3c8: {  	v8 =	vld.idx.msk [tilespmem:v11+s9+$0x0], $0xffff;
	[tilespmem:s28+$0xFFFFFF00] =	vst v16  }
0x3c9: {  	v9 =	vld.idx.msk [tilespmem:v12+s9+$0x0], $0xffff;
	[tilespmem:s28+$0xFFFFFF80] =	vst v17  }
0x3ca: {  	v3 =	vld.idx.msk [tilespmem:v7+s9+$0x0], $0xffff;
	s1 =	smul.u32 $0x3E8, s26;
	[tilespmem:s0+$0x0] =	vst v2  }
0x3cb: {  	v2 =	vld.idx.msk [tilespmem:v6+s9+$0x0], $0xffff;
	[tilespmem:s0+$0xFFFFFD00] =	vst v4  }
0x3cc: {  	s1 =	sadd.s32 s22, s1;
	[tilespmem:s0+$0xFFFFFD80] =	vst v5  }
0x3cd: {  	s1 =	sshll.u32 s1, $0xC;
	[tilespmem:s0+$0xFFFFFE00] =	vst v8  }
0x3ce: {  	s1 =	sor.u32 s6, s1;
	[tilespmem:s0+$0xFFFFFE80] =	vst v9  }
0x3cf: {  	[tilespmem:s0+$0xFFFFFF00] =	vst v3;
	s1 =	sshrl.u32 s1, $0x3  }
0x3d0: {  	s26 =	sadd.s32 s2, s1;
	[tilespmem:s0+$0xFFFFFF80] =	vst v2;
	s0 =	simm.s32 @!p0 $0x6  }
0x3d1: {  	[hbm4b:s26+s10] =	stream.strided.scatter [tilespmem:s14], [sflag:$0x5], $0x1400, s11, s10, $0x38;
	[tilespmem:$0x19280] =	vst v63  }
0x3d2: {  	s25 =	sor.u32 $0x3, s25;
	_ =	swait.ge @!p0 [sflag:s0], $0x1400  }
0x3d3: {  	s31 =	sshll.u32 s25, $0x7;
	[sflag:s0] =	ssyncset.done @!p0 $0x0  }
0x3d4: {  	s26 =	sand.u32 $0x3FFFFF80, s31;
	[sflag:s0] =	ssyncadd.s32 @!p0 $0xFFFFEC00  }
0x3d5: {  	v1 =	vld [tilespmem:s26+$0x0];
	_ =	sdelay $0x4  }
0x3d6: {  	s3 =	simm.s32 $0x1B58;
	v1 =	vadd.s32 v0, v1  }
0x3d7: {  	s31 =	simm.s32 $0x3E8;
	v5 =	vadd.s32 s3, v1  }
0x3d8: {  	s1 =	simm.s32 $0x0;
	v3 =	vadd.s32 $0x1F40, v1;
	v6 =	vadd.s32 s31, v1  }
0x3d9: {  	s3 =	simm.s32 $0x7D0;
	v4 =	vadd.s32 s1, v3  }
0x3da: {  	s31 =	simm.s32 $0xBB8;
	v7 =	vadd.s32 s3, v1  }
0x3db: {  	v8 =	vadd.s32 s31, v1;
	s1 =	simm.s32 $0xFA0;
	v2 =	vld.idx.msk [tilespmem:v1+s9+$0x0], $0xffff  }
0x3dc: {  	s3 =	simm.s32 $0x1388;
	v11 =	vadd.s32 s1, v1;
	v17 =	vld.idx.msk [tilespmem:v5+s9+$0x0], $0xffff  }
0x3dd: {  	s31 =	simm.s32 $0x1770;
	v12 =	vadd.s32 s3, v1;
	v19 =	vld.idx.msk [tilespmem:v6+s9+$0x0], $0xffff  }
0x3de: {  	s29 =	simm.s32 $0x1F40;
	v18 =	vadd.s32 s31, v1;
	v4 =	vld.idx.msk [tilespmem:v4+s9+$0x0], $0xffff  }
0x3df: {  	v9 =	vadd.s32 s29, v3;
	s31 =	simm.s32 $0x3A98;
	v5 =	vld.idx.msk [tilespmem:v7+s9+$0x0], $0xffff  }
0x3e0: {  	s1 =	simm.s32 $0x2328;
	s3 =	simm.s32 $0x2710;
	v15 =	vadd.s32 s31, v1;
	v8 =	vld.idx.msk [tilespmem:v8+s9+$0x0], $0xffff  }
0x3e1: {  	s28 =	simm.s32 $0x18200;
	v10 =	vadd.s32 s1, v1;
	v14 =	vadd.s32 s3, v1;
	s31 =	simm.s32 $0x2EE0;
	s3 =	simm.s32 $0x32C8;
	v13 =	vld.idx.msk [tilespmem:v11+s9+$0x0], $0xffff  }
0x3e2: {  	s0 =	simm.s32 $0x2AF8;
	v7 =	vadd.s32 s3, v1;
	v16 =	vld.idx.msk [tilespmem:v12+s9+$0x0], $0xffff;
	v12 =	vadd.s32 s31, v1;
	s31 =	simm.s32 $0x36B0;
	[tilespmem:s28+$0x0] =	vst v17  }
0x3e3: {  	s30 =	simm.s32 $0x8;
	v11 =	vadd.s32 s0, v1;
	v6 =	vadd.s32 s31, v1;
	v17 =	vld.idx.msk [tilespmem:v18+s9+$0x0], $0xffff;
	[tilespmem:s28+$0xFFFFFD00] =	vst v19  }
.LBB2_52:
0x3e4: {  	v18 =	vld.idx.msk [tilespmem:v9+s9+$0x0], $0xffff;
	[tilespmem:s28+$0xFFFFFD80] =	vst v5  }
0x3e5: {  	v19 =	vld.idx.msk [tilespmem:v15+s9+$0x0], $0xffff;
	[tilespmem:s28+$0xFFFFFE00] =	vst v8  }
0x3e6: {  	s30 =	sadd.s32 $0x8, s30;
	v20 =	vld.idx.msk [tilespmem:v10+s9+$0x0], $0xffff;
	[tilespmem:s28+$0xFFFFFE80] =	vst v13  }
0x3e7: {  	s29 =	sadd.s32 $0x1F40, s29;
	p0 =	slt.u32 s30, $0x20;
	v5 =	vld.idx.msk [tilespmem:v14+s9+$0x0], $0xffff;
	[tilespmem:s28+$0xFFFFFF00] =	vst v16  }
.Ltmp24:
0x3e8: {  	v9 =	vadd.s32 s29, v3;
	s0 =	sadd.s32 $0x3E8, s29;
	s1 =	sadd.s32 $0x1B58, s29;
	v8 =	vld.idx.msk [tilespmem:v11+s9+$0x0], $0xffff;
	[tilespmem:s28+$0xFFFFFF80] =	vst v17;
	(pc) =	sbr.rel @p0 .LBB2_52-.Ltmp24, $4  }
0x3e9: {  	s3 =	sadd.s32 $0xBB8, s29;
	v10 =	vadd.s32 s0, v1;
	s0 =	sadd.s32 $0x7D0, s29;
	v15 =	vadd.s32 s1, v1;
	v13 =	vld.idx.msk [tilespmem:v12+s9+$0x0], $0xffff;
	[tilespmem:s28+$0xFFFFFC80] =	vst v2;
	v2 =	vmov v4  }
0x3ea: {  	s1 =	sadd.s32 $0x1388, s29;
	v14 =	vadd.s32 s0, v1;
	s0 =	sadd.s32 $0xFA0, s29;
	v11 =	vadd.s32 s3, v1;
	s28 =	sadd.s32 $0x400, s28;
	v4 =	vmov v18;
	v16 =	vld.idx.msk [tilespmem:v7+s9+$0x0], $0xffff  }
0x3eb: {  	v12 =	vadd.s32 s0, v1;
	s0 =	sadd.s32 $0x1770, s29;
	v7 =	vadd.s32 s1, v1;
	v17 =	vld.idx.msk [tilespmem:v6+s9+$0x0], $0xffff;
	[tilespmem:s28+$0x0] =	vst v19  }
0x3ec: {  	v6 =	vadd.s32 s0, v1;
	[tilespmem:s28+$0xFFFFFD00] =	vst v20  }
0x3ed: {  	_ =	sdelay $0x1  }
0x3ee: {  	[tilespmem:s28+$0xFFFFFD80] =	vst v5  }
0x3ef: {  	[tilespmem:s28+$0xFFFFFE00] =	vst v8  }
0x3f0: {  	v1 =	vld.idx.msk [tilespmem:v15+s9+$0x0], $0xffff;
	[tilespmem:s28+$0xFFFFFC80] =	vst v2  }
0x3f1: {  	v3 =	vld.idx.msk [tilespmem:v10+s9+$0x0], $0xffff;
	s0 =	sadd.s32 $0x400, s28;
	[tilespmem:s28+$0xFFFFFE80] =	vst v13  }
0x3f2: {  	v5 =	vld.idx.msk [tilespmem:v14+s9+$0x0], $0xffff;
	[tilespmem:s0+$0xFFFFFC80] =	vst v4  }
0x3f3: {  	v8 =	vld.idx.msk [tilespmem:v11+s9+$0x0], $0xffff;
	[tilespmem:s28+$0xFFFFFF00] =	vst v16  }
0x3f4: {  	v9 =	vld.idx.msk [tilespmem:v12+s9+$0x0], $0xffff;
	[tilespmem:s28+$0xFFFFFF80] =	vst v17  }
0x3f5: {  	v2 =	vld.idx.msk [tilespmem:v7+s9+$0x0], $0xffff;
	[tilespmem:s0+$0x0] =	vst v1  }
0x3f6: {  	v1 =	vld.idx.msk [tilespmem:v6+s9+$0x0], $0xffff;
	[tilespmem:s0+$0xFFFFFD00] =	vst v3  }
0x3f7: {  	[tilespmem:s0+$0xFFFFFD80] =	vst v5  }
0x3f8: {  	[tilespmem:s0+$0xFFFFFE00] =	vst v8  }
0x3f9: {  	[tilespmem:s0+$0xFFFFFE80] =	vst v9  }
0x3fa: {  	[tilespmem:s0+$0xFFFFFF00] =	vst v2  }
0x3fb: {  	[tilespmem:s0+$0xFFFFFF80] =	vst v1  }
0x3fc: {  	v1 =	vld [tilespmem:s26+$0x10];
	_ =	sdelay $0x4  }
0x3fd: {  	s31 =	simm.s32 $0x1B58;
	v1 =	vadd.s32 v0, v1  }
0x3fe: {  	s1 =	simm.s32 $0x3E8;
	v5 =	vadd.s32 s31, v1  }
0x3ff: {  	s3 =	simm.s32 $0x0;
	v3 =	vadd.s32 $0x1F40, v1;
	v6 =	vadd.s32 s1, v1  }
0x400: {  	v4 =	vadd.s32 s3, v3;
	s3 =	simm.s32 $0x7D0  }
0x401: {  	s31 =	simm.s32 $0xBB8;
	v7 =	vadd.s32 s3, v1  }
0x402: {  	s1 =	simm.s32 $0xFA0;
	v8 =	vadd.s32 s31, v1;
	v2 =	vld.idx.msk [tilespmem:v1+s9+$0x0], $0xffff  }
0x403: {  	v11 =	vadd.s32 s1, v1;
	s3 =	simm.s32 $0x1388;
	v17 =	vld.idx.msk [tilespmem:v5+s9+$0x0], $0xffff  }
0x404: {  	s31 =	simm.s32 $0x1770;
	v12 =	vadd.s32 s3, v1;
	v19 =	vld.idx.msk [tilespmem:v6+s9+$0x0], $0xffff  }
0x405: {  	s29 =	simm.s32 $0x1F40;
	v18 =	vadd.s32 s31, v1;
	v4 =	vld.idx.msk [tilespmem:v4+s9+$0x0], $0xffff  }
0x406: {  	v9 =	vadd.s32 s29, v3;
	s31 =	simm.s32 $0x3A98;
	v5 =	vld.idx.msk [tilespmem:v7+s9+$0x0], $0xffff  }
0x407: {  	s1 =	simm.s32 $0x2328;
	s3 =	simm.s32 $0x2710;
	v15 =	vadd.s32 s31, v1;
	v8 =	vld.idx.msk [tilespmem:v8+s9+$0x0], $0xffff  }
0x408: {  	s28 =	simm.s32 $0x18210;
	s0 =	simm.s32 $0x2AF8;
	v10 =	vadd.s32 s1, v1;
	s31 =	simm.s32 $0x2EE0;
	v14 =	vadd.s32 s3, v1;
	v13 =	vld.idx.msk [tilespmem:v11+s9+$0x0], $0xffff  }
0x409: {  	s3 =	simm.s32 $0x32C8;
	v11 =	vadd.s32 s0, v1;
	v16 =	vld.idx.msk [tilespmem:v12+s9+$0x0], $0xffff;
	v12 =	vadd.s32 s31, v1;
	s31 =	simm.s32 $0x36B0;
	[tilespmem:s28+$0x0] =	vst v17  }
0x40a: {  	s30 =	simm.s32 $0x8;
	v7 =	vadd.s32 s3, v1;
	v6 =	vadd.s32 s31, v1;
	v17 =	vld.idx.msk [tilespmem:v18+s9+$0x0], $0xffff;
	[tilespmem:s28+$0xFFFFFD00] =	vst v19  }
.LBB2_54:
0x40b: {  	v18 =	vld.idx.msk [tilespmem:v9+s9+$0x0], $0xffff;
	[tilespmem:s28+$0xFFFFFD80] =	vst v5  }
0x40c: {  	v19 =	vld.idx.msk [tilespmem:v15+s9+$0x0], $0xffff;
	[tilespmem:s28+$0xFFFFFE00] =	vst v8  }
0x40d: {  	s30 =	sadd.s32 $0x8, s30;
	v20 =	vld.idx.msk [tilespmem:v10+s9+$0x0], $0xffff;
	[tilespmem:s28+$0xFFFFFE80] =	vst v13  }
0x40e: {  	s29 =	sadd.s32 $0x1F40, s29;
	p0 =	slt.u32 s30, $0x20;
	v5 =	vld.idx.msk [tilespmem:v14+s9+$0x0], $0xffff;
	[tilespmem:s28+$0xFFFFFF00] =	vst v16  }
.Ltmp25:
0x40f: {  	v9 =	vadd.s32 s29, v3;
	s0 =	sadd.s32 $0x3E8, s29;
	s1 =	sadd.s32 $0x1B58, s29;
	v8 =	vld.idx.msk [tilespmem:v11+s9+$0x0], $0xffff;
	[tilespmem:s28+$0xFFFFFF80] =	vst v17;
	(pc) =	sbr.rel @p0 .LBB2_54-.Ltmp25, $4  }
0x410: {  	s3 =	sadd.s32 $0xBB8, s29;
	v10 =	vadd.s32 s0, v1;
	s0 =	sadd.s32 $0x7D0, s29;
	v15 =	vadd.s32 s1, v1;
	v13 =	vld.idx.msk [tilespmem:v12+s9+$0x0], $0xffff;
	[tilespmem:s28+$0xFFFFFC80] =	vst v2;
	v2 =	vmov v4  }
0x411: {  	s1 =	sadd.s32 $0x1388, s29;
	v14 =	vadd.s32 s0, v1;
	s0 =	sadd.s32 $0xFA0, s29;
	v11 =	vadd.s32 s3, v1;
	s28 =	sadd.s32 $0x400, s28;
	v4 =	vmov v18;
	v16 =	vld.idx.msk [tilespmem:v7+s9+$0x0], $0xffff  }
0x412: {  	v12 =	vadd.s32 s0, v1;
	s0 =	sadd.s32 $0x1770, s29;
	v7 =	vadd.s32 s1, v1;
	v17 =	vld.idx.msk [tilespmem:v6+s9+$0x0], $0xffff;
	[tilespmem:s28+$0x0] =	vst v19  }
0x413: {  	v6 =	vadd.s32 s0, v1;
	[tilespmem:s28+$0xFFFFFD00] =	vst v20  }
0x414: {  	_ =	sdelay $0x1  }
0x415: {  	[tilespmem:s28+$0xFFFFFD80] =	vst v5  }
0x416: {  	[tilespmem:s28+$0xFFFFFE00] =	vst v8  }
0x417: {  	v1 =	vld.idx.msk [tilespmem:v15+s9+$0x0], $0xffff;
	[tilespmem:s28+$0xFFFFFC80] =	vst v2  }
0x418: {  	v3 =	vld.idx.msk [tilespmem:v10+s9+$0x0], $0xffff;
	s0 =	sadd.s32 $0x400, s28;
	[tilespmem:s28+$0xFFFFFE80] =	vst v13  }
0x419: {  	v5 =	vld.idx.msk [tilespmem:v14+s9+$0x0], $0xffff;
	[tilespmem:s0+$0xFFFFFC80] =	vst v4  }
0x41a: {  	v8 =	vld.idx.msk [tilespmem:v11+s9+$0x0], $0xffff;
	[tilespmem:s28+$0xFFFFFF00] =	vst v16  }
0x41b: {  	v9 =	vld.idx.msk [tilespmem:v12+s9+$0x0], $0xffff;
	[tilespmem:s28+$0xFFFFFF80] =	vst v17  }
0x41c: {  	v2 =	vld.idx.msk [tilespmem:v7+s9+$0x0], $0xffff;
	[tilespmem:s0+$0x0] =	vst v1  }
0x41d: {  	v1 =	vld.idx.msk [tilespmem:v6+s9+$0x0], $0xffff;
	[tilespmem:s0+$0xFFFFFD00] =	vst v3  }
0x41e: {  	[tilespmem:s0+$0xFFFFFD80] =	vst v5  }
0x41f: {  	[tilespmem:s0+$0xFFFFFE00] =	vst v8  }
0x420: {  	[tilespmem:s0+$0xFFFFFE80] =	vst v9  }
0x421: {  	[tilespmem:s0+$0xFFFFFF00] =	vst v2  }
0x422: {  	[tilespmem:s0+$0xFFFFFF80] =	vst v1  }
0x423: {  	v1 =	vld [tilespmem:s26+$0x20];
	_ =	sdelay $0x4  }
0x424: {  	s31 =	simm.s32 $0x1B58;
	v1 =	vadd.s32 v0, v1  }
0x425: {  	s1 =	simm.s32 $0x3E8;
	v5 =	vadd.s32 s31, v1  }
0x426: {  	s3 =	simm.s32 $0x0;
	v3 =	vadd.s32 $0x1F40, v1;
	v6 =	vadd.s32 s1, v1  }
0x427: {  	v4 =	vadd.s32 s3, v3;
	s3 =	simm.s32 $0x7D0  }
0x428: {  	s31 =	simm.s32 $0xBB8;
	v7 =	vadd.s32 s3, v1  }
0x429: {  	s1 =	simm.s32 $0xFA0;
	v8 =	vadd.s32 s31, v1;
	v2 =	vld.idx.msk [tilespmem:v1+s9+$0x0], $0xffff  }
0x42a: {  	v11 =	vadd.s32 s1, v1;
	s3 =	simm.s32 $0x1388;
	v17 =	vld.idx.msk [tilespmem:v5+s9+$0x0], $0xffff  }
0x42b: {  	s31 =	simm.s32 $0x1770;
	v12 =	vadd.s32 s3, v1;
	v19 =	vld.idx.msk [tilespmem:v6+s9+$0x0], $0xffff  }
0x42c: {  	s29 =	simm.s32 $0x1F40;
	v18 =	vadd.s32 s31, v1;
	v4 =	vld.idx.msk [tilespmem:v4+s9+$0x0], $0xffff  }
0x42d: {  	v9 =	vadd.s32 s29, v3;
	s31 =	simm.s32 $0x3A98;
	v5 =	vld.idx.msk [tilespmem:v7+s9+$0x0], $0xffff  }
0x42e: {  	s1 =	simm.s32 $0x2328;
	s3 =	simm.s32 $0x2710;
	v15 =	vadd.s32 s31, v1;
	v8 =	vld.idx.msk [tilespmem:v8+s9+$0x0], $0xffff  }
0x42f: {  	s28 =	simm.s32 $0x18220;
	s0 =	simm.s32 $0x2AF8;
	v10 =	vadd.s32 s1, v1;
	s31 =	simm.s32 $0x2EE0;
	v14 =	vadd.s32 s3, v1;
	v13 =	vld.idx.msk [tilespmem:v11+s9+$0x0], $0xffff  }
0x430: {  	s3 =	simm.s32 $0x32C8;
	v11 =	vadd.s32 s0, v1;
	v16 =	vld.idx.msk [tilespmem:v12+s9+$0x0], $0xffff;
	v12 =	vadd.s32 s31, v1;
	s31 =	simm.s32 $0x36B0;
	[tilespmem:s28+$0x0] =	vst v17  }
0x431: {  	s30 =	simm.s32 $0x8;
	v7 =	vadd.s32 s3, v1;
	v6 =	vadd.s32 s31, v1;
	v17 =	vld.idx.msk [tilespmem:v18+s9+$0x0], $0xffff;
	[tilespmem:s28+$0xFFFFFD00] =	vst v19  }
.LBB2_56:
0x432: {  	v18 =	vld.idx.msk [tilespmem:v9+s9+$0x0], $0xffff;
	[tilespmem:s28+$0xFFFFFD80] =	vst v5  }
0x433: {  	v19 =	vld.idx.msk [tilespmem:v15+s9+$0x0], $0xffff;
	[tilespmem:s28+$0xFFFFFE00] =	vst v8  }
0x434: {  	s30 =	sadd.s32 $0x8, s30;
	v20 =	vld.idx.msk [tilespmem:v10+s9+$0x0], $0xffff;
	[tilespmem:s28+$0xFFFFFE80] =	vst v13  }
0x435: {  	s29 =	sadd.s32 $0x1F40, s29;
	p0 =	slt.u32 s30, $0x20;
	v5 =	vld.idx.msk [tilespmem:v14+s9+$0x0], $0xffff;
	[tilespmem:s28+$0xFFFFFF00] =	vst v16  }
.Ltmp26:
0x436: {  	v9 =	vadd.s32 s29, v3;
	s0 =	sadd.s32 $0x3E8, s29;
	s1 =	sadd.s32 $0x1B58, s29;
	v8 =	vld.idx.msk [tilespmem:v11+s9+$0x0], $0xffff;
	[tilespmem:s28+$0xFFFFFF80] =	vst v17;
	(pc) =	sbr.rel @p0 .LBB2_56-.Ltmp26, $4  }
0x437: {  	s3 =	sadd.s32 $0xBB8, s29;
	v10 =	vadd.s32 s0, v1;
	s0 =	sadd.s32 $0x7D0, s29;
	v15 =	vadd.s32 s1, v1;
	v13 =	vld.idx.msk [tilespmem:v12+s9+$0x0], $0xffff;
	[tilespmem:s28+$0xFFFFFC80] =	vst v2;
	v2 =	vmov v4  }
0x438: {  	s1 =	sadd.s32 $0x1388, s29;
	v14 =	vadd.s32 s0, v1;
	s0 =	sadd.s32 $0xFA0, s29;
	v11 =	vadd.s32 s3, v1;
	s28 =	sadd.s32 $0x400, s28;
	v4 =	vmov v18;
	v16 =	vld.idx.msk [tilespmem:v7+s9+$0x0], $0xffff  }
0x439: {  	v12 =	vadd.s32 s0, v1;
	s0 =	sadd.s32 $0x1770, s29;
	v7 =	vadd.s32 s1, v1;
	v17 =	vld.idx.msk [tilespmem:v6+s9+$0x0], $0xffff;
	[tilespmem:s28+$0x0] =	vst v19  }
0x43a: {  	v6 =	vadd.s32 s0, v1;
	[tilespmem:s28+$0xFFFFFD00] =	vst v20  }
0x43b: {  	_ =	sdelay $0x1  }
0x43c: {  	[tilespmem:s28+$0xFFFFFD80] =	vst v5  }
0x43d: {  	[tilespmem:s28+$0xFFFFFE00] =	vst v8  }
0x43e: {  	v1 =	vld.idx.msk [tilespmem:v15+s9+$0x0], $0xffff;
	[tilespmem:s28+$0xFFFFFC80] =	vst v2  }
0x43f: {  	v3 =	vld.idx.msk [tilespmem:v10+s9+$0x0], $0xffff;
	s0 =	sadd.s32 $0x400, s28;
	[tilespmem:s28+$0xFFFFFE80] =	vst v13  }
0x440: {  	v5 =	vld.idx.msk [tilespmem:v14+s9+$0x0], $0xffff;
	[tilespmem:s0+$0xFFFFFC80] =	vst v4  }
0x441: {  	v8 =	vld.idx.msk [tilespmem:v11+s9+$0x0], $0xffff;
	[tilespmem:s28+$0xFFFFFF00] =	vst v16  }
0x442: {  	v9 =	vld.idx.msk [tilespmem:v12+s9+$0x0], $0xffff;
	[tilespmem:s28+$0xFFFFFF80] =	vst v17  }
0x443: {  	v2 =	vld.idx.msk [tilespmem:v7+s9+$0x0], $0xffff;
	[tilespmem:s0+$0x0] =	vst v1  }
0x444: {  	v1 =	vld.idx.msk [tilespmem:v6+s9+$0x0], $0xffff;
	[tilespmem:s0+$0xFFFFFD00] =	vst v3  }
0x445: {  	[tilespmem:s0+$0xFFFFFD80] =	vst v5  }
0x446: {  	[tilespmem:s0+$0xFFFFFE00] =	vst v8  }
0x447: {  	[tilespmem:s0+$0xFFFFFE80] =	vst v9  }
0x448: {  	[tilespmem:s0+$0xFFFFFF00] =	vst v2  }
0x449: {  	[tilespmem:s0+$0xFFFFFF80] =	vst v1  }
0x44a: {  	v1 =	vld [tilespmem:s26+$0x30];
	_ =	sdelay $0x4  }
0x44b: {  	s31 =	simm.s32 $0x1B58;
	v1 =	vadd.s32 v0, v1  }
0x44c: {  	s1 =	simm.s32 $0x3E8;
	v5 =	vadd.s32 s31, v1  }
0x44d: {  	s3 =	simm.s32 $0x0;
	v3 =	vadd.s32 $0x1F40, v1;
	v6 =	vadd.s32 s1, v1  }
0x44e: {  	v4 =	vadd.s32 s3, v3;
	s3 =	simm.s32 $0x7D0  }
0x44f: {  	s31 =	simm.s32 $0xBB8;
	v7 =	vadd.s32 s3, v1  }
0x450: {  	s1 =	simm.s32 $0xFA0;
	v8 =	vadd.s32 s31, v1;
	v2 =	vld.idx.msk [tilespmem:v1+s9+$0x0], $0xffff  }
0x451: {  	v11 =	vadd.s32 s1, v1;
	s3 =	simm.s32 $0x1388;
	v17 =	vld.idx.msk [tilespmem:v5+s9+$0x0], $0xffff  }
0x452: {  	s31 =	simm.s32 $0x1770;
	v12 =	vadd.s32 s3, v1;
	v19 =	vld.idx.msk [tilespmem:v6+s9+$0x0], $0xffff  }
0x453: {  	s29 =	simm.s32 $0x1F40;
	v18 =	vadd.s32 s31, v1;
	v4 =	vld.idx.msk [tilespmem:v4+s9+$0x0], $0xffff  }
0x454: {  	v9 =	vadd.s32 s29, v3;
	s31 =	simm.s32 $0x3A98;
	v5 =	vld.idx.msk [tilespmem:v7+s9+$0x0], $0xffff  }
0x455: {  	s1 =	simm.s32 $0x2328;
	s3 =	simm.s32 $0x2710;
	v15 =	vadd.s32 s31, v1;
	v8 =	vld.idx.msk [tilespmem:v8+s9+$0x0], $0xffff  }
0x456: {  	s28 =	simm.s32 $0x18230;
	s0 =	simm.s32 $0x2AF8;
	v10 =	vadd.s32 s1, v1;
	s31 =	simm.s32 $0x2EE0;
	v14 =	vadd.s32 s3, v1;
	v13 =	vld.idx.msk [tilespmem:v11+s9+$0x0], $0xffff  }
0x457: {  	s3 =	simm.s32 $0x32C8;
	v11 =	vadd.s32 s0, v1;
	v16 =	vld.idx.msk [tilespmem:v12+s9+$0x0], $0xffff;
	v12 =	vadd.s32 s31, v1;
	s31 =	simm.s32 $0x36B0;
	[tilespmem:s28+$0x0] =	vst v17  }
0x458: {  	s30 =	simm.s32 $0x8;
	v7 =	vadd.s32 s3, v1;
	v6 =	vadd.s32 s31, v1;
	v17 =	vld.idx.msk [tilespmem:v18+s9+$0x0], $0xffff;
	[tilespmem:s28+$0xFFFFFD00] =	vst v19  }
.LBB2_58:
0x459: {  	v18 =	vld.idx.msk [tilespmem:v9+s9+$0x0], $0xffff;
	[tilespmem:s28+$0xFFFFFD80] =	vst v5  }
0x45a: {  	v19 =	vld.idx.msk [tilespmem:v15+s9+$0x0], $0xffff;
	[tilespmem:s28+$0xFFFFFE00] =	vst v8  }
0x45b: {  	s30 =	sadd.s32 $0x8, s30;
	v20 =	vld.idx.msk [tilespmem:v10+s9+$0x0], $0xffff;
	[tilespmem:s28+$0xFFFFFE80] =	vst v13  }
0x45c: {  	s29 =	sadd.s32 $0x1F40, s29;
	p0 =	slt.u32 s30, $0x20;
	v5 =	vld.idx.msk [tilespmem:v14+s9+$0x0], $0xffff;
	[tilespmem:s28+$0xFFFFFF00] =	vst v16  }
.Ltmp27:
0x45d: {  	v9 =	vadd.s32 s29, v3;
	s0 =	sadd.s32 $0x3E8, s29;
	s1 =	sadd.s32 $0x1B58, s29;
	v8 =	vld.idx.msk [tilespmem:v11+s9+$0x0], $0xffff;
	[tilespmem:s28+$0xFFFFFF80] =	vst v17;
	(pc) =	sbr.rel @p0 .LBB2_58-.Ltmp27, $4  }
0x45e: {  	s3 =	sadd.s32 $0xBB8, s29;
	v10 =	vadd.s32 s0, v1;
	s0 =	sadd.s32 $0x7D0, s29;
	v15 =	vadd.s32 s1, v1;
	v13 =	vld.idx.msk [tilespmem:v12+s9+$0x0], $0xffff;
	[tilespmem:s28+$0xFFFFFC80] =	vst v2;
	v2 =	vmov v4  }
0x45f: {  	s1 =	sadd.s32 $0x1388, s29;
	v14 =	vadd.s32 s0, v1;
	s0 =	sadd.s32 $0xFA0, s29;
	v11 =	vadd.s32 s3, v1;
	s28 =	sadd.s32 $0x400, s28;
	v4 =	vmov v18;
	v16 =	vld.idx.msk [tilespmem:v7+s9+$0x0], $0xffff  }
0x460: {  	v12 =	vadd.s32 s0, v1;
	s0 =	sadd.s32 $0x1770, s29;
	v7 =	vadd.s32 s1, v1;
	v17 =	vld.idx.msk [tilespmem:v6+s9+$0x0], $0xffff;
	[tilespmem:s28+$0x0] =	vst v19  }
0x461: {  	v6 =	vadd.s32 s0, v1;
	[tilespmem:s28+$0xFFFFFD00] =	vst v20  }
0x462: {  	_ =	sdelay $0x1  }
0x463: {  	[tilespmem:s28+$0xFFFFFD80] =	vst v5  }
0x464: {  	[tilespmem:s28+$0xFFFFFE00] =	vst v8  }
0x465: {  	v1 =	vld.idx.msk [tilespmem:v15+s9+$0x0], $0xffff;
	[tilespmem:s28+$0xFFFFFC80] =	vst v2  }
0x466: {  	v3 =	vld.idx.msk [tilespmem:v10+s9+$0x0], $0xffff;
	s0 =	sadd.s32 $0x400, s28;
	[tilespmem:s28+$0xFFFFFE80] =	vst v13  }
0x467: {  	v5 =	vld.idx.msk [tilespmem:v14+s9+$0x0], $0xffff;
	[tilespmem:s0+$0xFFFFFC80] =	vst v4  }
0x468: {  	v8 =	vld.idx.msk [tilespmem:v11+s9+$0x0], $0xffff;
	[tilespmem:s28+$0xFFFFFF00] =	vst v16  }
0x469: {  	v9 =	vld.idx.msk [tilespmem:v12+s9+$0x0], $0xffff;
	[tilespmem:s28+$0xFFFFFF80] =	vst v17  }
0x46a: {  	v2 =	vld.idx.msk [tilespmem:v7+s9+$0x0], $0xffff;
	[tilespmem:s0+$0x0] =	vst v1  }
0x46b: {  	v1 =	vld.idx.msk [tilespmem:v6+s9+$0x0], $0xffff;
	[tilespmem:s0+$0xFFFFFD00] =	vst v3  }
0x46c: {  	[tilespmem:s0+$0xFFFFFD80] =	vst v5  }
0x46d: {  	[tilespmem:s0+$0xFFFFFE00] =	vst v8  }
0x46e: {  	[tilespmem:s0+$0xFFFFFE80] =	vst v9  }
0x46f: {  	[tilespmem:s0+$0xFFFFFF00] =	vst v2  }
0x470: {  	[tilespmem:s0+$0xFFFFFF80] =	vst v1  }
0x471: {  	v1 =	vld [tilespmem:s26+$0x40];
	_ =	sdelay $0x4  }
0x472: {  	s31 =	simm.s32 $0x1B58;
	v1 =	vadd.s32 v0, v1  }
0x473: {  	s1 =	simm.s32 $0x3E8;
	v5 =	vadd.s32 s31, v1  }
0x474: {  	s3 =	simm.s32 $0x0;
	v3 =	vadd.s32 $0x1F40, v1;
	v6 =	vadd.s32 s1, v1  }
0x475: {  	v4 =	vadd.s32 s3, v3;
	s3 =	simm.s32 $0x7D0  }
0x476: {  	s31 =	simm.s32 $0xBB8;
	v7 =	vadd.s32 s3, v1  }
0x477: {  	s1 =	simm.s32 $0xFA0;
	v8 =	vadd.s32 s31, v1;
	v2 =	vld.idx.msk [tilespmem:v1+s9+$0x0], $0xffff  }
0x478: {  	v11 =	vadd.s32 s1, v1;
	s3 =	simm.s32 $0x1388;
	v17 =	vld.idx.msk [tilespmem:v5+s9+$0x0], $0xffff  }
0x479: {  	s31 =	simm.s32 $0x1770;
	v12 =	vadd.s32 s3, v1;
	v19 =	vld.idx.msk [tilespmem:v6+s9+$0x0], $0xffff  }
0x47a: {  	s29 =	simm.s32 $0x1F40;
	v18 =	vadd.s32 s31, v1;
	v4 =	vld.idx.msk [tilespmem:v4+s9+$0x0], $0xffff  }
0x47b: {  	v9 =	vadd.s32 s29, v3;
	s31 =	simm.s32 $0x3A98;
	v5 =	vld.idx.msk [tilespmem:v7+s9+$0x0], $0xffff  }
0x47c: {  	s1 =	simm.s32 $0x2328;
	s3 =	simm.s32 $0x2710;
	v15 =	vadd.s32 s31, v1;
	v8 =	vld.idx.msk [tilespmem:v8+s9+$0x0], $0xffff  }
0x47d: {  	s28 =	simm.s32 $0x18240;
	s0 =	simm.s32 $0x2AF8;
	v10 =	vadd.s32 s1, v1;
	s31 =	simm.s32 $0x2EE0;
	v14 =	vadd.s32 s3, v1;
	v13 =	vld.idx.msk [tilespmem:v11+s9+$0x0], $0xffff  }
0x47e: {  	s3 =	simm.s32 $0x32C8;
	v11 =	vadd.s32 s0, v1;
	v16 =	vld.idx.msk [tilespmem:v12+s9+$0x0], $0xffff;
	v12 =	vadd.s32 s31, v1;
	s31 =	simm.s32 $0x36B0;
	[tilespmem:s28+$0x0] =	vst v17  }
0x47f: {  	s30 =	simm.s32 $0x8;
	v7 =	vadd.s32 s3, v1;
	v6 =	vadd.s32 s31, v1;
	v17 =	vld.idx.msk [tilespmem:v18+s9+$0x0], $0xffff;
	[tilespmem:s28+$0xFFFFFD00] =	vst v19  }
.LBB2_60:
0x480: {  	v18 =	vld.idx.msk [tilespmem:v9+s9+$0x0], $0xffff;
	[tilespmem:s28+$0xFFFFFD80] =	vst v5  }
0x481: {  	v19 =	vld.idx.msk [tilespmem:v15+s9+$0x0], $0xffff;
	[tilespmem:s28+$0xFFFFFE00] =	vst v8  }
0x482: {  	s30 =	sadd.s32 $0x8, s30;
	v20 =	vld.idx.msk [tilespmem:v10+s9+$0x0], $0xffff;
	[tilespmem:s28+$0xFFFFFE80] =	vst v13  }
0x483: {  	s29 =	sadd.s32 $0x1F40, s29;
	p0 =	slt.u32 s30, $0x20;
	v5 =	vld.idx.msk [tilespmem:v14+s9+$0x0], $0xffff;
	[tilespmem:s28+$0xFFFFFF00] =	vst v16  }
.Ltmp28:
0x484: {  	v9 =	vadd.s32 s29, v3;
	s0 =	sadd.s32 $0x3E8, s29;
	s1 =	sadd.s32 $0x1B58, s29;
	v8 =	vld.idx.msk [tilespmem:v11+s9+$0x0], $0xffff;
	[tilespmem:s28+$0xFFFFFF80] =	vst v17;
	(pc) =	sbr.rel @p0 .LBB2_60-.Ltmp28, $4  }
0x485: {  	s3 =	sadd.s32 $0xBB8, s29;
	v10 =	vadd.s32 s0, v1;
	s0 =	sadd.s32 $0x7D0, s29;
	v15 =	vadd.s32 s1, v1;
	v13 =	vld.idx.msk [tilespmem:v12+s9+$0x0], $0xffff;
	[tilespmem:s28+$0xFFFFFC80] =	vst v2;
	v2 =	vmov v4  }
0x486: {  	s1 =	sadd.s32 $0x1388, s29;
	v14 =	vadd.s32 s0, v1;
	s0 =	sadd.s32 $0xFA0, s29;
	v11 =	vadd.s32 s3, v1;
	s28 =	sadd.s32 $0x400, s28;
	v4 =	vmov v18;
	v16 =	vld.idx.msk [tilespmem:v7+s9+$0x0], $0xffff  }
0x487: {  	v12 =	vadd.s32 s0, v1;
	s0 =	sadd.s32 $0x1770, s29;
	v7 =	vadd.s32 s1, v1;
	v17 =	vld.idx.msk [tilespmem:v6+s9+$0x0], $0xffff;
	[tilespmem:s28+$0x0] =	vst v19  }
0x488: {  	v6 =	vadd.s32 s0, v1;
	[tilespmem:s28+$0xFFFFFD00] =	vst v20  }
0x489: {  	_ =	sdelay $0x1  }
0x48a: {  	[tilespmem:s28+$0xFFFFFD80] =	vst v5  }
0x48b: {  	[tilespmem:s28+$0xFFFFFE00] =	vst v8  }
0x48c: {  	v1 =	vld.idx.msk [tilespmem:v15+s9+$0x0], $0xffff;
	[tilespmem:s28+$0xFFFFFC80] =	vst v2  }
0x48d: {  	v3 =	vld.idx.msk [tilespmem:v10+s9+$0x0], $0xffff;
	s0 =	sadd.s32 $0x400, s28;
	[tilespmem:s28+$0xFFFFFE80] =	vst v13  }
0x48e: {  	v5 =	vld.idx.msk [tilespmem:v14+s9+$0x0], $0xffff;
	[tilespmem:s0+$0xFFFFFC80] =	vst v4  }
0x48f: {  	v8 =	vld.idx.msk [tilespmem:v11+s9+$0x0], $0xffff;
	[tilespmem:s28+$0xFFFFFF00] =	vst v16  }
0x490: {  	v9 =	vld.idx.msk [tilespmem:v12+s9+$0x0], $0xffff;
	[tilespmem:s28+$0xFFFFFF80] =	vst v17  }
0x491: {  	v2 =	vld.idx.msk [tilespmem:v7+s9+$0x0], $0xffff;
	[tilespmem:s0+$0x0] =	vst v1  }
0x492: {  	v1 =	vld.idx.msk [tilespmem:v6+s9+$0x0], $0xffff;
	[tilespmem:s0+$0xFFFFFD00] =	vst v3  }
0x493: {  	[tilespmem:s0+$0xFFFFFD80] =	vst v5  }
0x494: {  	[tilespmem:s0+$0xFFFFFE00] =	vst v8  }
0x495: {  	[tilespmem:s0+$0xFFFFFE80] =	vst v9  }
0x496: {  	[tilespmem:s0+$0xFFFFFF00] =	vst v2  }
0x497: {  	[tilespmem:s0+$0xFFFFFF80] =	vst v1  }
0x498: {  	v1 =	vld [tilespmem:s26+$0x50];
	_ =	sdelay $0x4  }
0x499: {  	s31 =	simm.s32 $0x1B58;
	v1 =	vadd.s32 v0, v1  }
0x49a: {  	s1 =	simm.s32 $0x3E8;
	v5 =	vadd.s32 s31, v1  }
0x49b: {  	s3 =	simm.s32 $0x0;
	v3 =	vadd.s32 $0x1F40, v1;
	v6 =	vadd.s32 s1, v1  }
0x49c: {  	v4 =	vadd.s32 s3, v3;
	s3 =	simm.s32 $0x7D0  }
0x49d: {  	s31 =	simm.s32 $0xBB8;
	v7 =	vadd.s32 s3, v1  }
0x49e: {  	s1 =	simm.s32 $0xFA0;
	v8 =	vadd.s32 s31, v1;
	v2 =	vld.idx.msk [tilespmem:v1+s9+$0x0], $0xffff  }
0x49f: {  	v11 =	vadd.s32 s1, v1;
	s3 =	simm.s32 $0x1388;
	v17 =	vld.idx.msk [tilespmem:v5+s9+$0x0], $0xffff  }
0x4a0: {  	s31 =	simm.s32 $0x1770;
	v12 =	vadd.s32 s3, v1;
	v19 =	vld.idx.msk [tilespmem:v6+s9+$0x0], $0xffff  }
0x4a1: {  	s29 =	simm.s32 $0x1F40;
	v18 =	vadd.s32 s31, v1;
	v4 =	vld.idx.msk [tilespmem:v4+s9+$0x0], $0xffff  }
0x4a2: {  	v9 =	vadd.s32 s29, v3;
	s31 =	simm.s32 $0x3A98;
	v5 =	vld.idx.msk [tilespmem:v7+s9+$0x0], $0xffff  }
0x4a3: {  	s1 =	simm.s32 $0x2328;
	s3 =	simm.s32 $0x2710;
	v15 =	vadd.s32 s31, v1;
	v8 =	vld.idx.msk [tilespmem:v8+s9+$0x0], $0xffff  }
0x4a4: {  	s28 =	simm.s32 $0x18250;
	s0 =	simm.s32 $0x2AF8;
	v10 =	vadd.s32 s1, v1;
	s31 =	simm.s32 $0x2EE0;
	v14 =	vadd.s32 s3, v1;
	v13 =	vld.idx.msk [tilespmem:v11+s9+$0x0], $0xffff  }
0x4a5: {  	s3 =	simm.s32 $0x32C8;
	v11 =	vadd.s32 s0, v1;
	v16 =	vld.idx.msk [tilespmem:v12+s9+$0x0], $0xffff;
	v12 =	vadd.s32 s31, v1;
	s31 =	simm.s32 $0x36B0;
	[tilespmem:s28+$0x0] =	vst v17  }
0x4a6: {  	s30 =	simm.s32 $0x8;
	v7 =	vadd.s32 s3, v1;
	v6 =	vadd.s32 s31, v1;
	v17 =	vld.idx.msk [tilespmem:v18+s9+$0x0], $0xffff;
	[tilespmem:s28+$0xFFFFFD00] =	vst v19  }
.LBB2_62:
0x4a7: {  	v18 =	vld.idx.msk [tilespmem:v9+s9+$0x0], $0xffff;
	[tilespmem:s28+$0xFFFFFD80] =	vst v5  }
0x4a8: {  	v19 =	vld.idx.msk [tilespmem:v15+s9+$0x0], $0xffff;
	[tilespmem:s28+$0xFFFFFE00] =	vst v8  }
0x4a9: {  	s30 =	sadd.s32 $0x8, s30;
	v20 =	vld.idx.msk [tilespmem:v10+s9+$0x0], $0xffff;
	[tilespmem:s28+$0xFFFFFE80] =	vst v13  }
0x4aa: {  	s29 =	sadd.s32 $0x1F40, s29;
	p0 =	slt.u32 s30, $0x20;
	v5 =	vld.idx.msk [tilespmem:v14+s9+$0x0], $0xffff;
	[tilespmem:s28+$0xFFFFFF00] =	vst v16  }
.Ltmp29:
0x4ab: {  	v9 =	vadd.s32 s29, v3;
	s0 =	sadd.s32 $0x3E8, s29;
	s1 =	sadd.s32 $0x1B58, s29;
	v8 =	vld.idx.msk [tilespmem:v11+s9+$0x0], $0xffff;
	[tilespmem:s28+$0xFFFFFF80] =	vst v17;
	(pc) =	sbr.rel @p0 .LBB2_62-.Ltmp29, $4  }
0x4ac: {  	s3 =	sadd.s32 $0xBB8, s29;
	v10 =	vadd.s32 s0, v1;
	s0 =	sadd.s32 $0x7D0, s29;
	v15 =	vadd.s32 s1, v1;
	v13 =	vld.idx.msk [tilespmem:v12+s9+$0x0], $0xffff;
	[tilespmem:s28+$0xFFFFFC80] =	vst v2;
	v2 =	vmov v4  }
0x4ad: {  	s1 =	sadd.s32 $0x1388, s29;
	v14 =	vadd.s32 s0, v1;
	s0 =	sadd.s32 $0xFA0, s29;
	v11 =	vadd.s32 s3, v1;
	s28 =	sadd.s32 $0x400, s28;
	v4 =	vmov v18;
	v16 =	vld.idx.msk [tilespmem:v7+s9+$0x0], $0xffff  }
0x4ae: {  	v12 =	vadd.s32 s0, v1;
	s0 =	sadd.s32 $0x1770, s29;
	v7 =	vadd.s32 s1, v1;
	v17 =	vld.idx.msk [tilespmem:v6+s9+$0x0], $0xffff;
	[tilespmem:s28+$0x0] =	vst v19  }
0x4af: {  	v6 =	vadd.s32 s0, v1;
	[tilespmem:s28+$0xFFFFFD00] =	vst v20  }
0x4b0: {  	_ =	sdelay $0x1  }
0x4b1: {  	[tilespmem:s28+$0xFFFFFD80] =	vst v5  }
0x4b2: {  	[tilespmem:s28+$0xFFFFFE00] =	vst v8  }
0x4b3: {  	v1 =	vld.idx.msk [tilespmem:v15+s9+$0x0], $0xffff;
	[tilespmem:s28+$0xFFFFFC80] =	vst v2  }
0x4b4: {  	v3 =	vld.idx.msk [tilespmem:v10+s9+$0x0], $0xffff;
	s0 =	sadd.s32 $0x400, s28;
	[tilespmem:s28+$0xFFFFFE80] =	vst v13  }
0x4b5: {  	v5 =	vld.idx.msk [tilespmem:v14+s9+$0x0], $0xffff;
	[tilespmem:s0+$0xFFFFFC80] =	vst v4  }
0x4b6: {  	v8 =	vld.idx.msk [tilespmem:v11+s9+$0x0], $0xffff;
	[tilespmem:s28+$0xFFFFFF00] =	vst v16  }
0x4b7: {  	v9 =	vld.idx.msk [tilespmem:v12+s9+$0x0], $0xffff;
	[tilespmem:s28+$0xFFFFFF80] =	vst v17  }
0x4b8: {  	v2 =	vld.idx.msk [tilespmem:v7+s9+$0x0], $0xffff;
	[tilespmem:s0+$0x0] =	vst v1  }
0x4b9: {  	v1 =	vld.idx.msk [tilespmem:v6+s9+$0x0], $0xffff;
	[tilespmem:s0+$0xFFFFFD00] =	vst v3  }
0x4ba: {  	[tilespmem:s0+$0xFFFFFD80] =	vst v5  }
0x4bb: {  	[tilespmem:s0+$0xFFFFFE00] =	vst v8  }
0x4bc: {  	[tilespmem:s0+$0xFFFFFE80] =	vst v9  }
0x4bd: {  	[tilespmem:s0+$0xFFFFFF00] =	vst v2  }
0x4be: {  	[tilespmem:s0+$0xFFFFFF80] =	vst v1  }
0x4bf: {  	v1 =	vld [tilespmem:s26+$0x60];
	_ =	sdelay $0x4  }
0x4c0: {  	s31 =	simm.s32 $0x1B58;
	v1 =	vadd.s32 v0, v1  }
0x4c1: {  	s1 =	simm.s32 $0x3E8;
	v5 =	vadd.s32 s31, v1  }
0x4c2: {  	s3 =	simm.s32 $0x0;
	v3 =	vadd.s32 $0x1F40, v1;
	v6 =	vadd.s32 s1, v1  }
0x4c3: {  	v4 =	vadd.s32 s3, v3;
	s3 =	simm.s32 $0x7D0  }
0x4c4: {  	s31 =	simm.s32 $0xBB8;
	v7 =	vadd.s32 s3, v1  }
0x4c5: {  	s1 =	simm.s32 $0xFA0;
	v8 =	vadd.s32 s31, v1;
	v2 =	vld.idx.msk [tilespmem:v1+s9+$0x0], $0xffff  }
0x4c6: {  	v11 =	vadd.s32 s1, v1;
	s3 =	simm.s32 $0x1388;
	v17 =	vld.idx.msk [tilespmem:v5+s9+$0x0], $0xffff  }
0x4c7: {  	s31 =	simm.s32 $0x1770;
	v12 =	vadd.s32 s3, v1;
	v19 =	vld.idx.msk [tilespmem:v6+s9+$0x0], $0xffff  }
0x4c8: {  	s29 =	simm.s32 $0x1F40;
	v18 =	vadd.s32 s31, v1;
	v4 =	vld.idx.msk [tilespmem:v4+s9+$0x0], $0xffff  }
0x4c9: {  	v9 =	vadd.s32 s29, v3;
	s31 =	simm.s32 $0x3A98;
	v5 =	vld.idx.msk [tilespmem:v7+s9+$0x0], $0xffff  }
0x4ca: {  	s1 =	simm.s32 $0x2328;
	s3 =	simm.s32 $0x2710;
	v15 =	vadd.s32 s31, v1;
	v8 =	vld.idx.msk [tilespmem:v8+s9+$0x0], $0xffff  }
0x4cb: {  	s28 =	simm.s32 $0x18260;
	s0 =	simm.s32 $0x2AF8;
	v10 =	vadd.s32 s1, v1;
	s31 =	simm.s32 $0x2EE0;
	v14 =	vadd.s32 s3, v1;
	v13 =	vld.idx.msk [tilespmem:v11+s9+$0x0], $0xffff  }
0x4cc: {  	s3 =	simm.s32 $0x32C8;
	v11 =	vadd.s32 s0, v1;
	v16 =	vld.idx.msk [tilespmem:v12+s9+$0x0], $0xffff;
	v12 =	vadd.s32 s31, v1;
	s31 =	simm.s32 $0x36B0;
	[tilespmem:s28+$0x0] =	vst v17  }
0x4cd: {  	s30 =	simm.s32 $0x8;
	v7 =	vadd.s32 s3, v1;
	v6 =	vadd.s32 s31, v1;
	v17 =	vld.idx.msk [tilespmem:v18+s9+$0x0], $0xffff;
	[tilespmem:s28+$0xFFFFFD00] =	vst v19  }
.LBB2_64:
0x4ce: {  	v18 =	vld.idx.msk [tilespmem:v9+s9+$0x0], $0xffff;
	[tilespmem:s28+$0xFFFFFD80] =	vst v5  }
0x4cf: {  	v19 =	vld.idx.msk [tilespmem:v15+s9+$0x0], $0xffff;
	[tilespmem:s28+$0xFFFFFE00] =	vst v8  }
0x4d0: {  	s30 =	sadd.s32 $0x8, s30;
	v20 =	vld.idx.msk [tilespmem:v10+s9+$0x0], $0xffff;
	[tilespmem:s28+$0xFFFFFE80] =	vst v13  }
0x4d1: {  	s29 =	sadd.s32 $0x1F40, s29;
	p0 =	slt.u32 s30, $0x20;
	v5 =	vld.idx.msk [tilespmem:v14+s9+$0x0], $0xffff;
	[tilespmem:s28+$0xFFFFFF00] =	vst v16  }
.Ltmp30:
0x4d2: {  	v9 =	vadd.s32 s29, v3;
	s0 =	sadd.s32 $0x3E8, s29;
	s1 =	sadd.s32 $0x1B58, s29;
	v8 =	vld.idx.msk [tilespmem:v11+s9+$0x0], $0xffff;
	[tilespmem:s28+$0xFFFFFF80] =	vst v17;
	(pc) =	sbr.rel @p0 .LBB2_64-.Ltmp30, $4  }
0x4d3: {  	s3 =	sadd.s32 $0xBB8, s29;
	v10 =	vadd.s32 s0, v1;
	s0 =	sadd.s32 $0x7D0, s29;
	v15 =	vadd.s32 s1, v1;
	v13 =	vld.idx.msk [tilespmem:v12+s9+$0x0], $0xffff;
	[tilespmem:s28+$0xFFFFFC80] =	vst v2;
	v2 =	vmov v4  }
0x4d4: {  	s1 =	sadd.s32 $0x1388, s29;
	v14 =	vadd.s32 s0, v1;
	s0 =	sadd.s32 $0xFA0, s29;
	v11 =	vadd.s32 s3, v1;
	s28 =	sadd.s32 $0x400, s28;
	v4 =	vmov v18;
	v16 =	vld.idx.msk [tilespmem:v7+s9+$0x0], $0xffff  }
0x4d5: {  	v12 =	vadd.s32 s0, v1;
	s0 =	sadd.s32 $0x1770, s29;
	v7 =	vadd.s32 s1, v1;
	v17 =	vld.idx.msk [tilespmem:v6+s9+$0x0], $0xffff;
	[tilespmem:s28+$0x0] =	vst v19  }
0x4d6: {  	v6 =	vadd.s32 s0, v1;
	[tilespmem:s28+$0xFFFFFD00] =	vst v20  }
0x4d7: {  	_ =	sdelay $0x1  }
0x4d8: {  	[tilespmem:s28+$0xFFFFFD80] =	vst v5  }
0x4d9: {  	[tilespmem:s28+$0xFFFFFE00] =	vst v8  }
0x4da: {  	v1 =	vld.idx.msk [tilespmem:v15+s9+$0x0], $0xffff;
	[tilespmem:s28+$0xFFFFFC80] =	vst v2  }
0x4db: {  	v3 =	vld.idx.msk [tilespmem:v10+s9+$0x0], $0xffff;
	s0 =	sadd.s32 $0x400, s28;
	[tilespmem:s28+$0xFFFFFE80] =	vst v13  }
0x4dc: {  	v5 =	vld.idx.msk [tilespmem:v14+s9+$0x0], $0xffff;
	[tilespmem:s0+$0xFFFFFC80] =	vst v4  }
0x4dd: {  	v8 =	vld.idx.msk [tilespmem:v11+s9+$0x0], $0xffff;
	[tilespmem:s28+$0xFFFFFF00] =	vst v16  }
0x4de: {  	v9 =	vld.idx.msk [tilespmem:v12+s9+$0x0], $0xffff;
	[tilespmem:s28+$0xFFFFFF80] =	vst v17  }
0x4df: {  	v2 =	vld.idx.msk [tilespmem:v7+s9+$0x0], $0xffff;
	[tilespmem:s0+$0x0] =	vst v1  }
0x4e0: {  	v1 =	vld.idx.msk [tilespmem:v6+s9+$0x0], $0xffff;
	[tilespmem:s0+$0xFFFFFD00] =	vst v3  }
0x4e1: {  	[tilespmem:s0+$0xFFFFFD80] =	vst v5  }
0x4e2: {  	[tilespmem:s0+$0xFFFFFE00] =	vst v8  }
0x4e3: {  	[tilespmem:s0+$0xFFFFFE80] =	vst v9  }
0x4e4: {  	[tilespmem:s0+$0xFFFFFF00] =	vst v2  }
0x4e5: {  	[tilespmem:s0+$0xFFFFFF80] =	vst v1  }
0x4e6: {  	v1 =	vld [tilespmem:s26+$0x70];
	_ =	sdelay $0x4  }
0x4e7: {  	s31 =	simm.s32 $0x1B58;
	v2 =	vadd.s32 v0, v1  }
0x4e8: {  	s1 =	simm.s32 $0x3E8;
	v5 =	vadd.s32 s31, v2  }
0x4e9: {  	s3 =	simm.s32 $0xBB8;
	v6 =	vadd.s32 s1, v2  }
0x4ea: {  	s1 =	simm.s32 $0x7D0;
	v8 =	vadd.s32 s3, v2  }
0x4eb: {  	s26 =	simm.s32 $0xFA0;
	v7 =	vadd.s32 s1, v2  }
0x4ec: {  	s30 =	simm.s32 $0x0;
	v4 =	vadd.s32 $0x1F40, v2;
	v11 =	vadd.s32 s26, v2;
	v3 =	vld.idx.msk [tilespmem:v2+s9+$0x0], $0xffff  }
0x4ed: {  	v1 =	vadd.s32 s30, v4;
	s30 =	simm.s32 $0x1388;
	v17 =	vld.idx.msk [tilespmem:v5+s9+$0x0], $0xffff  }
0x4ee: {  	s31 =	simm.s32 $0x1770;
	v12 =	vadd.s32 s30, v2;
	v19 =	vld.idx.msk [tilespmem:v6+s9+$0x0], $0xffff  }
0x4ef: {  	s28 =	simm.s32 $0x1F40;
	v18 =	vadd.s32 s31, v2;
	v8 =	vld.idx.msk [tilespmem:v8+s9+$0x0], $0xffff  }
0x4f0: {  	v9 =	vadd.s32 s28, v4;
	s30 =	simm.s32 $0x3A98;
	v5 =	vld.idx.msk [tilespmem:v7+s9+$0x0], $0xffff  }
0x4f1: {  	s3 =	simm.s32 $0x2710;
	s1 =	simm.s32 $0x2328;
	v15 =	vadd.s32 s30, v2;
	v13 =	vld.idx.msk [tilespmem:v11+s9+$0x0], $0xffff  }
0x4f2: {  	s26 =	simm.s32 $0x18270;
	s31 =	simm.s32 $0x2AF8;
	v14 =	vadd.s32 s3, v2;
	v10 =	vadd.s32 s1, v2;
	s30 =	simm.s32 $0x32C8;
	v1 =	vld.idx.msk [tilespmem:v1+s9+$0x0], $0xffff  }
0x4f3: {  	s3 =	simm.s32 $0x2EE0;
	v11 =	vadd.s32 s31, v2;
	s31 =	simm.s32 $0x36B0;
	v7 =	vadd.s32 s30, v2;
	v16 =	vld.idx.msk [tilespmem:v12+s9+$0x0], $0xffff;
	[tilespmem:s26+$0x0] =	vst v17  }
0x4f4: {  	s29 =	simm.s32 $0x8;
	v6 =	vadd.s32 s31, v2;
	v12 =	vadd.s32 s3, v2;
	v17 =	vld.idx.msk [tilespmem:v18+s9+$0x0], $0xffff;
	[tilespmem:s26+$0xFFFFFD00] =	vst v19  }
.LBB2_66:
0x4f5: {  	v18 =	vld.idx.msk [tilespmem:v9+s9+$0x0], $0xffff;
	[tilespmem:s26+$0xFFFFFD80] =	vst v5  }
0x4f6: {  	v19 =	vld.idx.msk [tilespmem:v15+s9+$0x0], $0xffff;
	[tilespmem:s26+$0xFFFFFE00] =	vst v8  }
0x4f7: {  	s29 =	sadd.s32 $0x8, s29;
	v20 =	vld.idx.msk [tilespmem:v10+s9+$0x0], $0xffff;
	[tilespmem:s26+$0xFFFFFE80] =	vst v13  }
0x4f8: {  	s28 =	sadd.s32 $0x1F40, s28;
	p0 =	slt.u32 s29, $0x20;
	v5 =	vld.idx.msk [tilespmem:v14+s9+$0x0], $0xffff;
	[tilespmem:s26+$0xFFFFFF00] =	vst v16  }
.Ltmp31:
0x4f9: {  	v9 =	vadd.s32 s28, v4;
	s0 =	sadd.s32 $0x3E8, s28;
	s1 =	sadd.s32 $0x1B58, s28;
	v8 =	vld.idx.msk [tilespmem:v11+s9+$0x0], $0xffff;
	[tilespmem:s26+$0xFFFFFF80] =	vst v17;
	(pc) =	sbr.rel @p0 .LBB2_66-.Ltmp31, $4  }
0x4fa: {  	s3 =	sadd.s32 $0xBB8, s28;
	v10 =	vadd.s32 s0, v2;
	s0 =	sadd.s32 $0x7D0, s28;
	v15 =	vadd.s32 s1, v2;
	v13 =	vld.idx.msk [tilespmem:v12+s9+$0x0], $0xffff;
	[tilespmem:s26+$0xFFFFFC80] =	vst v3;
	v3 =	vmov v1  }
0x4fb: {  	s1 =	sadd.s32 $0x1388, s28;
	v14 =	vadd.s32 s0, v2;
	s0 =	sadd.s32 $0xFA0, s28;
	v11 =	vadd.s32 s3, v2;
	s26 =	sadd.s32 $0x400, s26;
	v1 =	vmov v18;
	v16 =	vld.idx.msk [tilespmem:v7+s9+$0x0], $0xffff  }
0x4fc: {  	v12 =	vadd.s32 s0, v2;
	s0 =	sadd.s32 $0x1770, s28;
	v7 =	vadd.s32 s1, v2;
	v17 =	vld.idx.msk [tilespmem:v6+s9+$0x0], $0xffff;
	[tilespmem:s26+$0x0] =	vst v19  }
0x4fd: {  	v6 =	vadd.s32 s0, v2;
	[tilespmem:s26+$0xFFFFFD00] =	vst v20  }
0x4fe: {  	_ =	sdelay $0x1  }
0x4ff: {  	[tilespmem:s26+$0xFFFFFD80] =	vst v5  }
0x500: {  	[tilespmem:s26+$0xFFFFFE00] =	vst v8  }
0x501: {  	v2 =	vld.idx.msk [tilespmem:v15+s9+$0x0], $0xffff;
	[tilespmem:s26+$0xFFFFFC80] =	vst v3  }
0x502: {  	v4 =	vld.idx.msk [tilespmem:v10+s9+$0x0], $0xffff;
	s0 =	sadd.s32 $0x400, s26;
	[tilespmem:s26+$0xFFFFFE80] =	vst v13  }
0x503: {  	v62 =	vld.idx.msk [tilespmem:v14+s9+$0x0], $0xffff;
	[tilespmem:s0+$0xFFFFFC80] =	vst v1  }
0x504: {  	v63 =	vld.idx.msk [tilespmem:v11+s9+$0x0], $0xffff;
	[tilespmem:s26+$0xFFFFFF00] =	vst v16  }
0x505: {  	v9 =	vld.idx.msk [tilespmem:v12+s9+$0x0], $0xffff;
	[tilespmem:s26+$0xFFFFFF80] =	vst v17  }
0x506: {  	v3 =	vld.idx.msk [tilespmem:v7+s9+$0x0], $0xffff;
	s1 =	smul.u32 $0x3E8, s25;
	[tilespmem:s0+$0x0] =	vst v2  }
0x507: {  	s24 =	sadd.s32 $0x1, s24;
	v2 =	vld.idx.msk [tilespmem:v6+s9+$0x0], $0xffff;
	[tilespmem:s0+$0xFFFFFD00] =	vst v4  }
0x508: {  	p0 =	sne.s32 s24, $0x5;
	s1 =	sadd.s32 s22, s1;
	[tilespmem:s0+$0xFFFFFD80] =	vst v62  }
.Ltmp32:
0x509: {  	s1 =	sshll.u32 s1, $0xC;
	[tilespmem:s0+$0xFFFFFE00] =	vst v63;
	(pc) =	sbr.rel @p0 .LBB2_3-.Ltmp32, $4  }
0x50a: {  	s1 =	sor.u32 s6, s1;
	[tilespmem:s0+$0xFFFFFE80] =	vst v9  }
0x50b: {  	[tilespmem:s0+$0xFFFFFF00] =	vst v3;
	s1 =	sshrl.u32 s1, $0x3  }
0x50c: {  	s31 =	sadd.s32 s2, s1;
	[tilespmem:s0+$0xFFFFFF80] =	vst v2  }
0x50d: {  	[hbm4b:s31+s10] =	stream.strided.scatter [tilespmem:s15], [sflag:$0x6], $0x1400, s11, s10, $0x38;
	[tilespmem:$0x19280] =	vst v63  }
0x50e: {  	s21 =	sadd.s32 $0x1, s21  }
0x50f: {  	p0 =	sne.s32 s21, $0x19  }
.Ltmp33:
0x510: {  	_ = 	snop;
	(pc) =	sbr.rel @p0 .LBB2_2-.Ltmp33, $1  }
0x511: {  	_ =	sdelay $0x3  }
0x512: {  	_ =	swait.ge [sflag:s16], $0x1400  }
0x513: {  	[sflag:s16] =	ssyncset.done $0x0  }
0x514: {  	[sflag:s16] =	ssyncadd.s32 $0xFFFFEC00  }
0x515: {  	_ =	swait.ge [sflag:s17], $0x1400  }
0x516: {  	[sflag:s17] =	ssyncset.done $0x0  }
0x517: {  	s20 =	sadd.s32 $0x1, s20;
	[sflag:s17] =	ssyncadd.s32 $0xFFFFEC00  }
0x518: {  	p0 =	sne.s32 s20, s7;
	_ =	swait.ge [sflag:s18], $0x1400  }
.Ltmp34:
0x519: {  	[sflag:s18] =	ssyncset.done $0x0;
	(pc) =	sbr.rel @p0 .LBB2_1-.Ltmp34, $4  }
0x51a: {  	[sflag:s18] =	ssyncadd.s32 $0xFFFFEC00  }
0x51b: {  	_ =	swait.ge [sflag:s19], $0x1400  }
0x51c: {  	[sflag:s19] =	ssyncset.done $0x0  }
0x51d: {  	[sflag:s19] =	ssyncadd.s32 $0xFFFFEC00  }
0x51e: {  	_ =	sfence.sel $0x180000  }
0x51f: {  	[bflag:$0x0] =	sbarrier.arrive $0xFFFF  }
0x520: {  	_ =	strace $0x90000047  }
0x521: {  	s0 =	stileid.u32;
	[bflag:$0x2] =	sbarrier.arrive $0xFFFF  }
0x522: {  	p0 =	sne.s32 s0, $0x0;
	s0 =	rddreg [dreg:$0x2]  }
0x523: {  	s0 =	sadd.s32 @!p0 $0x100000, s0  }
0x524: {  	[sflag:s0] =	ssyncadd.tile.s32 @!p0 $0x1;
	_ =	shalt  }
.Lfunc_end2:
_tile_overlayer_lowered:
.L_overlay_start_2:
0x525: {  	(tag) =	ssettag $0x2  }
0x526: {  	s0 =	rddreg [dreg:$0x0];
	s2 =	stileid.u32  }
0x527: {  	s1 =	rddreg [dreg:$0x1];
	p0 =	sne.s32 s2, $0x0  }
0x528: {  	s3 =	rddreg [dreg:$0x2];
	[bflag:$0x3] =	sbarrier.arrive $0xFFFF;
	s2 =	simm.s32 @!p0 $0x1C07  }
0x529: {  	[timem:s3], [sflag:s2] =	dma.local @!p0 [hbm:s0], s1  }
0x52a: {  	s0 =	simm.s32 @!p0 $0x7  }
0x52b: {  	_ =	swait.ge @!p0 [sflag:s0], s1  }
0x52c: {  	s1 =	ssub.s32 @!p0 $0x0, s1;
	[sflag:s0] =	ssyncset.done @!p0 $0x0  }
0x52d: {  	[sflag:s0] =	ssyncadd.s32 @!p0 s1  }
0x52e: {  	[bflag:$0x3] =	sbarrier.arrive $0xFFFF  }
0x52f: {  	_ =	shalt  }

</sc_bundles>
